<compile_context>
chip_gen: v7x
topology: tpu7x:2x2x1
jax: 0.10.2.dev20260603
libtpu: 0.0.44.dev20260713+nightly
codegen_flags: <defaults>
</compile_context>

<pallas_src>
import functools

import jax
import jax.numpy as jnp
from jax import lax
from jax.experimental import pallas as pl
from jax.experimental.pallas import tpu as pltpu
from jax.experimental.pallas import tpu_sc as plsc

NW = 32
CH = 4
PAD = 8
NBUF = 2
LANES = 16
U = 16
NACC = 4


def _sc_body(idxp_ref, pidx_ref, table_ref, tablef_ref,
             out_ref, s_ref, picked_ref,
             idx_v, pidx_v, s_v, picked_v, b0, b1,
             in0, in1, out0, out1, pk_sem):
    n, c = out_ref.shape
    per_w = n // NW
    nch = per_w // CH
    wid = lax.axis_index("s") * 2 + lax.axis_index("c")
    base = wid * per_w
    bufs = (b0, b1)
    insems = (in0, in1)
    outsems = (out0, out1)

    pltpu.sync_copy(idxp_ref.at[pl.ds(wid * (nch * PAD), nch * PAD)], idx_v)
    pltpu.sync_copy(pidx_ref.at[pl.ds(base, per_w)], pidx_v)
    pk_copy = pltpu.make_async_copy(tablef_ref.at[pidx_v], picked_v, pk_sem)
    pk_copy.start()

    def gat(j, t):
        return pltpu.make_async_copy(
            table_ref.at[idx_v.at[pl.ds(j * PAD, CH)]], bufs[t], insems[t])

    def sct(j, t):
        return pltpu.make_async_copy(
            bufs[t], out_ref.at[pl.ds(base + j * CH, CH)], outsems[t])

    def compute(buf, j):
        off = j * CH
        for r in range(CH):
            def col_step(k, accs):
                accs = list(accs)
                for u in range(U):
                    v = buf[r, pl.ds((k * U + u) * LANES, LANES)]
                    accs[u % NACC] = accs[u % NACC] + jnp.exp(v)
                return tuple(accs)
            z = jnp.zeros((LANES,), jnp.float32)
            accs = lax.fori_loop(0, c // (LANES * U), col_step,
                                 (z,) * NACC)
            s_v[off + r] = sum(accs[1:], accs[0])

    for t in range(NBUF):
        gat(t, t).start()

    def slot_step(j, t):
        gat(j, t).wait()
        sct(j, t).start()
        compute(bufs[t], j)
        sct(j, t).wait()

        @pl.when(j + NBUF < nch)
        def _():
            gat(j + NBUF, t).start()

    def body(m, carry):
        for t in range(NBUF):
            slot_step(m * NBUF + t, t)
        return carry

    lax.fori_loop(0, nch // NBUF, body, 0)
    for jt in range(nch - nch % NBUF, nch):
        slot_step(jt, jt % NBUF)

    pk_copy.wait()
    pltpu.sync_copy(s_v, s_ref.at[pl.ds(base, per_w)])
    pltpu.sync_copy(picked_v, picked_ref.at[pl.ds(base, per_w)])


def _loss_body(s_ref, picked_ref, loss_ref):
    n = s_ref.shape[0]
    s = jnp.sum(s_ref[...], axis=1)
    total = jnp.sum(jnp.log(s)) - jnp.sum(picked_ref[...])
    loss_ref[0] = total / n


@jax.jit
def kernel(input_tensor, target_tensor, table):
    b, t = input_tensor.shape
    n = b * t
    v, c = table.shape
    idx = input_tensor.reshape(n)
    tgt = target_tensor.reshape(n)
    per_w = n // NW
    nch = per_w // CH

    mesh = plsc.VectorSubcoreMesh(core_axis_name="c", subcore_axis_name="s")
    sc = pl.kernel(
        _sc_body,
        mesh=mesh,
        out_type=[
            jax.ShapeDtypeStruct((n, c), jnp.float32),
            jax.ShapeDtypeStruct((n, LANES), jnp.float32),
            jax.ShapeDtypeStruct((n,), jnp.float32),
        ],
        scratch_types=[
            pltpu.VMEM((nch * PAD,), jnp.int32),
            pltpu.VMEM((per_w,), jnp.int32),
            pltpu.VMEM((per_w, LANES), jnp.float32),
            pltpu.VMEM((per_w,), jnp.float32),
            pltpu.VMEM((CH, c), jnp.float32),
            pltpu.VMEM((CH, c), jnp.float32),
            pltpu.SemaphoreType.DMA,
            pltpu.SemaphoreType.DMA,
            pltpu.SemaphoreType.DMA,
            pltpu.SemaphoreType.DMA,
            pltpu.SemaphoreType.DMA,
        ],
    )
    groups = idx.reshape(n // CH, CH)
    idxp = jnp.concatenate(
        [groups, jnp.zeros_like(groups)], axis=1).reshape(-1)
    pidx = idx * c + tgt
    logits, s, picked = sc(idxp, pidx, table, table.reshape(v * c))

    loss = pl.pallas_call(
        _loss_body,
        grid=(),
        in_specs=[
            pl.BlockSpec(memory_space=pltpu.VMEM),
            pl.BlockSpec(memory_space=pltpu.VMEM),
        ],
        out_specs=pl.BlockSpec(memory_space=pltpu.SMEM),
        out_shape=jax.ShapeDtypeStruct((1,), jnp.float32),
    )(s, picked.reshape(n, 1))
    return logits, loss[0]

# --- scband reference (transcript-rebuilt; emitter-appended) ---
"""Pipeline reference for scband-bigram-module-21577915695564 (READ-ONLY COPY).

The authoritative reference and input builder live on the scoring server;
editing this copy changes nothing except your own understanding.
"""

import jax, jax.numpy as jnp
import numpy as np

SIZE = 8192
B, T = 16, 512

def setup_inputs(seed: int = 0) -> dict:
    key = jax.random.key(seed)
    k1, k2, k3 = jax.random.split(key, 3)
    input_tensor = jax.random.randint(k1, (B, T), 0, SIZE, dtype=jnp.int32)
    target_tensor = jax.random.randint(k2, (B, T), 0, SIZE, dtype=jnp.int32)
    # learned parameter: nn.Embedding(size, size) weight, default init ~ N(0,1)
    table = jax.random.normal(k3, (SIZE, SIZE), dtype=jnp.float32)
    return {"input_tensor": input_tensor, "target_tensor": target_tensor, "table": table}

def reference(input_tensor, target_tensor, table):
    # logits = embedding lookup: [B, T, C]
    logits = jnp.take(table, input_tensor, axis=0)
    b, t, c = logits.shape
    logits2 = logits.reshape(b * t, c)
    tgt = target_tensor.reshape(b * t)
    # cross_entropy with mean reduction (matches F.cross_entropy)
    logZ = jax.scipy.special.logsumexp(logits2, axis=-1)
    picked = jnp.take_along_axis(logits2, tgt[:, None].astype(jnp.int32), axis=1)[:, 0]
    loss = jnp.mean(logZ - picked)
    return (logits2, loss)

if __name__ == "__main__":
    import jax
    _d = setup_inputs()
    print(jax.jit(kernel)(*tuple(_d.values())))

</pallas_src>

<mosaic_0001>
#map = affine_map<(d0, d1) -> (0)>
#map1 = affine_map<(d0, d1) -> (0, 0)>
module attributes {stable_mosaic.version = 14 : i64} {
  func.func @_sc_body(%arg0: i32, %arg1: i32, %arg2: memref<16384xi32, #tpu.memory_space<hbm>>, %arg3: memref<8192xi32, #tpu.memory_space<hbm>>, %arg4: memref<8192x8192xf32, #tpu.memory_space<hbm>>, %arg5: memref<67108864xf32, #tpu.memory_space<hbm>>, %arg6: memref<8192x8192xf32, #tpu.memory_space<hbm>>, %arg7: memref<8192x16xf32, #tpu.memory_space<hbm>>, %arg8: memref<8192xf32, #tpu.memory_space<hbm>>, %arg9: memref<512xi32, #tpu.memory_space<vmem>>, %arg10: memref<256xi32, #tpu.memory_space<vmem>>, %arg11: memref<256x16xf32, #tpu.memory_space<vmem>>, %arg12: memref<256xf32, #tpu.memory_space<vmem>>, %arg13: memref<4x8192xf32, #tpu.memory_space<vmem>>, %arg14: memref<4x8192xf32, #tpu.memory_space<vmem>>, %arg15: memref<!tpu.dma_semaphore, #tpu.memory_space<semaphore_mem>>, %arg16: memref<!tpu.dma_semaphore, #tpu.memory_space<semaphore_mem>>, %arg17: memref<!tpu.dma_semaphore, #tpu.memory_space<semaphore_mem>>, %arg18: memref<!tpu.dma_semaphore, #tpu.memory_space<semaphore_mem>>, %arg19: memref<!tpu.dma_semaphore, #tpu.memory_space<semaphore_mem>>) attributes {dimension_semantics = [#tpu.dimension_semantics<core_parallel>, #tpu.dimension_semantics<subcore_parallel>], iteration_bounds = array<i64: 2, 16>, scalar_prefetch = 0 : i64, scratch_operands = 11 : i64, tpu.core_type = #tpu.core_type<sc_vector_subcore>, window_params = [{transform_indices = #map}, {transform_indices = #map}, {transform_indices = #map1}, {transform_indices = #map}, {transform_indices = #map1}, {transform_indices = #map1}, {transform_indices = #map}]} {
    %mul3A = arith.constant 2 : i32
    %mul3A_0 = arith.muli %arg1, %mul3A : i32
    %add3A = arith.addi %mul3A_0, %arg0 : i32
    %mul3A_1 = arith.constant 256 : i32
    %mul3A_2 = arith.muli %add3A, %mul3A_1 : i32
    %mul3A_3 = arith.constant 512 : i32
    %mul3A_4 = arith.muli %add3A, %mul3A_3 : i32
    "tpu.region"() ({
      %run_scoped3A = tpu.sem_alloc : memref<!tpu.dma_semaphore, #tpu.memory_space<semaphore_mem>>
      %dma_start3A_22 = tpu.memref_slice %arg2[%mul3A_4] : memref<16384xi32, #tpu.memory_space<hbm>> -> memref<512xi32, #tpu.memory_space<hbm>>
      %dma_start3A_23 = tpu.memref_slice %arg2[%mul3A_4] : memref<16384xi32, #tpu.memory_space<hbm>> -> memref<512xi32, #tpu.memory_space<hbm>>
      tpu.enqueue_dma source(%dma_start3A_23 : memref<512xi32, #tpu.memory_space<hbm>>) target(%arg9 : memref<512xi32, #tpu.memory_space<vmem>>) target_semaphore(%run_scoped3A : memref<!tpu.dma_semaphore, #tpu.memory_space<semaphore_mem>>)
      %dma_wait3A_24 = tpu.memref_slice %arg2[%mul3A_4] : memref<16384xi32, #tpu.memory_space<hbm>> -> memref<512xi32, #tpu.memory_space<hbm>>
      %dma_wait3A_25 = tpu.memref_slice %arg2[%mul3A_4] : memref<16384xi32, #tpu.memory_space<hbm>> -> memref<512xi32, #tpu.memory_space<hbm>>
      tpu.wait_dma2 semaphore(%run_scoped3A : memref<!tpu.dma_semaphore, #tpu.memory_space<semaphore_mem>>) src(%dma_wait3A_25 : memref<512xi32, #tpu.memory_space<hbm>>) dst(%arg9 : memref<512xi32, #tpu.memory_space<vmem>>)
      tpu.yield
    }) : () -> ()
    "tpu.region"() ({
      %run_scoped3A = tpu.sem_alloc : memref<!tpu.dma_semaphore, #tpu.memory_space<semaphore_mem>>
      %dma_start3A_22 = tpu.memref_slice %arg3[%mul3A_2] : memref<8192xi32, #tpu.memory_space<hbm>> -> memref<256xi32, #tpu.memory_space<hbm>>
      %dma_start3A_23 = tpu.memref_slice %arg3[%mul3A_2] : memref<8192xi32, #tpu.memory_space<hbm>> -> memref<256xi32, #tpu.memory_space<hbm>>
      tpu.enqueue_dma source(%dma_start3A_23 : memref<256xi32, #tpu.memory_space<hbm>>) target(%arg10 : memref<256xi32, #tpu.memory_space<vmem>>) target_semaphore(%run_scoped3A : memref<!tpu.dma_semaphore, #tpu.memory_space<semaphore_mem>>)
      %dma_wait3A_24 = tpu.memref_slice %arg3[%mul3A_2] : memref<8192xi32, #tpu.memory_space<hbm>> -> memref<256xi32, #tpu.memory_space<hbm>>
      %dma_wait3A_25 = tpu.memref_slice %arg3[%mul3A_2] : memref<8192xi32, #tpu.memory_space<hbm>> -> memref<256xi32, #tpu.memory_space<hbm>>
      tpu.wait_dma2 semaphore(%run_scoped3A : memref<!tpu.dma_semaphore, #tpu.memory_space<semaphore_mem>>) src(%dma_wait3A_25 : memref<256xi32, #tpu.memory_space<hbm>>) dst(%arg10 : memref<256xi32, #tpu.memory_space<vmem>>)
      tpu.yield
    }) : () -> ()
    %dma_start3A = arith.constant 0 : i32
    %dma_start3A_5 = tpu.memref_slice %arg5[%dma_start3A] : memref<67108864xf32, #tpu.memory_space<hbm>> -> memref<67108864xf32, #tpu.memory_space<hbm>>
    tpu.enqueue_indirect_dma source(%dma_start3A_5 : memref<67108864xf32, #tpu.memory_space<hbm>>) target(%arg12 : memref<256xf32, #tpu.memory_space<vmem>>) offsets(%arg10 : memref<256xi32, #tpu.memory_space<vmem>>) semaphore(%arg19 : memref<!tpu.dma_semaphore, #tpu.memory_space<semaphore_mem>>)
    %dma_start3A_6 = arith.constant 0 : i32
    %dma_start3A_7 = tpu.memref_slice %arg9[%dma_start3A_6] : memref<512xi32, #tpu.memory_space<vmem>> -> memref<4xi32, #tpu.memory_space<vmem>>
    %dma_start3A_8 = arith.constant 0 : i32
    %dma_start3A_9 = arith.constant 0 : i32
    %dma_start3A_10 = tpu.memref_slice %arg4[%dma_start3A_8, %dma_start3A_9] : memref<8192x8192xf32, #tpu.memory_space<hbm>> -> memref<8192x8192xf32, #tpu.memory_space<hbm>>
    tpu.enqueue_indirect_dma source(%dma_start3A_10 : memref<8192x8192xf32, #tpu.memory_space<hbm>>) target(%arg13 : memref<4x8192xf32, #tpu.memory_space<vmem>>) offsets(%dma_start3A_7 : memref<4xi32, #tpu.memory_space<vmem>>) semaphore(%arg15 : memref<!tpu.dma_semaphore, #tpu.memory_space<semaphore_mem>>)
    %dma_start3A_11 = arith.constant 8 : i32
    %dma_start3A_12 = tpu.memref_slice %arg9[%dma_start3A_11] : memref<512xi32, #tpu.memory_space<vmem>> -> memref<4xi32, #tpu.memory_space<vmem>>
    %dma_start3A_13 = arith.constant 0 : i32
    %dma_start3A_14 = arith.constant 0 : i32
    %dma_start3A_15 = tpu.memref_slice %arg4[%dma_start3A_13, %dma_start3A_14] : memref<8192x8192xf32, #tpu.memory_space<hbm>> -> memref<8192x8192xf32, #tpu.memory_space<hbm>>
    tpu.enqueue_indirect_dma source(%dma_start3A_15 : memref<8192x8192xf32, #tpu.memory_space<hbm>>) target(%arg14 : memref<4x8192xf32, #tpu.memory_space<vmem>>) offsets(%dma_start3A_12 : memref<4xi32, #tpu.memory_space<vmem>>) semaphore(%arg16 : memref<!tpu.dma_semaphore, #tpu.memory_space<semaphore_mem>>)
    %scan3A = arith.constant 0 : i32
    %scan3A_16 = arith.constant 0 : i32
    %scan3A_17 = arith.constant 32 : i32
    %scan3A_18 = arith.addi %scan3A_16, %scan3A_17 : i32
    %scan3A_19 = arith.constant 1 : i32
    scf.for %scan3A_22 = %scan3A_16 to %scan3A_18 step %scan3A_19  : i32 {
      %mul3A_23 = arith.constant 2 : i32
      %mul3A_24 = arith.muli %scan3A_22, %mul3A_23 : i32
      %add3A_25 = arith.constant 0 : i32
      %add3A_26 = arith.addi %mul3A_24, %add3A_25 : i32
      %mul3A_27 = arith.constant 8 : i32
      %mul3A_28 = arith.muli %add3A_26, %mul3A_27 : i32
      %dma_wait3A_29 = tpu.memref_slice %arg9[%mul3A_28] : memref<512xi32, #tpu.memory_space<vmem>> -> memref<4xi32, #tpu.memory_space<vmem>>
      %dma_wait3A_30 = arith.constant 0 : i32
      %dma_wait3A_31 = arith.constant 0 : i32
      %dma_wait3A_32 = tpu.memref_slice %arg4[%dma_wait3A_30, %dma_wait3A_31] : memref<8192x8192xf32, #tpu.memory_space<hbm>> -> memref<8192x8192xf32, #tpu.memory_space<hbm>>
      tpu.wait_indirect_dma semaphore(%arg15 : memref<!tpu.dma_semaphore, #tpu.memory_space<semaphore_mem>>) src(%dma_wait3A_32 : memref<8192x8192xf32, #tpu.memory_space<hbm>>) dst(%arg13 : memref<4x8192xf32, #tpu.memory_space<vmem>>)
      %mul3A_33 = arith.constant 4 : i32
      %mul3A_34 = arith.muli %add3A_26, %mul3A_33 : i32
      %add3A_35 = arith.addi %mul3A_2, %mul3A_34 : i32
      %dma_start3A_36 = arith.constant 0 : i32
      %dma_start3A_37 = tpu.memref_slice %arg6[%add3A_35, %dma_start3A_36] : memref<8192x8192xf32, #tpu.memory_space<hbm>> -> memref<4x8192xf32, #tpu.memory_space<hbm>>
      %dma_start3A_38 = arith.constant 0 : i32
      %dma_start3A_39 = tpu.memref_slice %arg6[%add3A_35, %dma_start3A_38] : memref<8192x8192xf32, #tpu.memory_space<hbm>> -> memref<4x8192xf32, #tpu.memory_space<hbm>>
      tpu.enqueue_dma source(%arg13 : memref<4x8192xf32, #tpu.memory_space<vmem>>) target(%dma_start3A_39 : memref<4x8192xf32, #tpu.memory_space<hbm>>) target_semaphore(%arg17 : memref<!tpu.dma_semaphore, #tpu.memory_space<semaphore_mem>>)
      %mul3A_40 = arith.constant 4 : i32
      %mul3A_41 = arith.muli %add3A_26, %mul3A_40 : i32
      %broadcast_in_dim3A = arith.constant 0.000000e+00 : f32
      %broadcast_in_dim3A_42 = vector.broadcast %broadcast_in_dim3A : f32 to vector<16xf32>
      %scan3A_43 = arith.constant 0 : i32
      %scan3A_44 = arith.constant 32 : i32
      %scan3A_45 = arith.addi %scan3A_43, %scan3A_44 : i32
      %scan3A_46 = arith.constant 1 : i32
      %scan3A_47:4 = scf.for %scan3A_228 = %scan3A_43 to %scan3A_45 step %scan3A_46 iter_args(%scan3A_229 = %broadcast_in_dim3A_42, %scan3A_230 = %broadcast_in_dim3A_42, %scan3A_231 = %broadcast_in_dim3A_42, %scan3A_232 = %broadcast_in_dim3A_42) -> (vector<16xf32>, vector<16xf32>, vector<16xf32>, vector<16xf32>)  : i32 {
        %mul3A_233 = arith.constant 16 : i32
        %mul3A_234 = arith.muli %scan3A_228, %mul3A_233 : i32
        %add3A_235 = arith.constant 0 : i32
        %add3A_236 = arith.addi %mul3A_234, %add3A_235 : i32
        %mul3A_237 = arith.constant 16 : i32
        %mul3A_238 = arith.muli %add3A_236, %mul3A_237 : i32
        %get3A = arith.constant 0 : i32
        %get3A_239 = arith.index_cast %get3A : i32 to index
        %get3A_240 = arith.index_cast %mul3A_238 : i32 to index
        %get3A_241 = tpu.vector_load %arg13[%get3A_239, %get3A_240] {strides = array<i32>} : memref<4x8192xf32, #tpu.memory_space<vmem>>, vector<1x16xf32>,
        %get3A_242 = vector.shape_cast %get3A_241 : vector<1x16xf32> to vector<16xf32>
        %exp3A = math.exp %get3A_242 : vector<16xf32>
        %add3A_243 = arith.addf %scan3A_229, %exp3A : vector<16xf32>
        %mul3A_244 = arith.constant 16 : i32
        %mul3A_245 = arith.muli %scan3A_228, %mul3A_244 : i32
        %add3A_246 = arith.constant 1 : i32
        %add3A_247 = arith.addi %mul3A_245, %add3A_246 : i32
        %mul3A_248 = arith.constant 16 : i32
        %mul3A_249 = arith.muli %add3A_247, %mul3A_248 : i32
        %get3A_250 = arith.constant 0 : i32
        %get3A_251 = arith.index_cast %get3A_250 : i32 to index
        %get3A_252 = arith.index_cast %mul3A_249 : i32 to index
        %get3A_253 = tpu.vector_load %arg13[%get3A_251, %get3A_252] {strides = array<i32>} : memref<4x8192xf32, #tpu.memory_space<vmem>>, vector<1x16xf32>,
        %get3A_254 = vector.shape_cast %get3A_253 : vector<1x16xf32> to vector<16xf32>
        %exp3A_255 = math.exp %get3A_254 : vector<16xf32>
        %add3A_256 = arith.addf %scan3A_230, %exp3A_255 : vector<16xf32>
        %mul3A_257 = arith.constant 16 : i32
        %mul3A_258 = arith.muli %scan3A_228, %mul3A_257 : i32
        %add3A_259 = arith.constant 2 : i32
        %add3A_260 = arith.addi %mul3A_258, %add3A_259 : i32
        %mul3A_261 = arith.constant 16 : i32
        %mul3A_262 = arith.muli %add3A_260, %mul3A_261 : i32
        %get3A_263 = arith.constant 0 : i32
        %get3A_264 = arith.index_cast %get3A_263 : i32 to index
        %get3A_265 = arith.index_cast %mul3A_262 : i32 to index
        %get3A_266 = tpu.vector_load %arg13[%get3A_264, %get3A_265] {strides = array<i32>} : memref<4x8192xf32, #tpu.memory_space<vmem>>, vector<1x16xf32>,
        %get3A_267 = vector.shape_cast %get3A_266 : vector<1x16xf32> to vector<16xf32>
        %exp3A_268 = math.exp %get3A_267 : vector<16xf32>
        %add3A_269 = arith.addf %scan3A_231, %exp3A_268 : vector<16xf32>
        %mul3A_270 = arith.constant 16 : i32
        %mul3A_271 = arith.muli %scan3A_228, %mul3A_270 : i32
        %add3A_272 = arith.constant 3 : i32
        %add3A_273 = arith.addi %mul3A_271, %add3A_272 : i32
        %mul3A_274 = arith.constant 16 : i32
        %mul3A_275 = arith.muli %add3A_273, %mul3A_274 : i32
        %get3A_276 = arith.constant 0 : i32
        %get3A_277 = arith.index_cast %get3A_276 : i32 to index
        %get3A_278 = arith.index_cast %mul3A_275 : i32 to index
        %get3A_279 = tpu.vector_load %arg13[%get3A_277, %get3A_278] {strides = array<i32>} : memref<4x8192xf32, #tpu.memory_space<vmem>>, vector<1x16xf32>,
        %get3A_280 = vector.shape_cast %get3A_279 : vector<1x16xf32> to vector<16xf32>
        %exp3A_281 = math.exp %get3A_280 : vector<16xf32>
        %add3A_282 = arith.addf %scan3A_232, %exp3A_281 : vector<16xf32>
        %mul3A_283 = arith.constant 16 : i32
        %mul3A_284 = arith.muli %scan3A_228, %mul3A_283 : i32
        %add3A_285 = arith.constant 4 : i32
        %add3A_286 = arith.addi %mul3A_284, %add3A_285 : i32
        %mul3A_287 = arith.constant 16 : i32
        %mul3A_288 = arith.muli %add3A_286, %mul3A_287 : i32
        %get3A_289 = arith.constant 0 : i32
        %get3A_290 = arith.index_cast %get3A_289 : i32 to index
        %get3A_291 = arith.index_cast %mul3A_288 : i32 to index
        %get3A_292 = tpu.vector_load %arg13[%get3A_290, %get3A_291] {strides = array<i32>} : memref<4x8192xf32, #tpu.memory_space<vmem>>, vector<1x16xf32>,
        %get3A_293 = vector.shape_cast %get3A_292 : vector<1x16xf32> to vector<16xf32>
        %exp3A_294 = math.exp %get3A_293 : vector<16xf32>
        %add3A_295 = arith.addf %add3A_243, %exp3A_294 : vector<16xf32>
        %mul3A_296 = arith.constant 16 : i32
        %mul3A_297 = arith.muli %scan3A_228, %mul3A_296 : i32
        %add3A_298 = arith.constant 5 : i32
        %add3A_299 = arith.addi %mul3A_297, %add3A_298 : i32
        %mul3A_300 = arith.constant 16 : i32
        %mul3A_301 = arith.muli %add3A_299, %mul3A_300 : i32
        %get3A_302 = arith.constant 0 : i32
        %get3A_303 = arith.index_cast %get3A_302 : i32 to index
        %get3A_304 = arith.index_cast %mul3A_301 : i32 to index
        %get3A_305 = tpu.vector_load %arg13[%get3A_303, %get3A_304] {strides = array<i32>} : memref<4x8192xf32, #tpu.memory_space<vmem>>, vector<1x16xf32>,
        %get3A_306 = vector.shape_cast %get3A_305 : vector<1x16xf32> to vector<16xf32>
        %exp3A_307 = math.exp %get3A_306 : vector<16xf32>
        %add3A_308 = arith.addf %add3A_256, %exp3A_307 : vector<16xf32>
        %mul3A_309 = arith.constant 16 : i32
        %mul3A_310 = arith.muli %scan3A_228, %mul3A_309 : i32
        %add3A_311 = arith.constant 6 : i32
        %add3A_312 = arith.addi %mul3A_310, %add3A_311 : i32
        %mul3A_313 = arith.constant 16 : i32
        %mul3A_314 = arith.muli %add3A_312, %mul3A_313 : i32
        %get3A_315 = arith.constant 0 : i32
        %get3A_316 = arith.index_cast %get3A_315 : i32 to index
        %get3A_317 = arith.index_cast %mul3A_314 : i32 to index
        %get3A_318 = tpu.vector_load %arg13[%get3A_316, %get3A_317] {strides = array<i32>} : memref<4x8192xf32, #tpu.memory_space<vmem>>, vector<1x16xf32>,
        %get3A_319 = vector.shape_cast %get3A_318 : vector<1x16xf32> to vector<16xf32>
        %exp3A_320 = math.exp %get3A_319 : vector<16xf32>
        %add3A_321 = arith.addf %add3A_269, %exp3A_320 : vector<16xf32>
        %mul3A_322 = arith.constant 16 : i32
        %mul3A_323 = arith.muli %scan3A_228, %mul3A_322 : i32
        %add3A_324 = arith.constant 7 : i32
        %add3A_325 = arith.addi %mul3A_323, %add3A_324 : i32
        %mul3A_326 = arith.constant 16 : i32
        %mul3A_327 = arith.muli %add3A_325, %mul3A_326 : i32
        %get3A_328 = arith.constant 0 : i32
        %get3A_329 = arith.index_cast %get3A_328 : i32 to index
        %get3A_330 = arith.index_cast %mul3A_327 : i32 to index
        %get3A_331 = tpu.vector_load %arg13[%get3A_329, %get3A_330] {strides = array<i32>} : memref<4x8192xf32, #tpu.memory_space<vmem>>, vector<1x16xf32>,
        %get3A_332 = vector.shape_cast %get3A_331 : vector<1x16xf32> to vector<16xf32>
        %exp3A_333 = math.exp %get3A_332 : vector<16xf32>
        %add3A_334 = arith.addf %add3A_282, %exp3A_333 : vector<16xf32>
        %mul3A_335 = arith.constant 16 : i32
        %mul3A_336 = arith.muli %scan3A_228, %mul3A_335 : i32
        %add3A_337 = arith.constant 8 : i32
        %add3A_338 = arith.addi %mul3A_336, %add3A_337 : i32
        %mul3A_339 = arith.constant 16 : i32
        %mul3A_340 = arith.muli %add3A_338, %mul3A_339 : i32
        %get3A_341 = arith.constant 0 : i32
        %get3A_342 = arith.index_cast %get3A_341 : i32 to index
        %get3A_343 = arith.index_cast %mul3A_340 : i32 to index
        %get3A_344 = tpu.vector_load %arg13[%get3A_342, %get3A_343] {strides = array<i32>} : memref<4x8192xf32, #tpu.memory_space<vmem>>, vector<1x16xf32>,
        %get3A_345 = vector.shape_cast %get3A_344 : vector<1x16xf32> to vector<16xf32>
        %exp3A_346 = math.exp %get3A_345 : vector<16xf32>
        %add3A_347 = arith.addf %add3A_295, %exp3A_346 : vector<16xf32>
        %mul3A_348 = arith.constant 16 : i32
        %mul3A_349 = arith.muli %scan3A_228, %mul3A_348 : i32
        %add3A_350 = arith.constant 9 : i32
        %add3A_351 = arith.addi %mul3A_349, %add3A_350 : i32
        %mul3A_352 = arith.constant 16 : i32
        %mul3A_353 = arith.muli %add3A_351, %mul3A_352 : i32
        %get3A_354 = arith.constant 0 : i32
        %get3A_355 = arith.index_cast %get3A_354 : i32 to index
        %get3A_356 = arith.index_cast %mul3A_353 : i32 to index
        %get3A_357 = tpu.vector_load %arg13[%get3A_355, %get3A_356] {strides = array<i32>} : memref<4x8192xf32, #tpu.memory_space<vmem>>, vector<1x16xf32>,
        %get3A_358 = vector.shape_cast %get3A_357 : vector<1x16xf32> to vector<16xf32>
        %exp3A_359 = math.exp %get3A_358 : vector<16xf32>
        %add3A_360 = arith.addf %add3A_308, %exp3A_359 : vector<16xf32>
        %mul3A_361 = arith.constant 16 : i32
        %mul3A_362 = arith.muli %scan3A_228, %mul3A_361 : i32
        %add3A_363 = arith.constant 10 : i32
        %add3A_364 = arith.addi %mul3A_362, %add3A_363 : i32
        %mul3A_365 = arith.constant 16 : i32
        %mul3A_366 = arith.muli %add3A_364, %mul3A_365 : i32
        %get3A_367 = arith.constant 0 : i32
        %get3A_368 = arith.index_cast %get3A_367 : i32 to index
        %get3A_369 = arith.index_cast %mul3A_366 : i32 to index
        %get3A_370 = tpu.vector_load %arg13[%get3A_368, %get3A_369] {strides = array<i32>} : memref<4x8192xf32, #tpu.memory_space<vmem>>, vector<1x16xf32>,
        %get3A_371 = vector.shape_cast %get3A_370 : vector<1x16xf32> to vector<16xf32>
        %exp3A_372 = math.exp %get3A_371 : vector<16xf32>
        %add3A_373 = arith.addf %add3A_321, %exp3A_372 : vector<16xf32>
        %mul3A_374 = arith.constant 16 : i32
        %mul3A_375 = arith.muli %scan3A_228, %mul3A_374 : i32
        %add3A_376 = arith.constant 11 : i32
        %add3A_377 = arith.addi %mul3A_375, %add3A_376 : i32
        %mul3A_378 = arith.constant 16 : i32
        %mul3A_379 = arith.muli %add3A_377, %mul3A_378 : i32
        %get3A_380 = arith.constant 0 : i32
        %get3A_381 = arith.index_cast %get3A_380 : i32 to index
        %get3A_382 = arith.index_cast %mul3A_379 : i32 to index
        %get3A_383 = tpu.vector_load %arg13[%get3A_381, %get3A_382] {strides = array<i32>} : memref<4x8192xf32, #tpu.memory_space<vmem>>, vector<1x16xf32>,
        %get3A_384 = vector.shape_cast %get3A_383 : vector<1x16xf32> to vector<16xf32>
        %exp3A_385 = math.exp %get3A_384 : vector<16xf32>
        %add3A_386 = arith.addf %add3A_334, %exp3A_385 : vector<16xf32>
        %mul3A_387 = arith.constant 16 : i32
        %mul3A_388 = arith.muli %scan3A_228, %mul3A_387 : i32
        %add3A_389 = arith.constant 12 : i32
        %add3A_390 = arith.addi %mul3A_388, %add3A_389 : i32
        %mul3A_391 = arith.constant 16 : i32
        %mul3A_392 = arith.muli %add3A_390, %mul3A_391 : i32
        %get3A_393 = arith.constant 0 : i32
        %get3A_394 = arith.index_cast %get3A_393 : i32 to index
        %get3A_395 = arith.index_cast %mul3A_392 : i32 to index
        %get3A_396 = tpu.vector_load %arg13[%get3A_394, %get3A_395] {strides = array<i32>} : memref<4x8192xf32, #tpu.memory_space<vmem>>, vector<1x16xf32>,
        %get3A_397 = vector.shape_cast %get3A_396 : vector<1x16xf32> to vector<16xf32>
        %exp3A_398 = math.exp %get3A_397 : vector<16xf32>
        %add3A_399 = arith.addf %add3A_347, %exp3A_398 : vector<16xf32>
        %mul3A_400 = arith.constant 16 : i32
        %mul3A_401 = arith.muli %scan3A_228, %mul3A_400 : i32
        %add3A_402 = arith.constant 13 : i32
        %add3A_403 = arith.addi %mul3A_401, %add3A_402 : i32
        %mul3A_404 = arith.constant 16 : i32
        %mul3A_405 = arith.muli %add3A_403, %mul3A_404 : i32
        %get3A_406 = arith.constant 0 : i32
        %get3A_407 = arith.index_cast %get3A_406 : i32 to index
        %get3A_408 = arith.index_cast %mul3A_405 : i32 to index
        %get3A_409 = tpu.vector_load %arg13[%get3A_407, %get3A_408] {strides = array<i32>} : memref<4x8192xf32, #tpu.memory_space<vmem>>, vector<1x16xf32>,
        %get3A_410 = vector.shape_cast %get3A_409 : vector<1x16xf32> to vector<16xf32>
        %exp3A_411 = math.exp %get3A_410 : vector<16xf32>
        %add3A_412 = arith.addf %add3A_360, %exp3A_411 : vector<16xf32>
        %mul3A_413 = arith.constant 16 : i32
        %mul3A_414 = arith.muli %scan3A_228, %mul3A_413 : i32
        %add3A_415 = arith.constant 14 : i32
        %add3A_416 = arith.addi %mul3A_414, %add3A_415 : i32
        %mul3A_417 = arith.constant 16 : i32
        %mul3A_418 = arith.muli %add3A_416, %mul3A_417 : i32
        %get3A_419 = arith.constant 0 : i32
        %get3A_420 = arith.index_cast %get3A_419 : i32 to index
        %get3A_421 = arith.index_cast %mul3A_418 : i32 to index
        %get3A_422 = tpu.vector_load %arg13[%get3A_420, %get3A_421] {strides = array<i32>} : memref<4x8192xf32, #tpu.memory_space<vmem>>, vector<1x16xf32>,
        %get3A_423 = vector.shape_cast %get3A_422 : vector<1x16xf32> to vector<16xf32>
        %exp3A_424 = math.exp %get3A_423 : vector<16xf32>
        %add3A_425 = arith.addf %add3A_373, %exp3A_424 : vector<16xf32>
        %mul3A_426 = arith.constant 16 : i32
        %mul3A_427 = arith.muli %scan3A_228, %mul3A_426 : i32
        %add3A_428 = arith.constant 15 : i32
        %add3A_429 = arith.addi %mul3A_427, %add3A_428 : i32
        %mul3A_430 = arith.constant 16 : i32
        %mul3A_431 = arith.muli %add3A_429, %mul3A_430 : i32
        %get3A_432 = arith.constant 0 : i32
        %get3A_433 = arith.index_cast %get3A_432 : i32 to index
        %get3A_434 = arith.index_cast %mul3A_431 : i32 to index
        %get3A_435 = tpu.vector_load %arg13[%get3A_433, %get3A_434] {strides = array<i32>} : memref<4x8192xf32, #tpu.memory_space<vmem>>, vector<1x16xf32>,
        %get3A_436 = vector.shape_cast %get3A_435 : vector<1x16xf32> to vector<16xf32>
        %exp3A_437 = math.exp %get3A_436 : vector<16xf32>
        %add3A_438 = arith.addf %add3A_386, %exp3A_437 : vector<16xf32>
        scf.yield %add3A_399, %add3A_412, %add3A_425, %add3A_438 : vector<16xf32>, vector<16xf32>, vector<16xf32>, vector<16xf32>
      }
      %scan3A_48 = arith.constant 32 : i32
      %add3A_49 = arith.addf %scan3A_47#0, %scan3A_47#1 : vector<16xf32>
      %add3A_50 = arith.addf %add3A_49, %scan3A_47#2 : vector<16xf32>
      %add3A_51 = arith.addf %add3A_50, %scan3A_47#3 : vector<16xf32>
      %add3A_52 = arith.constant 0 : i32
      %add3A_53 = arith.addi %mul3A_41, %add3A_52 : i32
      %swap3A = arith.index_cast %add3A_53 : i32 to index
      %swap3A_54 = arith.constant 0 : index
      %swap3A_55 = tpu.vector_load %arg11[%swap3A, %swap3A_54] {strides = array<i32>} : memref<256x16xf32, #tpu.memory_space<vmem>>, vector<1x16xf32>,
      %swap3A_56 = vector.shape_cast %swap3A_55 : vector<1x16xf32> to vector<16xf32>
      %swap3A_57 = vector.shape_cast %add3A_51 : vector<16xf32> to vector<1x16xf32>
      tpu.vector_store %arg11[%swap3A, %swap3A_54], %swap3A_57 {strides = array<i32>} : memref<256x16xf32, #tpu.memory_space<vmem>>, vector<1x16xf32>,
      %broadcast_in_dim3A_58 = arith.constant 0.000000e+00 : f32
      %broadcast_in_dim3A_59 = vector.broadcast %broadcast_in_dim3A_58 : f32 to vector<16xf32>
      %scan3A_60 = arith.constant 0 : i32
      %scan3A_61 = arith.constant 32 : i32
      %scan3A_62 = arith.addi %scan3A_60, %scan3A_61 : i32
      %scan3A_63 = arith.constant 1 : i32
      %scan3A_64:4 = scf.for %scan3A_228 = %scan3A_60 to %scan3A_62 step %scan3A_63 iter_args(%scan3A_229 = %broadcast_in_dim3A_59, %scan3A_230 = %broadcast_in_dim3A_59, %scan3A_231 = %broadcast_in_dim3A_59, %scan3A_232 = %broadcast_in_dim3A_59) -> (vector<16xf32>, vector<16xf32>, vector<16xf32>, vector<16xf32>)  : i32 {
        %mul3A_233 = arith.constant 16 : i32
        %mul3A_234 = arith.muli %scan3A_228, %mul3A_233 : i32
        %add3A_235 = arith.constant 0 : i32
        %add3A_236 = arith.addi %mul3A_234, %add3A_235 : i32
        %mul3A_237 = arith.constant 16 : i32
        %mul3A_238 = arith.muli %add3A_236, %mul3A_237 : i32
        %get3A = arith.constant 1 : i32
        %get3A_239 = arith.index_cast %get3A : i32 to index
        %get3A_240 = arith.index_cast %mul3A_238 : i32 to index
        %get3A_241 = tpu.vector_load %arg13[%get3A_239, %get3A_240] {strides = array<i32>} : memref<4x8192xf32, #tpu.memory_space<vmem>>, vector<1x16xf32>,
        %get3A_242 = vector.shape_cast %get3A_241 : vector<1x16xf32> to vector<16xf32>
        %exp3A = math.exp %get3A_242 : vector<16xf32>
        %add3A_243 = arith.addf %scan3A_229, %exp3A : vector<16xf32>
        %mul3A_244 = arith.constant 16 : i32
        %mul3A_245 = arith.muli %scan3A_228, %mul3A_244 : i32
        %add3A_246 = arith.constant 1 : i32
        %add3A_247 = arith.addi %mul3A_245, %add3A_246 : i32
        %mul3A_248 = arith.constant 16 : i32
        %mul3A_249 = arith.muli %add3A_247, %mul3A_248 : i32
        %get3A_250 = arith.constant 1 : i32
        %get3A_251 = arith.index_cast %get3A_250 : i32 to index
        %get3A_252 = arith.index_cast %mul3A_249 : i32 to index
        %get3A_253 = tpu.vector_load %arg13[%get3A_251, %get3A_252] {strides = array<i32>} : memref<4x8192xf32, #tpu.memory_space<vmem>>, vector<1x16xf32>,
        %get3A_254 = vector.shape_cast %get3A_253 : vector<1x16xf32> to vector<16xf32>
        %exp3A_255 = math.exp %get3A_254 : vector<16xf32>
        %add3A_256 = arith.addf %scan3A_230, %exp3A_255 : vector<16xf32>
        %mul3A_257 = arith.constant 16 : i32
        %mul3A_258 = arith.muli %scan3A_228, %mul3A_257 : i32
        %add3A_259 = arith.constant 2 : i32
        %add3A_260 = arith.addi %mul3A_258, %add3A_259 : i32
        %mul3A_261 = arith.constant 16 : i32
        %mul3A_262 = arith.muli %add3A_260, %mul3A_261 : i32
        %get3A_263 = arith.constant 1 : i32
        %get3A_264 = arith.index_cast %get3A_263 : i32 to index
        %get3A_265 = arith.index_cast %mul3A_262 : i32 to index
        %get3A_266 = tpu.vector_load %arg13[%get3A_264, %get3A_265] {strides = array<i32>} : memref<4x8192xf32, #tpu.memory_space<vmem>>, vector<1x16xf32>,
        %get3A_267 = vector.shape_cast %get3A_266 : vector<1x16xf32> to vector<16xf32>
        %exp3A_268 = math.exp %get3A_267 : vector<16xf32>
        %add3A_269 = arith.addf %scan3A_231, %exp3A_268 : vector<16xf32>
        %mul3A_270 = arith.constant 16 : i32
        %mul3A_271 = arith.muli %scan3A_228, %mul3A_270 : i32
        %add3A_272 = arith.constant 3 : i32
        %add3A_273 = arith.addi %mul3A_271, %add3A_272 : i32
        %mul3A_274 = arith.constant 16 : i32
        %mul3A_275 = arith.muli %add3A_273, %mul3A_274 : i32
        %get3A_276 = arith.constant 1 : i32
        %get3A_277 = arith.index_cast %get3A_276 : i32 to index
        %get3A_278 = arith.index_cast %mul3A_275 : i32 to index
        %get3A_279 = tpu.vector_load %arg13[%get3A_277, %get3A_278] {strides = array<i32>} : memref<4x8192xf32, #tpu.memory_space<vmem>>, vector<1x16xf32>,
        %get3A_280 = vector.shape_cast %get3A_279 : vector<1x16xf32> to vector<16xf32>
        %exp3A_281 = math.exp %get3A_280 : vector<16xf32>
        %add3A_282 = arith.addf %scan3A_232, %exp3A_281 : vector<16xf32>
        %mul3A_283 = arith.constant 16 : i32
        %mul3A_284 = arith.muli %scan3A_228, %mul3A_283 : i32
        %add3A_285 = arith.constant 4 : i32
        %add3A_286 = arith.addi %mul3A_284, %add3A_285 : i32
        %mul3A_287 = arith.constant 16 : i32
        %mul3A_288 = arith.muli %add3A_286, %mul3A_287 : i32
        %get3A_289 = arith.constant 1 : i32
        %get3A_290 = arith.index_cast %get3A_289 : i32 to index
        %get3A_291 = arith.index_cast %mul3A_288 : i32 to index
        %get3A_292 = tpu.vector_load %arg13[%get3A_290, %get3A_291] {strides = array<i32>} : memref<4x8192xf32, #tpu.memory_space<vmem>>, vector<1x16xf32>,
        %get3A_293 = vector.shape_cast %get3A_292 : vector<1x16xf32> to vector<16xf32>
        %exp3A_294 = math.exp %get3A_293 : vector<16xf32>
        %add3A_295 = arith.addf %add3A_243, %exp3A_294 : vector<16xf32>
        %mul3A_296 = arith.constant 16 : i32
        %mul3A_297 = arith.muli %scan3A_228, %mul3A_296 : i32
        %add3A_298 = arith.constant 5 : i32
        %add3A_299 = arith.addi %mul3A_297, %add3A_298 : i32
        %mul3A_300 = arith.constant 16 : i32
        %mul3A_301 = arith.muli %add3A_299, %mul3A_300 : i32
        %get3A_302 = arith.constant 1 : i32
        %get3A_303 = arith.index_cast %get3A_302 : i32 to index
        %get3A_304 = arith.index_cast %mul3A_301 : i32 to index
        %get3A_305 = tpu.vector_load %arg13[%get3A_303, %get3A_304] {strides = array<i32>} : memref<4x8192xf32, #tpu.memory_space<vmem>>, vector<1x16xf32>,
        %get3A_306 = vector.shape_cast %get3A_305 : vector<1x16xf32> to vector<16xf32>
        %exp3A_307 = math.exp %get3A_306 : vector<16xf32>
        %add3A_308 = arith.addf %add3A_256, %exp3A_307 : vector<16xf32>
        %mul3A_309 = arith.constant 16 : i32
        %mul3A_310 = arith.muli %scan3A_228, %mul3A_309 : i32
        %add3A_311 = arith.constant 6 : i32
        %add3A_312 = arith.addi %mul3A_310, %add3A_311 : i32
        %mul3A_313 = arith.constant 16 : i32
        %mul3A_314 = arith.muli %add3A_312, %mul3A_313 : i32
        %get3A_315 = arith.constant 1 : i32
        %get3A_316 = arith.index_cast %get3A_315 : i32 to index
        %get3A_317 = arith.index_cast %mul3A_314 : i32 to index
        %get3A_318 = tpu.vector_load %arg13[%get3A_316, %get3A_317] {strides = array<i32>} : memref<4x8192xf32, #tpu.memory_space<vmem>>, vector<1x16xf32>,
        %get3A_319 = vector.shape_cast %get3A_318 : vector<1x16xf32> to vector<16xf32>
        %exp3A_320 = math.exp %get3A_319 : vector<16xf32>
        %add3A_321 = arith.addf %add3A_269, %exp3A_320 : vector<16xf32>
        %mul3A_322 = arith.constant 16 : i32
        %mul3A_323 = arith.muli %scan3A_228, %mul3A_322 : i32
        %add3A_324 = arith.constant 7 : i32
        %add3A_325 = arith.addi %mul3A_323, %add3A_324 : i32
        %mul3A_326 = arith.constant 16 : i32
        %mul3A_327 = arith.muli %add3A_325, %mul3A_326 : i32
        %get3A_328 = arith.constant 1 : i32
        %get3A_329 = arith.index_cast %get3A_328 : i32 to index
        %get3A_330 = arith.index_cast %mul3A_327 : i32 to index
        %get3A_331 = tpu.vector_load %arg13[%get3A_329, %get3A_330] {strides = array<i32>} : memref<4x8192xf32, #tpu.memory_space<vmem>>, vector<1x16xf32>,
        %get3A_332 = vector.shape_cast %get3A_331 : vector<1x16xf32> to vector<16xf32>
        %exp3A_333 = math.exp %get3A_332 : vector<16xf32>
        %add3A_334 = arith.addf %add3A_282, %exp3A_333 : vector<16xf32>
        %mul3A_335 = arith.constant 16 : i32
        %mul3A_336 = arith.muli %scan3A_228, %mul3A_335 : i32
        %add3A_337 = arith.constant 8 : i32
        %add3A_338 = arith.addi %mul3A_336, %add3A_337 : i32
        %mul3A_339 = arith.constant 16 : i32
        %mul3A_340 = arith.muli %add3A_338, %mul3A_339 : i32
        %get3A_341 = arith.constant 1 : i32
        %get3A_342 = arith.index_cast %get3A_341 : i32 to index
        %get3A_343 = arith.index_cast %mul3A_340 : i32 to index
        %get3A_344 = tpu.vector_load %arg13[%get3A_342, %get3A_343] {strides = array<i32>} : memref<4x8192xf32, #tpu.memory_space<vmem>>, vector<1x16xf32>,
        %get3A_345 = vector.shape_cast %get3A_344 : vector<1x16xf32> to vector<16xf32>
        %exp3A_346 = math.exp %get3A_345 : vector<16xf32>
        %add3A_347 = arith.addf %add3A_295, %exp3A_346 : vector<16xf32>
        %mul3A_348 = arith.constant 16 : i32
        %mul3A_349 = arith.muli %scan3A_228, %mul3A_348 : i32
        %add3A_350 = arith.constant 9 : i32
        %add3A_351 = arith.addi %mul3A_349, %add3A_350 : i32
        %mul3A_352 = arith.constant 16 : i32
        %mul3A_353 = arith.muli %add3A_351, %mul3A_352 : i32
        %get3A_354 = arith.constant 1 : i32
        %get3A_355 = arith.index_cast %get3A_354 : i32 to index
        %get3A_356 = arith.index_cast %mul3A_353 : i32 to index
        %get3A_357 = tpu.vector_load %arg13[%get3A_355, %get3A_356] {strides = array<i32>} : memref<4x8192xf32, #tpu.memory_space<vmem>>, vector<1x16xf32>,
        %get3A_358 = vector.shape_cast %get3A_357 : vector<1x16xf32> to vector<16xf32>
        %exp3A_359 = math.exp %get3A_358 : vector<16xf32>
        %add3A_360 = arith.addf %add3A_308, %exp3A_359 : vector<16xf32>
        %mul3A_361 = arith.constant 16 : i32
        %mul3A_362 = arith.muli %scan3A_228, %mul3A_361 : i32
        %add3A_363 = arith.constant 10 : i32
        %add3A_364 = arith.addi %mul3A_362, %add3A_363 : i32
        %mul3A_365 = arith.constant 16 : i32
        %mul3A_366 = arith.muli %add3A_364, %mul3A_365 : i32
        %get3A_367 = arith.constant 1 : i32
        %get3A_368 = arith.index_cast %get3A_367 : i32 to index
        %get3A_369 = arith.index_cast %mul3A_366 : i32 to index
        %get3A_370 = tpu.vector_load %arg13[%get3A_368, %get3A_369] {strides = array<i32>} : memref<4x8192xf32, #tpu.memory_space<vmem>>, vector<1x16xf32>,
        %get3A_371 = vector.shape_cast %get3A_370 : vector<1x16xf32> to vector<16xf32>
        %exp3A_372 = math.exp %get3A_371 : vector<16xf32>
        %add3A_373 = arith.addf %add3A_321, %exp3A_372 : vector<16xf32>
        %mul3A_374 = arith.constant 16 : i32
        %mul3A_375 = arith.muli %scan3A_228, %mul3A_374 : i32
        %add3A_376 = arith.constant 11 : i32
        %add3A_377 = arith.addi %mul3A_375, %add3A_376 : i32
        %mul3A_378 = arith.constant 16 : i32
        %mul3A_379 = arith.muli %add3A_377, %mul3A_378 : i32
        %get3A_380 = arith.constant 1 : i32
        %get3A_381 = arith.index_cast %get3A_380 : i32 to index
        %get3A_382 = arith.index_cast %mul3A_379 : i32 to index
        %get3A_383 = tpu.vector_load %arg13[%get3A_381, %get3A_382] {strides = array<i32>} : memref<4x8192xf32, #tpu.memory_space<vmem>>, vector<1x16xf32>,
        %get3A_384 = vector.shape_cast %get3A_383 : vector<1x16xf32> to vector<16xf32>
        %exp3A_385 = math.exp %get3A_384 : vector<16xf32>
        %add3A_386 = arith.addf %add3A_334, %exp3A_385 : vector<16xf32>
        %mul3A_387 = arith.constant 16 : i32
        %mul3A_388 = arith.muli %scan3A_228, %mul3A_387 : i32
        %add3A_389 = arith.constant 12 : i32
        %add3A_390 = arith.addi %mul3A_388, %add3A_389 : i32
        %mul3A_391 = arith.constant 16 : i32
        %mul3A_392 = arith.muli %add3A_390, %mul3A_391 : i32
        %get3A_393 = arith.constant 1 : i32
        %get3A_394 = arith.index_cast %get3A_393 : i32 to index
        %get3A_395 = arith.index_cast %mul3A_392 : i32 to index
        %get3A_396 = tpu.vector_load %arg13[%get3A_394, %get3A_395] {strides = array<i32>} : memref<4x8192xf32, #tpu.memory_space<vmem>>, vector<1x16xf32>,
        %get3A_397 = vector.shape_cast %get3A_396 : vector<1x16xf32> to vector<16xf32>
        %exp3A_398 = math.exp %get3A_397 : vector<16xf32>
        %add3A_399 = arith.addf %add3A_347, %exp3A_398 : vector<16xf32>
        %mul3A_400 = arith.constant 16 : i32
        %mul3A_401 = arith.muli %scan3A_228, %mul3A_400 : i32
        %add3A_402 = arith.constant 13 : i32
        %add3A_403 = arith.addi %mul3A_401, %add3A_402 : i32
        %mul3A_404 = arith.constant 16 : i32
        %mul3A_405 = arith.muli %add3A_403, %mul3A_404 : i32
        %get3A_406 = arith.constant 1 : i32
        %get3A_407 = arith.index_cast %get3A_406 : i32 to index
        %get3A_408 = arith.index_cast %mul3A_405 : i32 to index
        %get3A_409 = tpu.vector_load %arg13[%get3A_407, %get3A_408] {strides = array<i32>} : memref<4x8192xf32, #tpu.memory_space<vmem>>, vector<1x16xf32>,
        %get3A_410 = vector.shape_cast %get3A_409 : vector<1x16xf32> to vector<16xf32>
        %exp3A_411 = math.exp %get3A_410 : vector<16xf32>
        %add3A_412 = arith.addf %add3A_360, %exp3A_411 : vector<16xf32>
        %mul3A_413 = arith.constant 16 : i32
        %mul3A_414 = arith.muli %scan3A_228, %mul3A_413 : i32
        %add3A_415 = arith.constant 14 : i32
        %add3A_416 = arith.addi %mul3A_414, %add3A_415 : i32
        %mul3A_417 = arith.constant 16 : i32
        %mul3A_418 = arith.muli %add3A_416, %mul3A_417 : i32
        %get3A_419 = arith.constant 1 : i32
        %get3A_420 = arith.index_cast %get3A_419 : i32 to index
        %get3A_421 = arith.index_cast %mul3A_418 : i32 to index
        %get3A_422 = tpu.vector_load %arg13[%get3A_420, %get3A_421] {strides = array<i32>} : memref<4x8192xf32, #tpu.memory_space<vmem>>, vector<1x16xf32>,
        %get3A_423 = vector.shape_cast %get3A_422 : vector<1x16xf32> to vector<16xf32>
        %exp3A_424 = math.exp %get3A_423 : vector<16xf32>
        %add3A_425 = arith.addf %add3A_373, %exp3A_424 : vector<16xf32>
        %mul3A_426 = arith.constant 16 : i32
        %mul3A_427 = arith.muli %scan3A_228, %mul3A_426 : i32
        %add3A_428 = arith.constant 15 : i32
        %add3A_429 = arith.addi %mul3A_427, %add3A_428 : i32
        %mul3A_430 = arith.constant 16 : i32
        %mul3A_431 = arith.muli %add3A_429, %mul3A_430 : i32
        %get3A_432 = arith.constant 1 : i32
        %get3A_433 = arith.index_cast %get3A_432 : i32 to index
        %get3A_434 = arith.index_cast %mul3A_431 : i32 to index
        %get3A_435 = tpu.vector_load %arg13[%get3A_433, %get3A_434] {strides = array<i32>} : memref<4x8192xf32, #tpu.memory_space<vmem>>, vector<1x16xf32>,
        %get3A_436 = vector.shape_cast %get3A_435 : vector<1x16xf32> to vector<16xf32>
        %exp3A_437 = math.exp %get3A_436 : vector<16xf32>
        %add3A_438 = arith.addf %add3A_386, %exp3A_437 : vector<16xf32>
        scf.yield %add3A_399, %add3A_412, %add3A_425, %add3A_438 : vector<16xf32>, vector<16xf32>, vector<16xf32>, vector<16xf32>
      }
      %scan3A_65 = arith.constant 32 : i32
      %add3A_66 = arith.addf %scan3A_64#0, %scan3A_64#1 : vector<16xf32>
      %add3A_67 = arith.addf %add3A_66, %scan3A_64#2 : vector<16xf32>
      %add3A_68 = arith.addf %add3A_67, %scan3A_64#3 : vector<16xf32>
      %add3A_69 = arith.constant 1 : i32
      %add3A_70 = arith.addi %mul3A_41, %add3A_69 : i32
      %swap3A_71 = arith.index_cast %add3A_70 : i32 to index
      %swap3A_72 = arith.constant 0 : index
      %swap3A_73 = tpu.vector_load %arg11[%swap3A_71, %swap3A_72] {strides = array<i32>} : memref<256x16xf32, #tpu.memory_space<vmem>>, vector<1x16xf32>,
      %swap3A_74 = vector.shape_cast %swap3A_73 : vector<1x16xf32> to vector<16xf32>
      %swap3A_75 = vector.shape_cast %add3A_68 : vector<16xf32> to vector<1x16xf32>
      tpu.vector_store %arg11[%swap3A_71, %swap3A_72], %swap3A_75 {strides = array<i32>} : memref<256x16xf32, #tpu.memory_space<vmem>>, vector<1x16xf32>,
      %broadcast_in_dim3A_76 = arith.constant 0.000000e+00 : f32
      %broadcast_in_dim3A_77 = vector.broadcast %broadcast_in_dim3A_76 : f32 to vector<16xf32>
      %scan3A_78 = arith.constant 0 : i32
      %scan3A_79 = arith.constant 32 : i32
      %scan3A_80 = arith.addi %scan3A_78, %scan3A_79 : i32
      %scan3A_81 = arith.constant 1 : i32
      %scan3A_82:4 = scf.for %scan3A_228 = %scan3A_78 to %scan3A_80 step %scan3A_81 iter_args(%scan3A_229 = %broadcast_in_dim3A_77, %scan3A_230 = %broadcast_in_dim3A_77, %scan3A_231 = %broadcast_in_dim3A_77, %scan3A_232 = %broadcast_in_dim3A_77) -> (vector<16xf32>, vector<16xf32>, vector<16xf32>, vector<16xf32>)  : i32 {
        %mul3A_233 = arith.constant 16 : i32
        %mul3A_234 = arith.muli %scan3A_228, %mul3A_233 : i32
        %add3A_235 = arith.constant 0 : i32
        %add3A_236 = arith.addi %mul3A_234, %add3A_235 : i32
        %mul3A_237 = arith.constant 16 : i32
        %mul3A_238 = arith.muli %add3A_236, %mul3A_237 : i32
        %get3A = arith.constant 2 : i32
        %get3A_239 = arith.index_cast %get3A : i32 to index
        %get3A_240 = arith.index_cast %mul3A_238 : i32 to index
        %get3A_241 = tpu.vector_load %arg13[%get3A_239, %get3A_240] {strides = array<i32>} : memref<4x8192xf32, #tpu.memory_space<vmem>>, vector<1x16xf32>,
        %get3A_242 = vector.shape_cast %get3A_241 : vector<1x16xf32> to vector<16xf32>
        %exp3A = math.exp %get3A_242 : vector<16xf32>
        %add3A_243 = arith.addf %scan3A_229, %exp3A : vector<16xf32>
        %mul3A_244 = arith.constant 16 : i32
        %mul3A_245 = arith.muli %scan3A_228, %mul3A_244 : i32
        %add3A_246 = arith.constant 1 : i32
        %add3A_247 = arith.addi %mul3A_245, %add3A_246 : i32
        %mul3A_248 = arith.constant 16 : i32
        %mul3A_249 = arith.muli %add3A_247, %mul3A_248 : i32
        %get3A_250 = arith.constant 2 : i32
        %get3A_251 = arith.index_cast %get3A_250 : i32 to index
        %get3A_252 = arith.index_cast %mul3A_249 : i32 to index
        %get3A_253 = tpu.vector_load %arg13[%get3A_251, %get3A_252] {strides = array<i32>} : memref<4x8192xf32, #tpu.memory_space<vmem>>, vector<1x16xf32>,
        %get3A_254 = vector.shape_cast %get3A_253 : vector<1x16xf32> to vector<16xf32>
        %exp3A_255 = math.exp %get3A_254 : vector<16xf32>
        %add3A_256 = arith.addf %scan3A_230, %exp3A_255 : vector<16xf32>
        %mul3A_257 = arith.constant 16 : i32
        %mul3A_258 = arith.muli %scan3A_228, %mul3A_257 : i32
        %add3A_259 = arith.constant 2 : i32
        %add3A_260 = arith.addi %mul3A_258, %add3A_259 : i32
        %mul3A_261 = arith.constant 16 : i32
        %mul3A_262 = arith.muli %add3A_260, %mul3A_261 : i32
        %get3A_263 = arith.constant 2 : i32
        %get3A_264 = arith.index_cast %get3A_263 : i32 to index
        %get3A_265 = arith.index_cast %mul3A_262 : i32 to index
        %get3A_266 = tpu.vector_load %arg13[%get3A_264, %get3A_265] {strides = array<i32>} : memref<4x8192xf32, #tpu.memory_space<vmem>>, vector<1x16xf32>,
        %get3A_267 = vector.shape_cast %get3A_266 : vector<1x16xf32> to vector<16xf32>
        %exp3A_268 = math.exp %get3A_267 : vector<16xf32>
        %add3A_269 = arith.addf %scan3A_231, %exp3A_268 : vector<16xf32>
        %mul3A_270 = arith.constant 16 : i32
        %mul3A_271 = arith.muli %scan3A_228, %mul3A_270 : i32
        %add3A_272 = arith.constant 3 : i32
        %add3A_273 = arith.addi %mul3A_271, %add3A_272 : i32
        %mul3A_274 = arith.constant 16 : i32
        %mul3A_275 = arith.muli %add3A_273, %mul3A_274 : i32
        %get3A_276 = arith.constant 2 : i32
        %get3A_277 = arith.index_cast %get3A_276 : i32 to index
        %get3A_278 = arith.index_cast %mul3A_275 : i32 to index
        %get3A_279 = tpu.vector_load %arg13[%get3A_277, %get3A_278] {strides = array<i32>} : memref<4x8192xf32, #tpu.memory_space<vmem>>, vector<1x16xf32>,
        %get3A_280 = vector.shape_cast %get3A_279 : vector<1x16xf32> to vector<16xf32>
        %exp3A_281 = math.exp %get3A_280 : vector<16xf32>
        %add3A_282 = arith.addf %scan3A_232, %exp3A_281 : vector<16xf32>
        %mul3A_283 = arith.constant 16 : i32
        %mul3A_284 = arith.muli %scan3A_228, %mul3A_283 : i32
        %add3A_285 = arith.constant 4 : i32
        %add3A_286 = arith.addi %mul3A_284, %add3A_285 : i32
        %mul3A_287 = arith.constant 16 : i32
        %mul3A_288 = arith.muli %add3A_286, %mul3A_287 : i32
        %get3A_289 = arith.constant 2 : i32
        %get3A_290 = arith.index_cast %get3A_289 : i32 to index
        %get3A_291 = arith.index_cast %mul3A_288 : i32 to index
        %get3A_292 = tpu.vector_load %arg13[%get3A_290, %get3A_291] {strides = array<i32>} : memref<4x8192xf32, #tpu.memory_space<vmem>>, vector<1x16xf32>,
        %get3A_293 = vector.shape_cast %get3A_292 : vector<1x16xf32> to vector<16xf32>
        %exp3A_294 = math.exp %get3A_293 : vector<16xf32>
        %add3A_295 = arith.addf %add3A_243, %exp3A_294 : vector<16xf32>
        %mul3A_296 = arith.constant 16 : i32
        %mul3A_297 = arith.muli %scan3A_228, %mul3A_296 : i32
        %add3A_298 = arith.constant 5 : i32
        %add3A_299 = arith.addi %mul3A_297, %add3A_298 : i32
        %mul3A_300 = arith.constant 16 : i32
        %mul3A_301 = arith.muli %add3A_299, %mul3A_300 : i32
        %get3A_302 = arith.constant 2 : i32
        %get3A_303 = arith.index_cast %get3A_302 : i32 to index
        %get3A_304 = arith.index_cast %mul3A_301 : i32 to index
        %get3A_305 = tpu.vector_load %arg13[%get3A_303, %get3A_304] {strides = array<i32>} : memref<4x8192xf32, #tpu.memory_space<vmem>>, vector<1x16xf32>,
        %get3A_306 = vector.shape_cast %get3A_305 : vector<1x16xf32> to vector<16xf32>
        %exp3A_307 = math.exp %get3A_306 : vector<16xf32>
        %add3A_308 = arith.addf %add3A_256, %exp3A_307 : vector<16xf32>
        %mul3A_309 = arith.constant 16 : i32
        %mul3A_310 = arith.muli %scan3A_228, %mul3A_309 : i32
        %add3A_311 = arith.constant 6 : i32
        %add3A_312 = arith.addi %mul3A_310, %add3A_311 : i32
        %mul3A_313 = arith.constant 16 : i32
        %mul3A_314 = arith.muli %add3A_312, %mul3A_313 : i32
        %get3A_315 = arith.constant 2 : i32
        %get3A_316 = arith.index_cast %get3A_315 : i32 to index
        %get3A_317 = arith.index_cast %mul3A_314 : i32 to index
        %get3A_318 = tpu.vector_load %arg13[%get3A_316, %get3A_317] {strides = array<i32>} : memref<4x8192xf32, #tpu.memory_space<vmem>>, vector<1x16xf32>,
        %get3A_319 = vector.shape_cast %get3A_318 : vector<1x16xf32> to vector<16xf32>
        %exp3A_320 = math.exp %get3A_319 : vector<16xf32>
        %add3A_321 = arith.addf %add3A_269, %exp3A_320 : vector<16xf32>
        %mul3A_322 = arith.constant 16 : i32
        %mul3A_323 = arith.muli %scan3A_228, %mul3A_322 : i32
        %add3A_324 = arith.constant 7 : i32
        %add3A_325 = arith.addi %mul3A_323, %add3A_324 : i32
        %mul3A_326 = arith.constant 16 : i32
        %mul3A_327 = arith.muli %add3A_325, %mul3A_326 : i32
        %get3A_328 = arith.constant 2 : i32
        %get3A_329 = arith.index_cast %get3A_328 : i32 to index
        %get3A_330 = arith.index_cast %mul3A_327 : i32 to index
        %get3A_331 = tpu.vector_load %arg13[%get3A_329, %get3A_330] {strides = array<i32>} : memref<4x8192xf32, #tpu.memory_space<vmem>>, vector<1x16xf32>,
        %get3A_332 = vector.shape_cast %get3A_331 : vector<1x16xf32> to vector<16xf32>
        %exp3A_333 = math.exp %get3A_332 : vector<16xf32>
        %add3A_334 = arith.addf %add3A_282, %exp3A_333 : vector<16xf32>
        %mul3A_335 = arith.constant 16 : i32
        %mul3A_336 = arith.muli %scan3A_228, %mul3A_335 : i32
        %add3A_337 = arith.constant 8 : i32
        %add3A_338 = arith.addi %mul3A_336, %add3A_337 : i32
        %mul3A_339 = arith.constant 16 : i32
        %mul3A_340 = arith.muli %add3A_338, %mul3A_339 : i32
        %get3A_341 = arith.constant 2 : i32
        %get3A_342 = arith.index_cast %get3A_341 : i32 to index
        %get3A_343 = arith.index_cast %mul3A_340 : i32 to index
        %get3A_344 = tpu.vector_load %arg13[%get3A_342, %get3A_343] {strides = array<i32>} : memref<4x8192xf32, #tpu.memory_space<vmem>>, vector<1x16xf32>,
        %get3A_345 = vector.shape_cast %get3A_344 : vector<1x16xf32> to vector<16xf32>
        %exp3A_346 = math.exp %get3A_345 : vector<16xf32>
        %add3A_347 = arith.addf %add3A_295, %exp3A_346 : vector<16xf32>
        %mul3A_348 = arith.constant 16 : i32
        %mul3A_349 = arith.muli %scan3A_228, %mul3A_348 : i32
        %add3A_350 = arith.constant 9 : i32
        %add3A_351 = arith.addi %mul3A_349, %add3A_350 : i32
        %mul3A_352 = arith.constant 16 : i32
        %mul3A_353 = arith.muli %add3A_351, %mul3A_352 : i32
        %get3A_354 = arith.constant 2 : i32
        %get3A_355 = arith.index_cast %get3A_354 : i32 to index
        %get3A_356 = arith.index_cast %mul3A_353 : i32 to index
        %get3A_357 = tpu.vector_load %arg13[%get3A_355, %get3A_356] {strides = array<i32>} : memref<4x8192xf32, #tpu.memory_space<vmem>>, vector<1x16xf32>,
        %get3A_358 = vector.shape_cast %get3A_357 : vector<1x16xf32> to vector<16xf32>
        %exp3A_359 = math.exp %get3A_358 : vector<16xf32>
        %add3A_360 = arith.addf %add3A_308, %exp3A_359 : vector<16xf32>
        %mul3A_361 = arith.constant 16 : i32
        %mul3A_362 = arith.muli %scan3A_228, %mul3A_361 : i32
        %add3A_363 = arith.constant 10 : i32
        %add3A_364 = arith.addi %mul3A_362, %add3A_363 : i32
        %mul3A_365 = arith.constant 16 : i32
        %mul3A_366 = arith.muli %add3A_364, %mul3A_365 : i32
        %get3A_367 = arith.constant 2 : i32
        %get3A_368 = arith.index_cast %get3A_367 : i32 to index
        %get3A_369 = arith.index_cast %mul3A_366 : i32 to index
        %get3A_370 = tpu.vector_load %arg13[%get3A_368, %get3A_369] {strides = array<i32>} : memref<4x8192xf32, #tpu.memory_space<vmem>>, vector<1x16xf32>,
        %get3A_371 = vector.shape_cast %get3A_370 : vector<1x16xf32> to vector<16xf32>
        %exp3A_372 = math.exp %get3A_371 : vector<16xf32>
        %add3A_373 = arith.addf %add3A_321, %exp3A_372 : vector<16xf32>
        %mul3A_374 = arith.constant 16 : i32
        %mul3A_375 = arith.muli %scan3A_228, %mul3A_374 : i32
        %add3A_376 = arith.constant 11 : i32
        %add3A_377 = arith.addi %mul3A_375, %add3A_376 : i32
        %mul3A_378 = arith.constant 16 : i32
        %mul3A_379 = arith.muli %add3A_377, %mul3A_378 : i32
        %get3A_380 = arith.constant 2 : i32
        %get3A_381 = arith.index_cast %get3A_380 : i32 to index
        %get3A_382 = arith.index_cast %mul3A_379 : i32 to index
        %get3A_383 = tpu.vector_load %arg13[%get3A_381, %get3A_382] {strides = array<i32>} : memref<4x8192xf32, #tpu.memory_space<vmem>>, vector<1x16xf32>,
        %get3A_384 = vector.shape_cast %get3A_383 : vector<1x16xf32> to vector<16xf32>
        %exp3A_385 = math.exp %get3A_384 : vector<16xf32>
        %add3A_386 = arith.addf %add3A_334, %exp3A_385 : vector<16xf32>
        %mul3A_387 = arith.constant 16 : i32
        %mul3A_388 = arith.muli %scan3A_228, %mul3A_387 : i32
        %add3A_389 = arith.constant 12 : i32
        %add3A_390 = arith.addi %mul3A_388, %add3A_389 : i32
        %mul3A_391 = arith.constant 16 : i32
        %mul3A_392 = arith.muli %add3A_390, %mul3A_391 : i32
        %get3A_393 = arith.constant 2 : i32
        %get3A_394 = arith.index_cast %get3A_393 : i32 to index
        %get3A_395 = arith.index_cast %mul3A_392 : i32 to index
        %get3A_396 = tpu.vector_load %arg13[%get3A_394, %get3A_395] {strides = array<i32>} : memref<4x8192xf32, #tpu.memory_space<vmem>>, vector<1x16xf32>,
        %get3A_397 = vector.shape_cast %get3A_396 : vector<1x16xf32> to vector<16xf32>
        %exp3A_398 = math.exp %get3A_397 : vector<16xf32>
        %add3A_399 = arith.addf %add3A_347, %exp3A_398 : vector<16xf32>
        %mul3A_400 = arith.constant 16 : i32
        %mul3A_401 = arith.muli %scan3A_228, %mul3A_400 : i32
        %add3A_402 = arith.constant 13 : i32
        %add3A_403 = arith.addi %mul3A_401, %add3A_402 : i32
        %mul3A_404 = arith.constant 16 : i32
        %mul3A_405 = arith.muli %add3A_403, %mul3A_404 : i32
        %get3A_406 = arith.constant 2 : i32
        %get3A_407 = arith.index_cast %get3A_406 : i32 to index
        %get3A_408 = arith.index_cast %mul3A_405 : i32 to index
        %get3A_409 = tpu.vector_load %arg13[%get3A_407, %get3A_408] {strides = array<i32>} : memref<4x8192xf32, #tpu.memory_space<vmem>>, vector<1x16xf32>,
        %get3A_410 = vector.shape_cast %get3A_409 : vector<1x16xf32> to vector<16xf32>
        %exp3A_411 = math.exp %get3A_410 : vector<16xf32>
        %add3A_412 = arith.addf %add3A_360, %exp3A_411 : vector<16xf32>
        %mul3A_413 = arith.constant 16 : i32
        %mul3A_414 = arith.muli %scan3A_228, %mul3A_413 : i32
        %add3A_415 = arith.constant 14 : i32
        %add3A_416 = arith.addi %mul3A_414, %add3A_415 : i32
        %mul3A_417 = arith.constant 16 : i32
        %mul3A_418 = arith.muli %add3A_416, %mul3A_417 : i32
        %get3A_419 = arith.constant 2 : i32
        %get3A_420 = arith.index_cast %get3A_419 : i32 to index
        %get3A_421 = arith.index_cast %mul3A_418 : i32 to index
        %get3A_422 = tpu.vector_load %arg13[%get3A_420, %get3A_421] {strides = array<i32>} : memref<4x8192xf32, #tpu.memory_space<vmem>>, vector<1x16xf32>,
        %get3A_423 = vector.shape_cast %get3A_422 : vector<1x16xf32> to vector<16xf32>
        %exp3A_424 = math.exp %get3A_423 : vector<16xf32>
        %add3A_425 = arith.addf %add3A_373, %exp3A_424 : vector<16xf32>
        %mul3A_426 = arith.constant 16 : i32
        %mul3A_427 = arith.muli %scan3A_228, %mul3A_426 : i32
        %add3A_428 = arith.constant 15 : i32
        %add3A_429 = arith.addi %mul3A_427, %add3A_428 : i32
        %mul3A_430 = arith.constant 16 : i32
        %mul3A_431 = arith.muli %add3A_429, %mul3A_430 : i32
        %get3A_432 = arith.constant 2 : i32
        %get3A_433 = arith.index_cast %get3A_432 : i32 to index
        %get3A_434 = arith.index_cast %mul3A_431 : i32 to index
        %get3A_435 = tpu.vector_load %arg13[%get3A_433, %get3A_434] {strides = array<i32>} : memref<4x8192xf32, #tpu.memory_space<vmem>>, vector<1x16xf32>,
        %get3A_436 = vector.shape_cast %get3A_435 : vector<1x16xf32> to vector<16xf32>
        %exp3A_437 = math.exp %get3A_436 : vector<16xf32>
        %add3A_438 = arith.addf %add3A_386, %exp3A_437 : vector<16xf32>
        scf.yield %add3A_399, %add3A_412, %add3A_425, %add3A_438 : vector<16xf32>, vector<16xf32>, vector<16xf32>, vector<16xf32>
      }
      %scan3A_83 = arith.constant 32 : i32
      %add3A_84 = arith.addf %scan3A_82#0, %scan3A_82#1 : vector<16xf32>
      %add3A_85 = arith.addf %add3A_84, %scan3A_82#2 : vector<16xf32>
      %add3A_86 = arith.addf %add3A_85, %scan3A_82#3 : vector<16xf32>
      %add3A_87 = arith.constant 2 : i32
      %add3A_88 = arith.addi %mul3A_41, %add3A_87 : i32
      %swap3A_89 = arith.index_cast %add3A_88 : i32 to index
      %swap3A_90 = arith.constant 0 : index
      %swap3A_91 = tpu.vector_load %arg11[%swap3A_89, %swap3A_90] {strides = array<i32>} : memref<256x16xf32, #tpu.memory_space<vmem>>, vector<1x16xf32>,
      %swap3A_92 = vector.shape_cast %swap3A_91 : vector<1x16xf32> to vector<16xf32>
      %swap3A_93 = vector.shape_cast %add3A_86 : vector<16xf32> to vector<1x16xf32>
      tpu.vector_store %arg11[%swap3A_89, %swap3A_90], %swap3A_93 {strides = array<i32>} : memref<256x16xf32, #tpu.memory_space<vmem>>, vector<1x16xf32>,
      %broadcast_in_dim3A_94 = arith.constant 0.000000e+00 : f32
      %broadcast_in_dim3A_95 = vector.broadcast %broadcast_in_dim3A_94 : f32 to vector<16xf32>
      %scan3A_96 = arith.constant 0 : i32
      %scan3A_97 = arith.constant 32 : i32
      %scan3A_98 = arith.addi %scan3A_96, %scan3A_97 : i32
      %scan3A_99 = arith.constant 1 : i32
      %scan3A_100:4 = scf.for %scan3A_228 = %scan3A_96 to %scan3A_98 step %scan3A_99 iter_args(%scan3A_229 = %broadcast_in_dim3A_95, %scan3A_230 = %broadcast_in_dim3A_95, %scan3A_231 = %broadcast_in_dim3A_95, %scan3A_232 = %broadcast_in_dim3A_95) -> (vector<16xf32>, vector<16xf32>, vector<16xf32>, vector<16xf32>)  : i32 {
        %mul3A_233 = arith.constant 16 : i32
        %mul3A_234 = arith.muli %scan3A_228, %mul3A_233 : i32
        %add3A_235 = arith.constant 0 : i32
        %add3A_236 = arith.addi %mul3A_234, %add3A_235 : i32
        %mul3A_237 = arith.constant 16 : i32
        %mul3A_238 = arith.muli %add3A_236, %mul3A_237 : i32
        %get3A = arith.constant 3 : i32
        %get3A_239 = arith.index_cast %get3A : i32 to index
        %get3A_240 = arith.index_cast %mul3A_238 : i32 to index
        %get3A_241 = tpu.vector_load %arg13[%get3A_239, %get3A_240] {strides = array<i32>} : memref<4x8192xf32, #tpu.memory_space<vmem>>, vector<1x16xf32>,
        %get3A_242 = vector.shape_cast %get3A_241 : vector<1x16xf32> to vector<16xf32>
        %exp3A = math.exp %get3A_242 : vector<16xf32>
        %add3A_243 = arith.addf %scan3A_229, %exp3A : vector<16xf32>
        %mul3A_244 = arith.constant 16 : i32
        %mul3A_245 = arith.muli %scan3A_228, %mul3A_244 : i32
        %add3A_246 = arith.constant 1 : i32
        %add3A_247 = arith.addi %mul3A_245, %add3A_246 : i32
        %mul3A_248 = arith.constant 16 : i32
        %mul3A_249 = arith.muli %add3A_247, %mul3A_248 : i32
        %get3A_250 = arith.constant 3 : i32
        %get3A_251 = arith.index_cast %get3A_250 : i32 to index
        %get3A_252 = arith.index_cast %mul3A_249 : i32 to index
        %get3A_253 = tpu.vector_load %arg13[%get3A_251, %get3A_252] {strides = array<i32>} : memref<4x8192xf32, #tpu.memory_space<vmem>>, vector<1x16xf32>,
        %get3A_254 = vector.shape_cast %get3A_253 : vector<1x16xf32> to vector<16xf32>
        %exp3A_255 = math.exp %get3A_254 : vector<16xf32>
        %add3A_256 = arith.addf %scan3A_230, %exp3A_255 : vector<16xf32>
        %mul3A_257 = arith.constant 16 : i32
        %mul3A_258 = arith.muli %scan3A_228, %mul3A_257 : i32
        %add3A_259 = arith.constant 2 : i32
        %add3A_260 = arith.addi %mul3A_258, %add3A_259 : i32
        %mul3A_261 = arith.constant 16 : i32
        %mul3A_262 = arith.muli %add3A_260, %mul3A_261 : i32
        %get3A_263 = arith.constant 3 : i32
        %get3A_264 = arith.index_cast %get3A_263 : i32 to index
        %get3A_265 = arith.index_cast %mul3A_262 : i32 to index
        %get3A_266 = tpu.vector_load %arg13[%get3A_264, %get3A_265] {strides = array<i32>} : memref<4x8192xf32, #tpu.memory_space<vmem>>, vector<1x16xf32>,
        %get3A_267 = vector.shape_cast %get3A_266 : vector<1x16xf32> to vector<16xf32>
        %exp3A_268 = math.exp %get3A_267 : vector<16xf32>
        %add3A_269 = arith.addf %scan3A_231, %exp3A_268 : vector<16xf32>
        %mul3A_270 = arith.constant 16 : i32
        %mul3A_271 = arith.muli %scan3A_228, %mul3A_270 : i32
        %add3A_272 = arith.constant 3 : i32
        %add3A_273 = arith.addi %mul3A_271, %add3A_272 : i32
        %mul3A_274 = arith.constant 16 : i32
        %mul3A_275 = arith.muli %add3A_273, %mul3A_274 : i32
        %get3A_276 = arith.constant 3 : i32
        %get3A_277 = arith.index_cast %get3A_276 : i32 to index
        %get3A_278 = arith.index_cast %mul3A_275 : i32 to index
        %get3A_279 = tpu.vector_load %arg13[%get3A_277, %get3A_278] {strides = array<i32>} : memref<4x8192xf32, #tpu.memory_space<vmem>>, vector<1x16xf32>,
        %get3A_280 = vector.shape_cast %get3A_279 : vector<1x16xf32> to vector<16xf32>
        %exp3A_281 = math.exp %get3A_280 : vector<16xf32>
        %add3A_282 = arith.addf %scan3A_232, %exp3A_281 : vector<16xf32>
        %mul3A_283 = arith.constant 16 : i32
        %mul3A_284 = arith.muli %scan3A_228, %mul3A_283 : i32
        %add3A_285 = arith.constant 4 : i32
        %add3A_286 = arith.addi %mul3A_284, %add3A_285 : i32
        %mul3A_287 = arith.constant 16 : i32
        %mul3A_288 = arith.muli %add3A_286, %mul3A_287 : i32
        %get3A_289 = arith.constant 3 : i32
        %get3A_290 = arith.index_cast %get3A_289 : i32 to index
        %get3A_291 = arith.index_cast %mul3A_288 : i32 to index
        %get3A_292 = tpu.vector_load %arg13[%get3A_290, %get3A_291] {strides = array<i32>} : memref<4x8192xf32, #tpu.memory_space<vmem>>, vector<1x16xf32>,
        %get3A_293 = vector.shape_cast %get3A_292 : vector<1x16xf32> to vector<16xf32>
        %exp3A_294 = math.exp %get3A_293 : vector<16xf32>
        %add3A_295 = arith.addf %add3A_243, %exp3A_294 : vector<16xf32>
        %mul3A_296 = arith.constant 16 : i32
        %mul3A_297 = arith.muli %scan3A_228, %mul3A_296 : i32
        %add3A_298 = arith.constant 5 : i32
        %add3A_299 = arith.addi %mul3A_297, %add3A_298 : i32
        %mul3A_300 = arith.constant 16 : i32
        %mul3A_301 = arith.muli %add3A_299, %mul3A_300 : i32
        %get3A_302 = arith.constant 3 : i32
        %get3A_303 = arith.index_cast %get3A_302 : i32 to index
        %get3A_304 = arith.index_cast %mul3A_301 : i32 to index
        %get3A_305 = tpu.vector_load %arg13[%get3A_303, %get3A_304] {strides = array<i32>} : memref<4x8192xf32, #tpu.memory_space<vmem>>, vector<1x16xf32>,
        %get3A_306 = vector.shape_cast %get3A_305 : vector<1x16xf32> to vector<16xf32>
        %exp3A_307 = math.exp %get3A_306 : vector<16xf32>
        %add3A_308 = arith.addf %add3A_256, %exp3A_307 : vector<16xf32>
        %mul3A_309 = arith.constant 16 : i32
        %mul3A_310 = arith.muli %scan3A_228, %mul3A_309 : i32
        %add3A_311 = arith.constant 6 : i32
        %add3A_312 = arith.addi %mul3A_310, %add3A_311 : i32
        %mul3A_313 = arith.constant 16 : i32
        %mul3A_314 = arith.muli %add3A_312, %mul3A_313 : i32
        %get3A_315 = arith.constant 3 : i32
        %get3A_316 = arith.index_cast %get3A_315 : i32 to index
        %get3A_317 = arith.index_cast %mul3A_314 : i32 to index
        %get3A_318 = tpu.vector_load %arg13[%get3A_316, %get3A_317] {strides = array<i32>} : memref<4x8192xf32, #tpu.memory_space<vmem>>, vector<1x16xf32>,
        %get3A_319 = vector.shape_cast %get3A_318 : vector<1x16xf32> to vector<16xf32>
        %exp3A_320 = math.exp %get3A_319 : vector<16xf32>
        %add3A_321 = arith.addf %add3A_269, %exp3A_320 : vector<16xf32>
        %mul3A_322 = arith.constant 16 : i32
        %mul3A_323 = arith.muli %scan3A_228, %mul3A_322 : i32
        %add3A_324 = arith.constant 7 : i32
        %add3A_325 = arith.addi %mul3A_323, %add3A_324 : i32
        %mul3A_326 = arith.constant 16 : i32
        %mul3A_327 = arith.muli %add3A_325, %mul3A_326 : i32
        %get3A_328 = arith.constant 3 : i32
        %get3A_329 = arith.index_cast %get3A_328 : i32 to index
        %get3A_330 = arith.index_cast %mul3A_327 : i32 to index
        %get3A_331 = tpu.vector_load %arg13[%get3A_329, %get3A_330] {strides = array<i32>} : memref<4x8192xf32, #tpu.memory_space<vmem>>, vector<1x16xf32>,
        %get3A_332 = vector.shape_cast %get3A_331 : vector<1x16xf32> to vector<16xf32>
        %exp3A_333 = math.exp %get3A_332 : vector<16xf32>
        %add3A_334 = arith.addf %add3A_282, %exp3A_333 : vector<16xf32>
        %mul3A_335 = arith.constant 16 : i32
        %mul3A_336 = arith.muli %scan3A_228, %mul3A_335 : i32
        %add3A_337 = arith.constant 8 : i32
        %add3A_338 = arith.addi %mul3A_336, %add3A_337 : i32
        %mul3A_339 = arith.constant 16 : i32
        %mul3A_340 = arith.muli %add3A_338, %mul3A_339 : i32
        %get3A_341 = arith.constant 3 : i32
        %get3A_342 = arith.index_cast %get3A_341 : i32 to index
        %get3A_343 = arith.index_cast %mul3A_340 : i32 to index
        %get3A_344 = tpu.vector_load %arg13[%get3A_342, %get3A_343] {strides = array<i32>} : memref<4x8192xf32, #tpu.memory_space<vmem>>, vector<1x16xf32>,
        %get3A_345 = vector.shape_cast %get3A_344 : vector<1x16xf32> to vector<16xf32>
        %exp3A_346 = math.exp %get3A_345 : vector<16xf32>
        %add3A_347 = arith.addf %add3A_295, %exp3A_346 : vector<16xf32>
        %mul3A_348 = arith.constant 16 : i32
        %mul3A_349 = arith.muli %scan3A_228, %mul3A_348 : i32
        %add3A_350 = arith.constant 9 : i32
        %add3A_351 = arith.addi %mul3A_349, %add3A_350 : i32
        %mul3A_352 = arith.constant 16 : i32
        %mul3A_353 = arith.muli %add3A_351, %mul3A_352 : i32
        %get3A_354 = arith.constant 3 : i32
        %get3A_355 = arith.index_cast %get3A_354 : i32 to index
        %get3A_356 = arith.index_cast %mul3A_353 : i32 to index
        %get3A_357 = tpu.vector_load %arg13[%get3A_355, %get3A_356] {strides = array<i32>} : memref<4x8192xf32, #tpu.memory_space<vmem>>, vector<1x16xf32>,
        %get3A_358 = vector.shape_cast %get3A_357 : vector<1x16xf32> to vector<16xf32>
        %exp3A_359 = math.exp %get3A_358 : vector<16xf32>
        %add3A_360 = arith.addf %add3A_308, %exp3A_359 : vector<16xf32>
        %mul3A_361 = arith.constant 16 : i32
        %mul3A_362 = arith.muli %scan3A_228, %mul3A_361 : i32
        %add3A_363 = arith.constant 10 : i32
        %add3A_364 = arith.addi %mul3A_362, %add3A_363 : i32
        %mul3A_365 = arith.constant 16 : i32
        %mul3A_366 = arith.muli %add3A_364, %mul3A_365 : i32
        %get3A_367 = arith.constant 3 : i32
        %get3A_368 = arith.index_cast %get3A_367 : i32 to index
        %get3A_369 = arith.index_cast %mul3A_366 : i32 to index
        %get3A_370 = tpu.vector_load %arg13[%get3A_368, %get3A_369] {strides = array<i32>} : memref<4x8192xf32, #tpu.memory_space<vmem>>, vector<1x16xf32>,
        %get3A_371 = vector.shape_cast %get3A_370 : vector<1x16xf32> to vector<16xf32>
        %exp3A_372 = math.exp %get3A_371 : vector<16xf32>
        %add3A_373 = arith.addf %add3A_321, %exp3A_372 : vector<16xf32>
        %mul3A_374 = arith.constant 16 : i32
        %mul3A_375 = arith.muli %scan3A_228, %mul3A_374 : i32
        %add3A_376 = arith.constant 11 : i32
        %add3A_377 = arith.addi %mul3A_375, %add3A_376 : i32
        %mul3A_378 = arith.constant 16 : i32
        %mul3A_379 = arith.muli %add3A_377, %mul3A_378 : i32
        %get3A_380 = arith.constant 3 : i32
        %get3A_381 = arith.index_cast %get3A_380 : i32 to index
        %get3A_382 = arith.index_cast %mul3A_379 : i32 to index
        %get3A_383 = tpu.vector_load %arg13[%get3A_381, %get3A_382] {strides = array<i32>} : memref<4x8192xf32, #tpu.memory_space<vmem>>, vector<1x16xf32>,
        %get3A_384 = vector.shape_cast %get3A_383 : vector<1x16xf32> to vector<16xf32>
        %exp3A_385 = math.exp %get3A_384 : vector<16xf32>
        %add3A_386 = arith.addf %add3A_334, %exp3A_385 : vector<16xf32>
        %mul3A_387 = arith.constant 16 : i32
        %mul3A_388 = arith.muli %scan3A_228, %mul3A_387 : i32
        %add3A_389 = arith.constant 12 : i32
        %add3A_390 = arith.addi %mul3A_388, %add3A_389 : i32
        %mul3A_391 = arith.constant 16 : i32
        %mul3A_392 = arith.muli %add3A_390, %mul3A_391 : i32
        %get3A_393 = arith.constant 3 : i32
        %get3A_394 = arith.index_cast %get3A_393 : i32 to index
        %get3A_395 = arith.index_cast %mul3A_392 : i32 to index
        %get3A_396 = tpu.vector_load %arg13[%get3A_394, %get3A_395] {strides = array<i32>} : memref<4x8192xf32, #tpu.memory_space<vmem>>, vector<1x16xf32>,
        %get3A_397 = vector.shape_cast %get3A_396 : vector<1x16xf32> to vector<16xf32>
        %exp3A_398 = math.exp %get3A_397 : vector<16xf32>
        %add3A_399 = arith.addf %add3A_347, %exp3A_398 : vector<16xf32>
        %mul3A_400 = arith.constant 16 : i32
        %mul3A_401 = arith.muli %scan3A_228, %mul3A_400 : i32
        %add3A_402 = arith.constant 13 : i32
        %add3A_403 = arith.addi %mul3A_401, %add3A_402 : i32
        %mul3A_404 = arith.constant 16 : i32
        %mul3A_405 = arith.muli %add3A_403, %mul3A_404 : i32
        %get3A_406 = arith.constant 3 : i32
        %get3A_407 = arith.index_cast %get3A_406 : i32 to index
        %get3A_408 = arith.index_cast %mul3A_405 : i32 to index
        %get3A_409 = tpu.vector_load %arg13[%get3A_407, %get3A_408] {strides = array<i32>} : memref<4x8192xf32, #tpu.memory_space<vmem>>, vector<1x16xf32>,
        %get3A_410 = vector.shape_cast %get3A_409 : vector<1x16xf32> to vector<16xf32>
        %exp3A_411 = math.exp %get3A_410 : vector<16xf32>
        %add3A_412 = arith.addf %add3A_360, %exp3A_411 : vector<16xf32>
        %mul3A_413 = arith.constant 16 : i32
        %mul3A_414 = arith.muli %scan3A_228, %mul3A_413 : i32
        %add3A_415 = arith.constant 14 : i32
        %add3A_416 = arith.addi %mul3A_414, %add3A_415 : i32
        %mul3A_417 = arith.constant 16 : i32
        %mul3A_418 = arith.muli %add3A_416, %mul3A_417 : i32
        %get3A_419 = arith.constant 3 : i32
        %get3A_420 = arith.index_cast %get3A_419 : i32 to index
        %get3A_421 = arith.index_cast %mul3A_418 : i32 to index
        %get3A_422 = tpu.vector_load %arg13[%get3A_420, %get3A_421] {strides = array<i32>} : memref<4x8192xf32, #tpu.memory_space<vmem>>, vector<1x16xf32>,
        %get3A_423 = vector.shape_cast %get3A_422 : vector<1x16xf32> to vector<16xf32>
        %exp3A_424 = math.exp %get3A_423 : vector<16xf32>
        %add3A_425 = arith.addf %add3A_373, %exp3A_424 : vector<16xf32>
        %mul3A_426 = arith.constant 16 : i32
        %mul3A_427 = arith.muli %scan3A_228, %mul3A_426 : i32
        %add3A_428 = arith.constant 15 : i32
        %add3A_429 = arith.addi %mul3A_427, %add3A_428 : i32
        %mul3A_430 = arith.constant 16 : i32
        %mul3A_431 = arith.muli %add3A_429, %mul3A_430 : i32
        %get3A_432 = arith.constant 3 : i32
        %get3A_433 = arith.index_cast %get3A_432 : i32 to index
        %get3A_434 = arith.index_cast %mul3A_431 : i32 to index
        %get3A_435 = tpu.vector_load %arg13[%get3A_433, %get3A_434] {strides = array<i32>} : memref<4x8192xf32, #tpu.memory_space<vmem>>, vector<1x16xf32>,
        %get3A_436 = vector.shape_cast %get3A_435 : vector<1x16xf32> to vector<16xf32>
        %exp3A_437 = math.exp %get3A_436 : vector<16xf32>
        %add3A_438 = arith.addf %add3A_386, %exp3A_437 : vector<16xf32>
        scf.yield %add3A_399, %add3A_412, %add3A_425, %add3A_438 : vector<16xf32>, vector<16xf32>, vector<16xf32>, vector<16xf32>
      }
      %scan3A_101 = arith.constant 32 : i32
      %add3A_102 = arith.addf %scan3A_100#0, %scan3A_100#1 : vector<16xf32>
      %add3A_103 = arith.addf %add3A_102, %scan3A_100#2 : vector<16xf32>
      %add3A_104 = arith.addf %add3A_103, %scan3A_100#3 : vector<16xf32>
      %add3A_105 = arith.constant 3 : i32
      %add3A_106 = arith.addi %mul3A_41, %add3A_105 : i32
      %swap3A_107 = arith.index_cast %add3A_106 : i32 to index
      %swap3A_108 = arith.constant 0 : index
      %swap3A_109 = tpu.vector_load %arg11[%swap3A_107, %swap3A_108] {strides = array<i32>} : memref<256x16xf32, #tpu.memory_space<vmem>>, vector<1x16xf32>,
      %swap3A_110 = vector.shape_cast %swap3A_109 : vector<1x16xf32> to vector<16xf32>
      %swap3A_111 = vector.shape_cast %add3A_104 : vector<16xf32> to vector<1x16xf32>
      tpu.vector_store %arg11[%swap3A_107, %swap3A_108], %swap3A_111 {strides = array<i32>} : memref<256x16xf32, #tpu.memory_space<vmem>>, vector<1x16xf32>,
      %mul3A_112 = arith.constant 4 : i32
      %mul3A_113 = arith.muli %add3A_26, %mul3A_112 : i32
      %add3A_114 = arith.addi %mul3A_2, %mul3A_113 : i32
      %dma_wait3A_115 = arith.constant 0 : i32
      %dma_wait3A_116 = tpu.memref_slice %arg6[%add3A_114, %dma_wait3A_115] : memref<8192x8192xf32, #tpu.memory_space<hbm>> -> memref<4x8192xf32, #tpu.memory_space<hbm>>
      %dma_wait3A_117 = arith.constant 0 : i32
      %dma_wait3A_118 = tpu.memref_slice %arg6[%add3A_114, %dma_wait3A_117] : memref<8192x8192xf32, #tpu.memory_space<hbm>> -> memref<4x8192xf32, #tpu.memory_space<hbm>>
      tpu.wait_dma2 semaphore(%arg17 : memref<!tpu.dma_semaphore, #tpu.memory_space<semaphore_mem>>) src(%arg13 : memref<4x8192xf32, #tpu.memory_space<vmem>>) dst(%dma_wait3A_118 : memref<4x8192xf32, #tpu.memory_space<hbm>>)
      %add3A_119 = arith.constant 2 : i32
      %add3A_120 = arith.addi %add3A_26, %add3A_119 : i32
      %lt3A = arith.constant 64 : i32
      %lt3A_121 = arith.cmpi slt, %add3A_120, %lt3A : i32
      %convert_element_type3A = arith.extui %lt3A_121 : i1 to i32
      %cond3A = arith.constant 0 : i32
      %cond3A_122 = arith.cmpi ne, %convert_element_type3A, %cond3A : i32
      scf.if %cond3A_122 {
        %add3A_228 = arith.constant 2 : i32
        %add3A_229 = arith.addi %add3A_26, %add3A_228 : i32
        %mul3A_230 = arith.constant 8 : i32
        %mul3A_231 = arith.muli %add3A_229, %mul3A_230 : i32
        %dma_start3A_232 = tpu.memref_slice %arg9[%mul3A_231] : memref<512xi32, #tpu.memory_space<vmem>> -> memref<4xi32, #tpu.memory_space<vmem>>
        %dma_start3A_233 = arith.constant 0 : i32
        %dma_start3A_234 = arith.constant 0 : i32
        %dma_start3A_235 = tpu.memref_slice %arg4[%dma_start3A_233, %dma_start3A_234] : memref<8192x8192xf32, #tpu.memory_space<hbm>> -> memref<8192x8192xf32, #tpu.memory_space<hbm>>
        tpu.enqueue_indirect_dma source(%dma_start3A_235 : memref<8192x8192xf32, #tpu.memory_space<hbm>>) target(%arg13 : memref<4x8192xf32, #tpu.memory_space<vmem>>) offsets(%dma_start3A_232 : memref<4xi32, #tpu.memory_space<vmem>>) semaphore(%arg15 : memref<!tpu.dma_semaphore, #tpu.memory_space<semaphore_mem>>)
      } else {
      }
      %mul3A_123 = arith.constant 2 : i32
      %mul3A_124 = arith.muli %scan3A_22, %mul3A_123 : i32
      %add3A_125 = arith.constant 1 : i32
      %add3A_126 = arith.addi %mul3A_124, %add3A_125 : i32
      %mul3A_127 = arith.constant 8 : i32
      %mul3A_128 = arith.muli %add3A_126, %mul3A_127 : i32
      %dma_wait3A_129 = tpu.memref_slice %arg9[%mul3A_128] : memref<512xi32, #tpu.memory_space<vmem>> -> memref<4xi32, #tpu.memory_space<vmem>>
      %dma_wait3A_130 = arith.constant 0 : i32
      %dma_wait3A_131 = arith.constant 0 : i32
      %dma_wait3A_132 = tpu.memref_slice %arg4[%dma_wait3A_130, %dma_wait3A_131] : memref<8192x8192xf32, #tpu.memory_space<hbm>> -> memref<8192x8192xf32, #tpu.memory_space<hbm>>
      tpu.wait_indirect_dma semaphore(%arg16 : memref<!tpu.dma_semaphore, #tpu.memory_space<semaphore_mem>>) src(%dma_wait3A_132 : memref<8192x8192xf32, #tpu.memory_space<hbm>>) dst(%arg14 : memref<4x8192xf32, #tpu.memory_space<vmem>>)
      %mul3A_133 = arith.constant 4 : i32
      %mul3A_134 = arith.muli %add3A_126, %mul3A_133 : i32
      %add3A_135 = arith.addi %mul3A_2, %mul3A_134 : i32
      %dma_start3A_136 = arith.constant 0 : i32
      %dma_start3A_137 = tpu.memref_slice %arg6[%add3A_135, %dma_start3A_136] : memref<8192x8192xf32, #tpu.memory_space<hbm>> -> memref<4x8192xf32, #tpu.memory_space<hbm>>
      %dma_start3A_138 = arith.constant 0 : i32
      %dma_start3A_139 = tpu.memref_slice %arg6[%add3A_135, %dma_start3A_138] : memref<8192x8192xf32, #tpu.memory_space<hbm>> -> memref<4x8192xf32, #tpu.memory_space<hbm>>
      tpu.enqueue_dma source(%arg14 : memref<4x8192xf32, #tpu.memory_space<vmem>>) target(%dma_start3A_139 : memref<4x8192xf32, #tpu.memory_space<hbm>>) target_semaphore(%arg18 : memref<!tpu.dma_semaphore, #tpu.memory_space<semaphore_mem>>)
      %mul3A_140 = arith.constant 4 : i32
      %mul3A_141 = arith.muli %add3A_126, %mul3A_140 : i32
      %broadcast_in_dim3A_142 = arith.constant 0.000000e+00 : f32
      %broadcast_in_dim3A_143 = vector.broadcast %broadcast_in_dim3A_142 : f32 to vector<16xf32>
      %scan3A_144 = arith.constant 0 : i32
      %scan3A_145 = arith.constant 32 : i32
      %scan3A_146 = arith.addi %scan3A_144, %scan3A_145 : i32
      %scan3A_147 = arith.constant 1 : i32
      %scan3A_148:4 = scf.for %scan3A_228 = %scan3A_144 to %scan3A_146 step %scan3A_147 iter_args(%scan3A_229 = %broadcast_in_dim3A_143, %scan3A_230 = %broadcast_in_dim3A_143, %scan3A_231 = %broadcast_in_dim3A_143, %scan3A_232 = %broadcast_in_dim3A_143) -> (vector<16xf32>, vector<16xf32>, vector<16xf32>, vector<16xf32>)  : i32 {
        %mul3A_233 = arith.constant 16 : i32
        %mul3A_234 = arith.muli %scan3A_228, %mul3A_233 : i32
        %add3A_235 = arith.constant 0 : i32
        %add3A_236 = arith.addi %mul3A_234, %add3A_235 : i32
        %mul3A_237 = arith.constant 16 : i32
        %mul3A_238 = arith.muli %add3A_236, %mul3A_237 : i32
        %get3A = arith.constant 0 : i32
        %get3A_239 = arith.index_cast %get3A : i32 to index
        %get3A_240 = arith.index_cast %mul3A_238 : i32 to index
        %get3A_241 = tpu.vector_load %arg14[%get3A_239, %get3A_240] {strides = array<i32>} : memref<4x8192xf32, #tpu.memory_space<vmem>>, vector<1x16xf32>,
        %get3A_242 = vector.shape_cast %get3A_241 : vector<1x16xf32> to vector<16xf32>
        %exp3A = math.exp %get3A_242 : vector<16xf32>
        %add3A_243 = arith.addf %scan3A_229, %exp3A : vector<16xf32>
        %mul3A_244 = arith.constant 16 : i32
        %mul3A_245 = arith.muli %scan3A_228, %mul3A_244 : i32
        %add3A_246 = arith.constant 1 : i32
        %add3A_247 = arith.addi %mul3A_245, %add3A_246 : i32
        %mul3A_248 = arith.constant 16 : i32
        %mul3A_249 = arith.muli %add3A_247, %mul3A_248 : i32
        %get3A_250 = arith.constant 0 : i32
        %get3A_251 = arith.index_cast %get3A_250 : i32 to index
        %get3A_252 = arith.index_cast %mul3A_249 : i32 to index
        %get3A_253 = tpu.vector_load %arg14[%get3A_251, %get3A_252] {strides = array<i32>} : memref<4x8192xf32, #tpu.memory_space<vmem>>, vector<1x16xf32>,
        %get3A_254 = vector.shape_cast %get3A_253 : vector<1x16xf32> to vector<16xf32>
        %exp3A_255 = math.exp %get3A_254 : vector<16xf32>
        %add3A_256 = arith.addf %scan3A_230, %exp3A_255 : vector<16xf32>
        %mul3A_257 = arith.constant 16 : i32
        %mul3A_258 = arith.muli %scan3A_228, %mul3A_257 : i32
        %add3A_259 = arith.constant 2 : i32
        %add3A_260 = arith.addi %mul3A_258, %add3A_259 : i32
        %mul3A_261 = arith.constant 16 : i32
        %mul3A_262 = arith.muli %add3A_260, %mul3A_261 : i32
        %get3A_263 = arith.constant 0 : i32
        %get3A_264 = arith.index_cast %get3A_263 : i32 to index
        %get3A_265 = arith.index_cast %mul3A_262 : i32 to index
        %get3A_266 = tpu.vector_load %arg14[%get3A_264, %get3A_265] {strides = array<i32>} : memref<4x8192xf32, #tpu.memory_space<vmem>>, vector<1x16xf32>,
        %get3A_267 = vector.shape_cast %get3A_266 : vector<1x16xf32> to vector<16xf32>
        %exp3A_268 = math.exp %get3A_267 : vector<16xf32>
        %add3A_269 = arith.addf %scan3A_231, %exp3A_268 : vector<16xf32>
        %mul3A_270 = arith.constant 16 : i32
        %mul3A_271 = arith.muli %scan3A_228, %mul3A_270 : i32
        %add3A_272 = arith.constant 3 : i32
        %add3A_273 = arith.addi %mul3A_271, %add3A_272 : i32
        %mul3A_274 = arith.constant 16 : i32
        %mul3A_275 = arith.muli %add3A_273, %mul3A_274 : i32
        %get3A_276 = arith.constant 0 : i32
        %get3A_277 = arith.index_cast %get3A_276 : i32 to index
        %get3A_278 = arith.index_cast %mul3A_275 : i32 to index
        %get3A_279 = tpu.vector_load %arg14[%get3A_277, %get3A_278] {strides = array<i32>} : memref<4x8192xf32, #tpu.memory_space<vmem>>, vector<1x16xf32>,
        %get3A_280 = vector.shape_cast %get3A_279 : vector<1x16xf32> to vector<16xf32>
        %exp3A_281 = math.exp %get3A_280 : vector<16xf32>
        %add3A_282 = arith.addf %scan3A_232, %exp3A_281 : vector<16xf32>
        %mul3A_283 = arith.constant 16 : i32
        %mul3A_284 = arith.muli %scan3A_228, %mul3A_283 : i32
        %add3A_285 = arith.constant 4 : i32
        %add3A_286 = arith.addi %mul3A_284, %add3A_285 : i32
        %mul3A_287 = arith.constant 16 : i32
        %mul3A_288 = arith.muli %add3A_286, %mul3A_287 : i32
        %get3A_289 = arith.constant 0 : i32
        %get3A_290 = arith.index_cast %get3A_289 : i32 to index
        %get3A_291 = arith.index_cast %mul3A_288 : i32 to index
        %get3A_292 = tpu.vector_load %arg14[%get3A_290, %get3A_291] {strides = array<i32>} : memref<4x8192xf32, #tpu.memory_space<vmem>>, vector<1x16xf32>,
        %get3A_293 = vector.shape_cast %get3A_292 : vector<1x16xf32> to vector<16xf32>
        %exp3A_294 = math.exp %get3A_293 : vector<16xf32>
        %add3A_295 = arith.addf %add3A_243, %exp3A_294 : vector<16xf32>
        %mul3A_296 = arith.constant 16 : i32
        %mul3A_297 = arith.muli %scan3A_228, %mul3A_296 : i32
        %add3A_298 = arith.constant 5 : i32
        %add3A_299 = arith.addi %mul3A_297, %add3A_298 : i32
        %mul3A_300 = arith.constant 16 : i32
        %mul3A_301 = arith.muli %add3A_299, %mul3A_300 : i32
        %get3A_302 = arith.constant 0 : i32
        %get3A_303 = arith.index_cast %get3A_302 : i32 to index
        %get3A_304 = arith.index_cast %mul3A_301 : i32 to index
        %get3A_305 = tpu.vector_load %arg14[%get3A_303, %get3A_304] {strides = array<i32>} : memref<4x8192xf32, #tpu.memory_space<vmem>>, vector<1x16xf32>,
        %get3A_306 = vector.shape_cast %get3A_305 : vector<1x16xf32> to vector<16xf32>
        %exp3A_307 = math.exp %get3A_306 : vector<16xf32>
        %add3A_308 = arith.addf %add3A_256, %exp3A_307 : vector<16xf32>
        %mul3A_309 = arith.constant 16 : i32
        %mul3A_310 = arith.muli %scan3A_228, %mul3A_309 : i32
        %add3A_311 = arith.constant 6 : i32
        %add3A_312 = arith.addi %mul3A_310, %add3A_311 : i32
        %mul3A_313 = arith.constant 16 : i32
        %mul3A_314 = arith.muli %add3A_312, %mul3A_313 : i32
        %get3A_315 = arith.constant 0 : i32
        %get3A_316 = arith.index_cast %get3A_315 : i32 to index
        %get3A_317 = arith.index_cast %mul3A_314 : i32 to index
        %get3A_318 = tpu.vector_load %arg14[%get3A_316, %get3A_317] {strides = array<i32>} : memref<4x8192xf32, #tpu.memory_space<vmem>>, vector<1x16xf32>,
        %get3A_319 = vector.shape_cast %get3A_318 : vector<1x16xf32> to vector<16xf32>
        %exp3A_320 = math.exp %get3A_319 : vector<16xf32>
        %add3A_321 = arith.addf %add3A_269, %exp3A_320 : vector<16xf32>
        %mul3A_322 = arith.constant 16 : i32
        %mul3A_323 = arith.muli %scan3A_228, %mul3A_322 : i32
        %add3A_324 = arith.constant 7 : i32
        %add3A_325 = arith.addi %mul3A_323, %add3A_324 : i32
        %mul3A_326 = arith.constant 16 : i32
        %mul3A_327 = arith.muli %add3A_325, %mul3A_326 : i32
        %get3A_328 = arith.constant 0 : i32
        %get3A_329 = arith.index_cast %get3A_328 : i32 to index
        %get3A_330 = arith.index_cast %mul3A_327 : i32 to index
        %get3A_331 = tpu.vector_load %arg14[%get3A_329, %get3A_330] {strides = array<i32>} : memref<4x8192xf32, #tpu.memory_space<vmem>>, vector<1x16xf32>,
        %get3A_332 = vector.shape_cast %get3A_331 : vector<1x16xf32> to vector<16xf32>
        %exp3A_333 = math.exp %get3A_332 : vector<16xf32>
        %add3A_334 = arith.addf %add3A_282, %exp3A_333 : vector<16xf32>
        %mul3A_335 = arith.constant 16 : i32
        %mul3A_336 = arith.muli %scan3A_228, %mul3A_335 : i32
        %add3A_337 = arith.constant 8 : i32
        %add3A_338 = arith.addi %mul3A_336, %add3A_337 : i32
        %mul3A_339 = arith.constant 16 : i32
        %mul3A_340 = arith.muli %add3A_338, %mul3A_339 : i32
        %get3A_341 = arith.constant 0 : i32
        %get3A_342 = arith.index_cast %get3A_341 : i32 to index
        %get3A_343 = arith.index_cast %mul3A_340 : i32 to index
        %get3A_344 = tpu.vector_load %arg14[%get3A_342, %get3A_343] {strides = array<i32>} : memref<4x8192xf32, #tpu.memory_space<vmem>>, vector<1x16xf32>,
        %get3A_345 = vector.shape_cast %get3A_344 : vector<1x16xf32> to vector<16xf32>
        %exp3A_346 = math.exp %get3A_345 : vector<16xf32>
        %add3A_347 = arith.addf %add3A_295, %exp3A_346 : vector<16xf32>
        %mul3A_348 = arith.constant 16 : i32
        %mul3A_349 = arith.muli %scan3A_228, %mul3A_348 : i32
        %add3A_350 = arith.constant 9 : i32
        %add3A_351 = arith.addi %mul3A_349, %add3A_350 : i32
        %mul3A_352 = arith.constant 16 : i32
        %mul3A_353 = arith.muli %add3A_351, %mul3A_352 : i32
        %get3A_354 = arith.constant 0 : i32
        %get3A_355 = arith.index_cast %get3A_354 : i32 to index
        %get3A_356 = arith.index_cast %mul3A_353 : i32 to index
        %get3A_357 = tpu.vector_load %arg14[%get3A_355, %get3A_356] {strides = array<i32>} : memref<4x8192xf32, #tpu.memory_space<vmem>>, vector<1x16xf32>,
        %get3A_358 = vector.shape_cast %get3A_357 : vector<1x16xf32> to vector<16xf32>
        %exp3A_359 = math.exp %get3A_358 : vector<16xf32>
        %add3A_360 = arith.addf %add3A_308, %exp3A_359 : vector<16xf32>
        %mul3A_361 = arith.constant 16 : i32
        %mul3A_362 = arith.muli %scan3A_228, %mul3A_361 : i32
        %add3A_363 = arith.constant 10 : i32
        %add3A_364 = arith.addi %mul3A_362, %add3A_363 : i32
        %mul3A_365 = arith.constant 16 : i32
        %mul3A_366 = arith.muli %add3A_364, %mul3A_365 : i32
        %get3A_367 = arith.constant 0 : i32
        %get3A_368 = arith.index_cast %get3A_367 : i32 to index
        %get3A_369 = arith.index_cast %mul3A_366 : i32 to index
        %get3A_370 = tpu.vector_load %arg14[%get3A_368, %get3A_369] {strides = array<i32>} : memref<4x8192xf32, #tpu.memory_space<vmem>>, vector<1x16xf32>,
        %get3A_371 = vector.shape_cast %get3A_370 : vector<1x16xf32> to vector<16xf32>
        %exp3A_372 = math.exp %get3A_371 : vector<16xf32>
        %add3A_373 = arith.addf %add3A_321, %exp3A_372 : vector<16xf32>
        %mul3A_374 = arith.constant 16 : i32
        %mul3A_375 = arith.muli %scan3A_228, %mul3A_374 : i32
        %add3A_376 = arith.constant 11 : i32
        %add3A_377 = arith.addi %mul3A_375, %add3A_376 : i32
        %mul3A_378 = arith.constant 16 : i32
        %mul3A_379 = arith.muli %add3A_377, %mul3A_378 : i32
        %get3A_380 = arith.constant 0 : i32
        %get3A_381 = arith.index_cast %get3A_380 : i32 to index
        %get3A_382 = arith.index_cast %mul3A_379 : i32 to index
        %get3A_383 = tpu.vector_load %arg14[%get3A_381, %get3A_382] {strides = array<i32>} : memref<4x8192xf32, #tpu.memory_space<vmem>>, vector<1x16xf32>,
        %get3A_384 = vector.shape_cast %get3A_383 : vector<1x16xf32> to vector<16xf32>
        %exp3A_385 = math.exp %get3A_384 : vector<16xf32>
        %add3A_386 = arith.addf %add3A_334, %exp3A_385 : vector<16xf32>
        %mul3A_387 = arith.constant 16 : i32
        %mul3A_388 = arith.muli %scan3A_228, %mul3A_387 : i32
        %add3A_389 = arith.constant 12 : i32
        %add3A_390 = arith.addi %mul3A_388, %add3A_389 : i32
        %mul3A_391 = arith.constant 16 : i32
        %mul3A_392 = arith.muli %add3A_390, %mul3A_391 : i32
        %get3A_393 = arith.constant 0 : i32
        %get3A_394 = arith.index_cast %get3A_393 : i32 to index
        %get3A_395 = arith.index_cast %mul3A_392 : i32 to index
        %get3A_396 = tpu.vector_load %arg14[%get3A_394, %get3A_395] {strides = array<i32>} : memref<4x8192xf32, #tpu.memory_space<vmem>>, vector<1x16xf32>,
        %get3A_397 = vector.shape_cast %get3A_396 : vector<1x16xf32> to vector<16xf32>
        %exp3A_398 = math.exp %get3A_397 : vector<16xf32>
        %add3A_399 = arith.addf %add3A_347, %exp3A_398 : vector<16xf32>
        %mul3A_400 = arith.constant 16 : i32
        %mul3A_401 = arith.muli %scan3A_228, %mul3A_400 : i32
        %add3A_402 = arith.constant 13 : i32
        %add3A_403 = arith.addi %mul3A_401, %add3A_402 : i32
        %mul3A_404 = arith.constant 16 : i32
        %mul3A_405 = arith.muli %add3A_403, %mul3A_404 : i32
        %get3A_406 = arith.constant 0 : i32
        %get3A_407 = arith.index_cast %get3A_406 : i32 to index
        %get3A_408 = arith.index_cast %mul3A_405 : i32 to index
        %get3A_409 = tpu.vector_load %arg14[%get3A_407, %get3A_408] {strides = array<i32>} : memref<4x8192xf32, #tpu.memory_space<vmem>>, vector<1x16xf32>,
        %get3A_410 = vector.shape_cast %get3A_409 : vector<1x16xf32> to vector<16xf32>
        %exp3A_411 = math.exp %get3A_410 : vector<16xf32>
        %add3A_412 = arith.addf %add3A_360, %exp3A_411 : vector<16xf32>
        %mul3A_413 = arith.constant 16 : i32
        %mul3A_414 = arith.muli %scan3A_228, %mul3A_413 : i32
        %add3A_415 = arith.constant 14 : i32
        %add3A_416 = arith.addi %mul3A_414, %add3A_415 : i32
        %mul3A_417 = arith.constant 16 : i32
        %mul3A_418 = arith.muli %add3A_416, %mul3A_417 : i32
        %get3A_419 = arith.constant 0 : i32
        %get3A_420 = arith.index_cast %get3A_419 : i32 to index
        %get3A_421 = arith.index_cast %mul3A_418 : i32 to index
        %get3A_422 = tpu.vector_load %arg14[%get3A_420, %get3A_421] {strides = array<i32>} : memref<4x8192xf32, #tpu.memory_space<vmem>>, vector<1x16xf32>,
        %get3A_423 = vector.shape_cast %get3A_422 : vector<1x16xf32> to vector<16xf32>
        %exp3A_424 = math.exp %get3A_423 : vector<16xf32>
        %add3A_425 = arith.addf %add3A_373, %exp3A_424 : vector<16xf32>
        %mul3A_426 = arith.constant 16 : i32
        %mul3A_427 = arith.muli %scan3A_228, %mul3A_426 : i32
        %add3A_428 = arith.constant 15 : i32
        %add3A_429 = arith.addi %mul3A_427, %add3A_428 : i32
        %mul3A_430 = arith.constant 16 : i32
        %mul3A_431 = arith.muli %add3A_429, %mul3A_430 : i32
        %get3A_432 = arith.constant 0 : i32
        %get3A_433 = arith.index_cast %get3A_432 : i32 to index
        %get3A_434 = arith.index_cast %mul3A_431 : i32 to index
        %get3A_435 = tpu.vector_load %arg14[%get3A_433, %get3A_434] {strides = array<i32>} : memref<4x8192xf32, #tpu.memory_space<vmem>>, vector<1x16xf32>,
        %get3A_436 = vector.shape_cast %get3A_435 : vector<1x16xf32> to vector<16xf32>
        %exp3A_437 = math.exp %get3A_436 : vector<16xf32>
        %add3A_438 = arith.addf %add3A_386, %exp3A_437 : vector<16xf32>
        scf.yield %add3A_399, %add3A_412, %add3A_425, %add3A_438 : vector<16xf32>, vector<16xf32>, vector<16xf32>, vector<16xf32>
      }
      %scan3A_149 = arith.constant 32 : i32
      %add3A_150 = arith.addf %scan3A_148#0, %scan3A_148#1 : vector<16xf32>
      %add3A_151 = arith.addf %add3A_150, %scan3A_148#2 : vector<16xf32>
      %add3A_152 = arith.addf %add3A_151, %scan3A_148#3 : vector<16xf32>
      %add3A_153 = arith.constant 0 : i32
      %add3A_154 = arith.addi %mul3A_141, %add3A_153 : i32
      %swap3A_155 = arith.index_cast %add3A_154 : i32 to index
      %swap3A_156 = arith.constant 0 : index
      %swap3A_157 = tpu.vector_load %arg11[%swap3A_155, %swap3A_156] {strides = array<i32>} : memref<256x16xf32, #tpu.memory_space<vmem>>, vector<1x16xf32>,
      %swap3A_158 = vector.shape_cast %swap3A_157 : vector<1x16xf32> to vector<16xf32>
      %swap3A_159 = vector.shape_cast %add3A_152 : vector<16xf32> to vector<1x16xf32>
      tpu.vector_store %arg11[%swap3A_155, %swap3A_156], %swap3A_159 {strides = array<i32>} : memref<256x16xf32, #tpu.memory_space<vmem>>, vector<1x16xf32>,
      %broadcast_in_dim3A_160 = arith.constant 0.000000e+00 : f32
      %broadcast_in_dim3A_161 = vector.broadcast %broadcast_in_dim3A_160 : f32 to vector<16xf32>
      %scan3A_162 = arith.constant 0 : i32
      %scan3A_163 = arith.constant 32 : i32
      %scan3A_164 = arith.addi %scan3A_162, %scan3A_163 : i32
      %scan3A_165 = arith.constant 1 : i32
      %scan3A_166:4 = scf.for %scan3A_228 = %scan3A_162 to %scan3A_164 step %scan3A_165 iter_args(%scan3A_229 = %broadcast_in_dim3A_161, %scan3A_230 = %broadcast_in_dim3A_161, %scan3A_231 = %broadcast_in_dim3A_161, %scan3A_232 = %broadcast_in_dim3A_161) -> (vector<16xf32>, vector<16xf32>, vector<16xf32>, vector<16xf32>)  : i32 {
        %mul3A_233 = arith.constant 16 : i32
        %mul3A_234 = arith.muli %scan3A_228, %mul3A_233 : i32
        %add3A_235 = arith.constant 0 : i32
        %add3A_236 = arith.addi %mul3A_234, %add3A_235 : i32
        %mul3A_237 = arith.constant 16 : i32
        %mul3A_238 = arith.muli %add3A_236, %mul3A_237 : i32
        %get3A = arith.constant 1 : i32
        %get3A_239 = arith.index_cast %get3A : i32 to index
        %get3A_240 = arith.index_cast %mul3A_238 : i32 to index
        %get3A_241 = tpu.vector_load %arg14[%get3A_239, %get3A_240] {strides = array<i32>} : memref<4x8192xf32, #tpu.memory_space<vmem>>, vector<1x16xf32>,
        %get3A_242 = vector.shape_cast %get3A_241 : vector<1x16xf32> to vector<16xf32>
        %exp3A = math.exp %get3A_242 : vector<16xf32>
        %add3A_243 = arith.addf %scan3A_229, %exp3A : vector<16xf32>
        %mul3A_244 = arith.constant 16 : i32
        %mul3A_245 = arith.muli %scan3A_228, %mul3A_244 : i32
        %add3A_246 = arith.constant 1 : i32
        %add3A_247 = arith.addi %mul3A_245, %add3A_246 : i32
        %mul3A_248 = arith.constant 16 : i32
        %mul3A_249 = arith.muli %add3A_247, %mul3A_248 : i32
        %get3A_250 = arith.constant 1 : i32
        %get3A_251 = arith.index_cast %get3A_250 : i32 to index
        %get3A_252 = arith.index_cast %mul3A_249 : i32 to index
        %get3A_253 = tpu.vector_load %arg14[%get3A_251, %get3A_252] {strides = array<i32>} : memref<4x8192xf32, #tpu.memory_space<vmem>>, vector<1x16xf32>,
        %get3A_254 = vector.shape_cast %get3A_253 : vector<1x16xf32> to vector<16xf32>
        %exp3A_255 = math.exp %get3A_254 : vector<16xf32>
        %add3A_256 = arith.addf %scan3A_230, %exp3A_255 : vector<16xf32>
        %mul3A_257 = arith.constant 16 : i32
        %mul3A_258 = arith.muli %scan3A_228, %mul3A_257 : i32
        %add3A_259 = arith.constant 2 : i32
        %add3A_260 = arith.addi %mul3A_258, %add3A_259 : i32
        %mul3A_261 = arith.constant 16 : i32
        %mul3A_262 = arith.muli %add3A_260, %mul3A_261 : i32
        %get3A_263 = arith.constant 1 : i32
        %get3A_264 = arith.index_cast %get3A_263 : i32 to index
        %get3A_265 = arith.index_cast %mul3A_262 : i32 to index
        %get3A_266 = tpu.vector_load %arg14[%get3A_264, %get3A_265] {strides = array<i32>} : memref<4x8192xf32, #tpu.memory_space<vmem>>, vector<1x16xf32>,
        %get3A_267 = vector.shape_cast %get3A_266 : vector<1x16xf32> to vector<16xf32>
        %exp3A_268 = math.exp %get3A_267 : vector<16xf32>
        %add3A_269 = arith.addf %scan3A_231, %exp3A_268 : vector<16xf32>
        %mul3A_270 = arith.constant 16 : i32
        %mul3A_271 = arith.muli %scan3A_228, %mul3A_270 : i32
        %add3A_272 = arith.constant 3 : i32
        %add3A_273 = arith.addi %mul3A_271, %add3A_272 : i32
        %mul3A_274 = arith.constant 16 : i32
        %mul3A_275 = arith.muli %add3A_273, %mul3A_274 : i32
        %get3A_276 = arith.constant 1 : i32
        %get3A_277 = arith.index_cast %get3A_276 : i32 to index
        %get3A_278 = arith.index_cast %mul3A_275 : i32 to index
        %get3A_279 = tpu.vector_load %arg14[%get3A_277, %get3A_278] {strides = array<i32>} : memref<4x8192xf32, #tpu.memory_space<vmem>>, vector<1x16xf32>,
        %get3A_280 = vector.shape_cast %get3A_279 : vector<1x16xf32> to vector<16xf32>
        %exp3A_281 = math.exp %get3A_280 : vector<16xf32>
        %add3A_282 = arith.addf %scan3A_232, %exp3A_281 : vector<16xf32>
        %mul3A_283 = arith.constant 16 : i32
        %mul3A_284 = arith.muli %scan3A_228, %mul3A_283 : i32
        %add3A_285 = arith.constant 4 : i32
        %add3A_286 = arith.addi %mul3A_284, %add3A_285 : i32
        %mul3A_287 = arith.constant 16 : i32
        %mul3A_288 = arith.muli %add3A_286, %mul3A_287 : i32
        %get3A_289 = arith.constant 1 : i32
        %get3A_290 = arith.index_cast %get3A_289 : i32 to index
        %get3A_291 = arith.index_cast %mul3A_288 : i32 to index
        %get3A_292 = tpu.vector_load %arg14[%get3A_290, %get3A_291] {strides = array<i32>} : memref<4x8192xf32, #tpu.memory_space<vmem>>, vector<1x16xf32>,
        %get3A_293 = vector.shape_cast %get3A_292 : vector<1x16xf32> to vector<16xf32>
        %exp3A_294 = math.exp %get3A_293 : vector<16xf32>
        %add3A_295 = arith.addf %add3A_243, %exp3A_294 : vector<16xf32>
        %mul3A_296 = arith.constant 16 : i32
        %mul3A_297 = arith.muli %scan3A_228, %mul3A_296 : i32
        %add3A_298 = arith.constant 5 : i32
        %add3A_299 = arith.addi %mul3A_297, %add3A_298 : i32
        %mul3A_300 = arith.constant 16 : i32
        %mul3A_301 = arith.muli %add3A_299, %mul3A_300 : i32
        %get3A_302 = arith.constant 1 : i32
        %get3A_303 = arith.index_cast %get3A_302 : i32 to index
        %get3A_304 = arith.index_cast %mul3A_301 : i32 to index
        %get3A_305 = tpu.vector_load %arg14[%get3A_303, %get3A_304] {strides = array<i32>} : memref<4x8192xf32, #tpu.memory_space<vmem>>, vector<1x16xf32>,
        %get3A_306 = vector.shape_cast %get3A_305 : vector<1x16xf32> to vector<16xf32>
        %exp3A_307 = math.exp %get3A_306 : vector<16xf32>
        %add3A_308 = arith.addf %add3A_256, %exp3A_307 : vector<16xf32>
        %mul3A_309 = arith.constant 16 : i32
        %mul3A_310 = arith.muli %scan3A_228, %mul3A_309 : i32
        %add3A_311 = arith.constant 6 : i32
        %add3A_312 = arith.addi %mul3A_310, %add3A_311 : i32
        %mul3A_313 = arith.constant 16 : i32
        %mul3A_314 = arith.muli %add3A_312, %mul3A_313 : i32
        %get3A_315 = arith.constant 1 : i32
        %get3A_316 = arith.index_cast %get3A_315 : i32 to index
        %get3A_317 = arith.index_cast %mul3A_314 : i32 to index
        %get3A_318 = tpu.vector_load %arg14[%get3A_316, %get3A_317] {strides = array<i32>} : memref<4x8192xf32, #tpu.memory_space<vmem>>, vector<1x16xf32>,
        %get3A_319 = vector.shape_cast %get3A_318 : vector<1x16xf32> to vector<16xf32>
        %exp3A_320 = math.exp %get3A_319 : vector<16xf32>
        %add3A_321 = arith.addf %add3A_269, %exp3A_320 : vector<16xf32>
        %mul3A_322 = arith.constant 16 : i32
        %mul3A_323 = arith.muli %scan3A_228, %mul3A_322 : i32
        %add3A_324 = arith.constant 7 : i32
        %add3A_325 = arith.addi %mul3A_323, %add3A_324 : i32
        %mul3A_326 = arith.constant 16 : i32
        %mul3A_327 = arith.muli %add3A_325, %mul3A_326 : i32
        %get3A_328 = arith.constant 1 : i32
        %get3A_329 = arith.index_cast %get3A_328 : i32 to index
        %get3A_330 = arith.index_cast %mul3A_327 : i32 to index
        %get3A_331 = tpu.vector_load %arg14[%get3A_329, %get3A_330] {strides = array<i32>} : memref<4x8192xf32, #tpu.memory_space<vmem>>, vector<1x16xf32>,
        %get3A_332 = vector.shape_cast %get3A_331 : vector<1x16xf32> to vector<16xf32>
        %exp3A_333 = math.exp %get3A_332 : vector<16xf32>
        %add3A_334 = arith.addf %add3A_282, %exp3A_333 : vector<16xf32>
        %mul3A_335 = arith.constant 16 : i32
        %mul3A_336 = arith.muli %scan3A_228, %mul3A_335 : i32
        %add3A_337 = arith.constant 8 : i32
        %add3A_338 = arith.addi %mul3A_336, %add3A_337 : i32
        %mul3A_339 = arith.constant 16 : i32
        %mul3A_340 = arith.muli %add3A_338, %mul3A_339 : i32
        %get3A_341 = arith.constant 1 : i32
        %get3A_342 = arith.index_cast %get3A_341 : i32 to index
        %get3A_343 = arith.index_cast %mul3A_340 : i32 to index
        %get3A_344 = tpu.vector_load %arg14[%get3A_342, %get3A_343] {strides = array<i32>} : memref<4x8192xf32, #tpu.memory_space<vmem>>, vector<1x16xf32>,
        %get3A_345 = vector.shape_cast %get3A_344 : vector<1x16xf32> to vector<16xf32>
        %exp3A_346 = math.exp %get3A_345 : vector<16xf32>
        %add3A_347 = arith.addf %add3A_295, %exp3A_346 : vector<16xf32>
        %mul3A_348 = arith.constant 16 : i32
        %mul3A_349 = arith.muli %scan3A_228, %mul3A_348 : i32
        %add3A_350 = arith.constant 9 : i32
        %add3A_351 = arith.addi %mul3A_349, %add3A_350 : i32
        %mul3A_352 = arith.constant 16 : i32
        %mul3A_353 = arith.muli %add3A_351, %mul3A_352 : i32
        %get3A_354 = arith.constant 1 : i32
        %get3A_355 = arith.index_cast %get3A_354 : i32 to index
        %get3A_356 = arith.index_cast %mul3A_353 : i32 to index
        %get3A_357 = tpu.vector_load %arg14[%get3A_355, %get3A_356] {strides = array<i32>} : memref<4x8192xf32, #tpu.memory_space<vmem>>, vector<1x16xf32>,
        %get3A_358 = vector.shape_cast %get3A_357 : vector<1x16xf32> to vector<16xf32>
        %exp3A_359 = math.exp %get3A_358 : vector<16xf32>
        %add3A_360 = arith.addf %add3A_308, %exp3A_359 : vector<16xf32>
        %mul3A_361 = arith.constant 16 : i32
        %mul3A_362 = arith.muli %scan3A_228, %mul3A_361 : i32
        %add3A_363 = arith.constant 10 : i32
        %add3A_364 = arith.addi %mul3A_362, %add3A_363 : i32
        %mul3A_365 = arith.constant 16 : i32
        %mul3A_366 = arith.muli %add3A_364, %mul3A_365 : i32
        %get3A_367 = arith.constant 1 : i32
        %get3A_368 = arith.index_cast %get3A_367 : i32 to index
        %get3A_369 = arith.index_cast %mul3A_366 : i32 to index
        %get3A_370 = tpu.vector_load %arg14[%get3A_368, %get3A_369] {strides = array<i32>} : memref<4x8192xf32, #tpu.memory_space<vmem>>, vector<1x16xf32>,
        %get3A_371 = vector.shape_cast %get3A_370 : vector<1x16xf32> to vector<16xf32>
        %exp3A_372 = math.exp %get3A_371 : vector<16xf32>
        %add3A_373 = arith.addf %add3A_321, %exp3A_372 : vector<16xf32>
        %mul3A_374 = arith.constant 16 : i32
        %mul3A_375 = arith.muli %scan3A_228, %mul3A_374 : i32
        %add3A_376 = arith.constant 11 : i32
        %add3A_377 = arith.addi %mul3A_375, %add3A_376 : i32
        %mul3A_378 = arith.constant 16 : i32
        %mul3A_379 = arith.muli %add3A_377, %mul3A_378 : i32
        %get3A_380 = arith.constant 1 : i32
        %get3A_381 = arith.index_cast %get3A_380 : i32 to index
        %get3A_382 = arith.index_cast %mul3A_379 : i32 to index
        %get3A_383 = tpu.vector_load %arg14[%get3A_381, %get3A_382] {strides = array<i32>} : memref<4x8192xf32, #tpu.memory_space<vmem>>, vector<1x16xf32>,
        %get3A_384 = vector.shape_cast %get3A_383 : vector<1x16xf32> to vector<16xf32>
        %exp3A_385 = math.exp %get3A_384 : vector<16xf32>
        %add3A_386 = arith.addf %add3A_334, %exp3A_385 : vector<16xf32>
        %mul3A_387 = arith.constant 16 : i32
        %mul3A_388 = arith.muli %scan3A_228, %mul3A_387 : i32
        %add3A_389 = arith.constant 12 : i32
        %add3A_390 = arith.addi %mul3A_388, %add3A_389 : i32
        %mul3A_391 = arith.constant 16 : i32
        %mul3A_392 = arith.muli %add3A_390, %mul3A_391 : i32
        %get3A_393 = arith.constant 1 : i32
        %get3A_394 = arith.index_cast %get3A_393 : i32 to index
        %get3A_395 = arith.index_cast %mul3A_392 : i32 to index
        %get3A_396 = tpu.vector_load %arg14[%get3A_394, %get3A_395] {strides = array<i32>} : memref<4x8192xf32, #tpu.memory_space<vmem>>, vector<1x16xf32>,
        %get3A_397 = vector.shape_cast %get3A_396 : vector<1x16xf32> to vector<16xf32>
        %exp3A_398 = math.exp %get3A_397 : vector<16xf32>
        %add3A_399 = arith.addf %add3A_347, %exp3A_398 : vector<16xf32>
        %mul3A_400 = arith.constant 16 : i32
        %mul3A_401 = arith.muli %scan3A_228, %mul3A_400 : i32
        %add3A_402 = arith.constant 13 : i32
        %add3A_403 = arith.addi %mul3A_401, %add3A_402 : i32
        %mul3A_404 = arith.constant 16 : i32
        %mul3A_405 = arith.muli %add3A_403, %mul3A_404 : i32
        %get3A_406 = arith.constant 1 : i32
        %get3A_407 = arith.index_cast %get3A_406 : i32 to index
        %get3A_408 = arith.index_cast %mul3A_405 : i32 to index
        %get3A_409 = tpu.vector_load %arg14[%get3A_407, %get3A_408] {strides = array<i32>} : memref<4x8192xf32, #tpu.memory_space<vmem>>, vector<1x16xf32>,
        %get3A_410 = vector.shape_cast %get3A_409 : vector<1x16xf32> to vector<16xf32>
        %exp3A_411 = math.exp %get3A_410 : vector<16xf32>
        %add3A_412 = arith.addf %add3A_360, %exp3A_411 : vector<16xf32>
        %mul3A_413 = arith.constant 16 : i32
        %mul3A_414 = arith.muli %scan3A_228, %mul3A_413 : i32
        %add3A_415 = arith.constant 14 : i32
        %add3A_416 = arith.addi %mul3A_414, %add3A_415 : i32
        %mul3A_417 = arith.constant 16 : i32
        %mul3A_418 = arith.muli %add3A_416, %mul3A_417 : i32
        %get3A_419 = arith.constant 1 : i32
        %get3A_420 = arith.index_cast %get3A_419 : i32 to index
        %get3A_421 = arith.index_cast %mul3A_418 : i32 to index
        %get3A_422 = tpu.vector_load %arg14[%get3A_420, %get3A_421] {strides = array<i32>} : memref<4x8192xf32, #tpu.memory_space<vmem>>, vector<1x16xf32>,
        %get3A_423 = vector.shape_cast %get3A_422 : vector<1x16xf32> to vector<16xf32>
        %exp3A_424 = math.exp %get3A_423 : vector<16xf32>
        %add3A_425 = arith.addf %add3A_373, %exp3A_424 : vector<16xf32>
        %mul3A_426 = arith.constant 16 : i32
        %mul3A_427 = arith.muli %scan3A_228, %mul3A_426 : i32
        %add3A_428 = arith.constant 15 : i32
        %add3A_429 = arith.addi %mul3A_427, %add3A_428 : i32
        %mul3A_430 = arith.constant 16 : i32
        %mul3A_431 = arith.muli %add3A_429, %mul3A_430 : i32
        %get3A_432 = arith.constant 1 : i32
        %get3A_433 = arith.index_cast %get3A_432 : i32 to index
        %get3A_434 = arith.index_cast %mul3A_431 : i32 to index
        %get3A_435 = tpu.vector_load %arg14[%get3A_433, %get3A_434] {strides = array<i32>} : memref<4x8192xf32, #tpu.memory_space<vmem>>, vector<1x16xf32>,
        %get3A_436 = vector.shape_cast %get3A_435 : vector<1x16xf32> to vector<16xf32>
        %exp3A_437 = math.exp %get3A_436 : vector<16xf32>
        %add3A_438 = arith.addf %add3A_386, %exp3A_437 : vector<16xf32>
        scf.yield %add3A_399, %add3A_412, %add3A_425, %add3A_438 : vector<16xf32>, vector<16xf32>, vector<16xf32>, vector<16xf32>
      }
      %scan3A_167 = arith.constant 32 : i32
      %add3A_168 = arith.addf %scan3A_166#0, %scan3A_166#1 : vector<16xf32>
      %add3A_169 = arith.addf %add3A_168, %scan3A_166#2 : vector<16xf32>
      %add3A_170 = arith.addf %add3A_169, %scan3A_166#3 : vector<16xf32>
      %add3A_171 = arith.constant 1 : i32
      %add3A_172 = arith.addi %mul3A_141, %add3A_171 : i32
      %swap3A_173 = arith.index_cast %add3A_172 : i32 to index
      %swap3A_174 = arith.constant 0 : index
      %swap3A_175 = tpu.vector_load %arg11[%swap3A_173, %swap3A_174] {strides = array<i32>} : memref<256x16xf32, #tpu.memory_space<vmem>>, vector<1x16xf32>,
      %swap3A_176 = vector.shape_cast %swap3A_175 : vector<1x16xf32> to vector<16xf32>
      %swap3A_177 = vector.shape_cast %add3A_170 : vector<16xf32> to vector<1x16xf32>
      tpu.vector_store %arg11[%swap3A_173, %swap3A_174], %swap3A_177 {strides = array<i32>} : memref<256x16xf32, #tpu.memory_space<vmem>>, vector<1x16xf32>,
      %broadcast_in_dim3A_178 = arith.constant 0.000000e+00 : f32
      %broadcast_in_dim3A_179 = vector.broadcast %broadcast_in_dim3A_178 : f32 to vector<16xf32>
      %scan3A_180 = arith.constant 0 : i32
      %scan3A_181 = arith.constant 32 : i32
      %scan3A_182 = arith.addi %scan3A_180, %scan3A_181 : i32
      %scan3A_183 = arith.constant 1 : i32
      %scan3A_184:4 = scf.for %scan3A_228 = %scan3A_180 to %scan3A_182 step %scan3A_183 iter_args(%scan3A_229 = %broadcast_in_dim3A_179, %scan3A_230 = %broadcast_in_dim3A_179, %scan3A_231 = %broadcast_in_dim3A_179, %scan3A_232 = %broadcast_in_dim3A_179) -> (vector<16xf32>, vector<16xf32>, vector<16xf32>, vector<16xf32>)  : i32 {
        %mul3A_233 = arith.constant 16 : i32
        %mul3A_234 = arith.muli %scan3A_228, %mul3A_233 : i32
        %add3A_235 = arith.constant 0 : i32
        %add3A_236 = arith.addi %mul3A_234, %add3A_235 : i32
        %mul3A_237 = arith.constant 16 : i32
        %mul3A_238 = arith.muli %add3A_236, %mul3A_237 : i32
        %get3A = arith.constant 2 : i32
        %get3A_239 = arith.index_cast %get3A : i32 to index
        %get3A_240 = arith.index_cast %mul3A_238 : i32 to index
        %get3A_241 = tpu.vector_load %arg14[%get3A_239, %get3A_240] {strides = array<i32>} : memref<4x8192xf32, #tpu.memory_space<vmem>>, vector<1x16xf32>,
        %get3A_242 = vector.shape_cast %get3A_241 : vector<1x16xf32> to vector<16xf32>
        %exp3A = math.exp %get3A_242 : vector<16xf32>
        %add3A_243 = arith.addf %scan3A_229, %exp3A : vector<16xf32>
        %mul3A_244 = arith.constant 16 : i32
        %mul3A_245 = arith.muli %scan3A_228, %mul3A_244 : i32
        %add3A_246 = arith.constant 1 : i32
        %add3A_247 = arith.addi %mul3A_245, %add3A_246 : i32
        %mul3A_248 = arith.constant 16 : i32
        %mul3A_249 = arith.muli %add3A_247, %mul3A_248 : i32
        %get3A_250 = arith.constant 2 : i32
        %get3A_251 = arith.index_cast %get3A_250 : i32 to index
        %get3A_252 = arith.index_cast %mul3A_249 : i32 to index
        %get3A_253 = tpu.vector_load %arg14[%get3A_251, %get3A_252] {strides = array<i32>} : memref<4x8192xf32, #tpu.memory_space<vmem>>, vector<1x16xf32>,
        %get3A_254 = vector.shape_cast %get3A_253 : vector<1x16xf32> to vector<16xf32>
        %exp3A_255 = math.exp %get3A_254 : vector<16xf32>
        %add3A_256 = arith.addf %scan3A_230, %exp3A_255 : vector<16xf32>
        %mul3A_257 = arith.constant 16 : i32
        %mul3A_258 = arith.muli %scan3A_228, %mul3A_257 : i32
        %add3A_259 = arith.constant 2 : i32
        %add3A_260 = arith.addi %mul3A_258, %add3A_259 : i32
        %mul3A_261 = arith.constant 16 : i32
        %mul3A_262 = arith.muli %add3A_260, %mul3A_261 : i32
        %get3A_263 = arith.constant 2 : i32
        %get3A_264 = arith.index_cast %get3A_263 : i32 to index
        %get3A_265 = arith.index_cast %mul3A_262 : i32 to index
        %get3A_266 = tpu.vector_load %arg14[%get3A_264, %get3A_265] {strides = array<i32>} : memref<4x8192xf32, #tpu.memory_space<vmem>>, vector<1x16xf32>,
        %get3A_267 = vector.shape_cast %get3A_266 : vector<1x16xf32> to vector<16xf32>
        %exp3A_268 = math.exp %get3A_267 : vector<16xf32>
        %add3A_269 = arith.addf %scan3A_231, %exp3A_268 : vector<16xf32>
        %mul3A_270 = arith.constant 16 : i32
        %mul3A_271 = arith.muli %scan3A_228, %mul3A_270 : i32
        %add3A_272 = arith.constant 3 : i32
        %add3A_273 = arith.addi %mul3A_271, %add3A_272 : i32
        %mul3A_274 = arith.constant 16 : i32
        %mul3A_275 = arith.muli %add3A_273, %mul3A_274 : i32
        %get3A_276 = arith.constant 2 : i32
        %get3A_277 = arith.index_cast %get3A_276 : i32 to index
        %get3A_278 = arith.index_cast %mul3A_275 : i32 to index
        %get3A_279 = tpu.vector_load %arg14[%get3A_277, %get3A_278] {strides = array<i32>} : memref<4x8192xf32, #tpu.memory_space<vmem>>, vector<1x16xf32>,
        %get3A_280 = vector.shape_cast %get3A_279 : vector<1x16xf32> to vector<16xf32>
        %exp3A_281 = math.exp %get3A_280 : vector<16xf32>
        %add3A_282 = arith.addf %scan3A_232, %exp3A_281 : vector<16xf32>
        %mul3A_283 = arith.constant 16 : i32
        %mul3A_284 = arith.muli %scan3A_228, %mul3A_283 : i32
        %add3A_285 = arith.constant 4 : i32
        %add3A_286 = arith.addi %mul3A_284, %add3A_285 : i32
        %mul3A_287 = arith.constant 16 : i32
        %mul3A_288 = arith.muli %add3A_286, %mul3A_287 : i32
        %get3A_289 = arith.constant 2 : i32
        %get3A_290 = arith.index_cast %get3A_289 : i32 to index
        %get3A_291 = arith.index_cast %mul3A_288 : i32 to index
        %get3A_292 = tpu.vector_load %arg14[%get3A_290, %get3A_291] {strides = array<i32>} : memref<4x8192xf32, #tpu.memory_space<vmem>>, vector<1x16xf32>,
        %get3A_293 = vector.shape_cast %get3A_292 : vector<1x16xf32> to vector<16xf32>
        %exp3A_294 = math.exp %get3A_293 : vector<16xf32>
        %add3A_295 = arith.addf %add3A_243, %exp3A_294 : vector<16xf32>
        %mul3A_296 = arith.constant 16 : i32
        %mul3A_297 = arith.muli %scan3A_228, %mul3A_296 : i32
        %add3A_298 = arith.constant 5 : i32
        %add3A_299 = arith.addi %mul3A_297, %add3A_298 : i32
        %mul3A_300 = arith.constant 16 : i32
        %mul3A_301 = arith.muli %add3A_299, %mul3A_300 : i32
        %get3A_302 = arith.constant 2 : i32
        %get3A_303 = arith.index_cast %get3A_302 : i32 to index
        %get3A_304 = arith.index_cast %mul3A_301 : i32 to index
        %get3A_305 = tpu.vector_load %arg14[%get3A_303, %get3A_304] {strides = array<i32>} : memref<4x8192xf32, #tpu.memory_space<vmem>>, vector<1x16xf32>,
        %get3A_306 = vector.shape_cast %get3A_305 : vector<1x16xf32> to vector<16xf32>
        %exp3A_307 = math.exp %get3A_306 : vector<16xf32>
        %add3A_308 = arith.addf %add3A_256, %exp3A_307 : vector<16xf32>
        %mul3A_309 = arith.constant 16 : i32
        %mul3A_310 = arith.muli %scan3A_228, %mul3A_309 : i32
        %add3A_311 = arith.constant 6 : i32
        %add3A_312 = arith.addi %mul3A_310, %add3A_311 : i32
        %mul3A_313 = arith.constant 16 : i32
        %mul3A_314 = arith.muli %add3A_312, %mul3A_313 : i32
        %get3A_315 = arith.constant 2 : i32
        %get3A_316 = arith.index_cast %get3A_315 : i32 to index
        %get3A_317 = arith.index_cast %mul3A_314 : i32 to index
        %get3A_318 = tpu.vector_load %arg14[%get3A_316, %get3A_317] {strides = array<i32>} : memref<4x8192xf32, #tpu.memory_space<vmem>>, vector<1x16xf32>,
        %get3A_319 = vector.shape_cast %get3A_318 : vector<1x16xf32> to vector<16xf32>
        %exp3A_320 = math.exp %get3A_319 : vector<16xf32>
        %add3A_321 = arith.addf %add3A_269, %exp3A_320 : vector<16xf32>
        %mul3A_322 = arith.constant 16 : i32
        %mul3A_323 = arith.muli %scan3A_228, %mul3A_322 : i32
        %add3A_324 = arith.constant 7 : i32
        %add3A_325 = arith.addi %mul3A_323, %add3A_324 : i32
        %mul3A_326 = arith.constant 16 : i32
        %mul3A_327 = arith.muli %add3A_325, %mul3A_326 : i32
        %get3A_328 = arith.constant 2 : i32
        %get3A_329 = arith.index_cast %get3A_328 : i32 to index
        %get3A_330 = arith.index_cast %mul3A_327 : i32 to index
        %get3A_331 = tpu.vector_load %arg14[%get3A_329, %get3A_330] {strides = array<i32>} : memref<4x8192xf32, #tpu.memory_space<vmem>>, vector<1x16xf32>,
        %get3A_332 = vector.shape_cast %get3A_331 : vector<1x16xf32> to vector<16xf32>
        %exp3A_333 = math.exp %get3A_332 : vector<16xf32>
        %add3A_334 = arith.addf %add3A_282, %exp3A_333 : vector<16xf32>
        %mul3A_335 = arith.constant 16 : i32
        %mul3A_336 = arith.muli %scan3A_228, %mul3A_335 : i32
        %add3A_337 = arith.constant 8 : i32
        %add3A_338 = arith.addi %mul3A_336, %add3A_337 : i32
        %mul3A_339 = arith.constant 16 : i32
        %mul3A_340 = arith.muli %add3A_338, %mul3A_339 : i32
        %get3A_341 = arith.constant 2 : i32
        %get3A_342 = arith.index_cast %get3A_341 : i32 to index
        %get3A_343 = arith.index_cast %mul3A_340 : i32 to index
        %get3A_344 = tpu.vector_load %arg14[%get3A_342, %get3A_343] {strides = array<i32>} : memref<4x8192xf32, #tpu.memory_space<vmem>>, vector<1x16xf32>,
        %get3A_345 = vector.shape_cast %get3A_344 : vector<1x16xf32> to vector<16xf32>
        %exp3A_346 = math.exp %get3A_345 : vector<16xf32>
        %add3A_347 = arith.addf %add3A_295, %exp3A_346 : vector<16xf32>
        %mul3A_348 = arith.constant 16 : i32
        %mul3A_349 = arith.muli %scan3A_228, %mul3A_348 : i32
        %add3A_350 = arith.constant 9 : i32
        %add3A_351 = arith.addi %mul3A_349, %add3A_350 : i32
        %mul3A_352 = arith.constant 16 : i32
        %mul3A_353 = arith.muli %add3A_351, %mul3A_352 : i32
        %get3A_354 = arith.constant 2 : i32
        %get3A_355 = arith.index_cast %get3A_354 : i32 to index
        %get3A_356 = arith.index_cast %mul3A_353 : i32 to index
        %get3A_357 = tpu.vector_load %arg14[%get3A_355, %get3A_356] {strides = array<i32>} : memref<4x8192xf32, #tpu.memory_space<vmem>>, vector<1x16xf32>,
        %get3A_358 = vector.shape_cast %get3A_357 : vector<1x16xf32> to vector<16xf32>
        %exp3A_359 = math.exp %get3A_358 : vector<16xf32>
        %add3A_360 = arith.addf %add3A_308, %exp3A_359 : vector<16xf32>
        %mul3A_361 = arith.constant 16 : i32
        %mul3A_362 = arith.muli %scan3A_228, %mul3A_361 : i32
        %add3A_363 = arith.constant 10 : i32
        %add3A_364 = arith.addi %mul3A_362, %add3A_363 : i32
        %mul3A_365 = arith.constant 16 : i32
        %mul3A_366 = arith.muli %add3A_364, %mul3A_365 : i32
        %get3A_367 = arith.constant 2 : i32
        %get3A_368 = arith.index_cast %get3A_367 : i32 to index
        %get3A_369 = arith.index_cast %mul3A_366 : i32 to index
        %get3A_370 = tpu.vector_load %arg14[%get3A_368, %get3A_369] {strides = array<i32>} : memref<4x8192xf32, #tpu.memory_space<vmem>>, vector<1x16xf32>,
        %get3A_371 = vector.shape_cast %get3A_370 : vector<1x16xf32> to vector<16xf32>
        %exp3A_372 = math.exp %get3A_371 : vector<16xf32>
        %add3A_373 = arith.addf %add3A_321, %exp3A_372 : vector<16xf32>
        %mul3A_374 = arith.constant 16 : i32
        %mul3A_375 = arith.muli %scan3A_228, %mul3A_374 : i32
        %add3A_376 = arith.constant 11 : i32
        %add3A_377 = arith.addi %mul3A_375, %add3A_376 : i32
        %mul3A_378 = arith.constant 16 : i32
        %mul3A_379 = arith.muli %add3A_377, %mul3A_378 : i32
        %get3A_380 = arith.constant 2 : i32
        %get3A_381 = arith.index_cast %get3A_380 : i32 to index
        %get3A_382 = arith.index_cast %mul3A_379 : i32 to index
        %get3A_383 = tpu.vector_load %arg14[%get3A_381, %get3A_382] {strides = array<i32>} : memref<4x8192xf32, #tpu.memory_space<vmem>>, vector<1x16xf32>,
        %get3A_384 = vector.shape_cast %get3A_383 : vector<1x16xf32> to vector<16xf32>
        %exp3A_385 = math.exp %get3A_384 : vector<16xf32>
        %add3A_386 = arith.addf %add3A_334, %exp3A_385 : vector<16xf32>
        %mul3A_387 = arith.constant 16 : i32
        %mul3A_388 = arith.muli %scan3A_228, %mul3A_387 : i32
        %add3A_389 = arith.constant 12 : i32
        %add3A_390 = arith.addi %mul3A_388, %add3A_389 : i32
        %mul3A_391 = arith.constant 16 : i32
        %mul3A_392 = arith.muli %add3A_390, %mul3A_391 : i32
        %get3A_393 = arith.constant 2 : i32
        %get3A_394 = arith.index_cast %get3A_393 : i32 to index
        %get3A_395 = arith.index_cast %mul3A_392 : i32 to index
        %get3A_396 = tpu.vector_load %arg14[%get3A_394, %get3A_395] {strides = array<i32>} : memref<4x8192xf32, #tpu.memory_space<vmem>>, vector<1x16xf32>,
        %get3A_397 = vector.shape_cast %get3A_396 : vector<1x16xf32> to vector<16xf32>
        %exp3A_398 = math.exp %get3A_397 : vector<16xf32>
        %add3A_399 = arith.addf %add3A_347, %exp3A_398 : vector<16xf32>
        %mul3A_400 = arith.constant 16 : i32
        %mul3A_401 = arith.muli %scan3A_228, %mul3A_400 : i32
        %add3A_402 = arith.constant 13 : i32
        %add3A_403 = arith.addi %mul3A_401, %add3A_402 : i32
        %mul3A_404 = arith.constant 16 : i32
        %mul3A_405 = arith.muli %add3A_403, %mul3A_404 : i32
        %get3A_406 = arith.constant 2 : i32
        %get3A_407 = arith.index_cast %get3A_406 : i32 to index
        %get3A_408 = arith.index_cast %mul3A_405 : i32 to index
        %get3A_409 = tpu.vector_load %arg14[%get3A_407, %get3A_408] {strides = array<i32>} : memref<4x8192xf32, #tpu.memory_space<vmem>>, vector<1x16xf32>,
        %get3A_410 = vector.shape_cast %get3A_409 : vector<1x16xf32> to vector<16xf32>
        %exp3A_411 = math.exp %get3A_410 : vector<16xf32>
        %add3A_412 = arith.addf %add3A_360, %exp3A_411 : vector<16xf32>
        %mul3A_413 = arith.constant 16 : i32
        %mul3A_414 = arith.muli %scan3A_228, %mul3A_413 : i32
        %add3A_415 = arith.constant 14 : i32
        %add3A_416 = arith.addi %mul3A_414, %add3A_415 : i32
        %mul3A_417 = arith.constant 16 : i32
        %mul3A_418 = arith.muli %add3A_416, %mul3A_417 : i32
        %get3A_419 = arith.constant 2 : i32
        %get3A_420 = arith.index_cast %get3A_419 : i32 to index
        %get3A_421 = arith.index_cast %mul3A_418 : i32 to index
        %get3A_422 = tpu.vector_load %arg14[%get3A_420, %get3A_421] {strides = array<i32>} : memref<4x8192xf32, #tpu.memory_space<vmem>>, vector<1x16xf32>,
        %get3A_423 = vector.shape_cast %get3A_422 : vector<1x16xf32> to vector<16xf32>
        %exp3A_424 = math.exp %get3A_423 : vector<16xf32>
        %add3A_425 = arith.addf %add3A_373, %exp3A_424 : vector<16xf32>
        %mul3A_426 = arith.constant 16 : i32
        %mul3A_427 = arith.muli %scan3A_228, %mul3A_426 : i32
        %add3A_428 = arith.constant 15 : i32
        %add3A_429 = arith.addi %mul3A_427, %add3A_428 : i32
        %mul3A_430 = arith.constant 16 : i32
        %mul3A_431 = arith.muli %add3A_429, %mul3A_430 : i32
        %get3A_432 = arith.constant 2 : i32
        %get3A_433 = arith.index_cast %get3A_432 : i32 to index
        %get3A_434 = arith.index_cast %mul3A_431 : i32 to index
        %get3A_435 = tpu.vector_load %arg14[%get3A_433, %get3A_434] {strides = array<i32>} : memref<4x8192xf32, #tpu.memory_space<vmem>>, vector<1x16xf32>,
        %get3A_436 = vector.shape_cast %get3A_435 : vector<1x16xf32> to vector<16xf32>
        %exp3A_437 = math.exp %get3A_436 : vector<16xf32>
        %add3A_438 = arith.addf %add3A_386, %exp3A_437 : vector<16xf32>
        scf.yield %add3A_399, %add3A_412, %add3A_425, %add3A_438 : vector<16xf32>, vector<16xf32>, vector<16xf32>, vector<16xf32>
      }
      %scan3A_185 = arith.constant 32 : i32
      %add3A_186 = arith.addf %scan3A_184#0, %scan3A_184#1 : vector<16xf32>
      %add3A_187 = arith.addf %add3A_186, %scan3A_184#2 : vector<16xf32>
      %add3A_188 = arith.addf %add3A_187, %scan3A_184#3 : vector<16xf32>
      %add3A_189 = arith.constant 2 : i32
      %add3A_190 = arith.addi %mul3A_141, %add3A_189 : i32
      %swap3A_191 = arith.index_cast %add3A_190 : i32 to index
      %swap3A_192 = arith.constant 0 : index
      %swap3A_193 = tpu.vector_load %arg11[%swap3A_191, %swap3A_192] {strides = array<i32>} : memref<256x16xf32, #tpu.memory_space<vmem>>, vector<1x16xf32>,
      %swap3A_194 = vector.shape_cast %swap3A_193 : vector<1x16xf32> to vector<16xf32>
      %swap3A_195 = vector.shape_cast %add3A_188 : vector<16xf32> to vector<1x16xf32>
      tpu.vector_store %arg11[%swap3A_191, %swap3A_192], %swap3A_195 {strides = array<i32>} : memref<256x16xf32, #tpu.memory_space<vmem>>, vector<1x16xf32>,
      %broadcast_in_dim3A_196 = arith.constant 0.000000e+00 : f32
      %broadcast_in_dim3A_197 = vector.broadcast %broadcast_in_dim3A_196 : f32 to vector<16xf32>
      %scan3A_198 = arith.constant 0 : i32
      %scan3A_199 = arith.constant 32 : i32
      %scan3A_200 = arith.addi %scan3A_198, %scan3A_199 : i32
      %scan3A_201 = arith.constant 1 : i32
      %scan3A_202:4 = scf.for %scan3A_228 = %scan3A_198 to %scan3A_200 step %scan3A_201 iter_args(%scan3A_229 = %broadcast_in_dim3A_197, %scan3A_230 = %broadcast_in_dim3A_197, %scan3A_231 = %broadcast_in_dim3A_197, %scan3A_232 = %broadcast_in_dim3A_197) -> (vector<16xf32>, vector<16xf32>, vector<16xf32>, vector<16xf32>)  : i32 {
        %mul3A_233 = arith.constant 16 : i32
        %mul3A_234 = arith.muli %scan3A_228, %mul3A_233 : i32
        %add3A_235 = arith.constant 0 : i32
        %add3A_236 = arith.addi %mul3A_234, %add3A_235 : i32
        %mul3A_237 = arith.constant 16 : i32
        %mul3A_238 = arith.muli %add3A_236, %mul3A_237 : i32
        %get3A = arith.constant 3 : i32
        %get3A_239 = arith.index_cast %get3A : i32 to index
        %get3A_240 = arith.index_cast %mul3A_238 : i32 to index
        %get3A_241 = tpu.vector_load %arg14[%get3A_239, %get3A_240] {strides = array<i32>} : memref<4x8192xf32, #tpu.memory_space<vmem>>, vector<1x16xf32>,
        %get3A_242 = vector.shape_cast %get3A_241 : vector<1x16xf32> to vector<16xf32>
        %exp3A = math.exp %get3A_242 : vector<16xf32>
        %add3A_243 = arith.addf %scan3A_229, %exp3A : vector<16xf32>
        %mul3A_244 = arith.constant 16 : i32
        %mul3A_245 = arith.muli %scan3A_228, %mul3A_244 : i32
        %add3A_246 = arith.constant 1 : i32
        %add3A_247 = arith.addi %mul3A_245, %add3A_246 : i32
        %mul3A_248 = arith.constant 16 : i32
        %mul3A_249 = arith.muli %add3A_247, %mul3A_248 : i32
        %get3A_250 = arith.constant 3 : i32
        %get3A_251 = arith.index_cast %get3A_250 : i32 to index
        %get3A_252 = arith.index_cast %mul3A_249 : i32 to index
        %get3A_253 = tpu.vector_load %arg14[%get3A_251, %get3A_252] {strides = array<i32>} : memref<4x8192xf32, #tpu.memory_space<vmem>>, vector<1x16xf32>,
        %get3A_254 = vector.shape_cast %get3A_253 : vector<1x16xf32> to vector<16xf32>
        %exp3A_255 = math.exp %get3A_254 : vector<16xf32>
        %add3A_256 = arith.addf %scan3A_230, %exp3A_255 : vector<16xf32>
        %mul3A_257 = arith.constant 16 : i32
        %mul3A_258 = arith.muli %scan3A_228, %mul3A_257 : i32
        %add3A_259 = arith.constant 2 : i32
        %add3A_260 = arith.addi %mul3A_258, %add3A_259 : i32
        %mul3A_261 = arith.constant 16 : i32
        %mul3A_262 = arith.muli %add3A_260, %mul3A_261 : i32
        %get3A_263 = arith.constant 3 : i32
        %get3A_264 = arith.index_cast %get3A_263 : i32 to index
        %get3A_265 = arith.index_cast %mul3A_262 : i32 to index
        %get3A_266 = tpu.vector_load %arg14[%get3A_264, %get3A_265] {strides = array<i32>} : memref<4x8192xf32, #tpu.memory_space<vmem>>, vector<1x16xf32>,
        %get3A_267 = vector.shape_cast %get3A_266 : vector<1x16xf32> to vector<16xf32>
        %exp3A_268 = math.exp %get3A_267 : vector<16xf32>
        %add3A_269 = arith.addf %scan3A_231, %exp3A_268 : vector<16xf32>
        %mul3A_270 = arith.constant 16 : i32
        %mul3A_271 = arith.muli %scan3A_228, %mul3A_270 : i32
        %add3A_272 = arith.constant 3 : i32
        %add3A_273 = arith.addi %mul3A_271, %add3A_272 : i32
        %mul3A_274 = arith.constant 16 : i32
        %mul3A_275 = arith.muli %add3A_273, %mul3A_274 : i32
        %get3A_276 = arith.constant 3 : i32
        %get3A_277 = arith.index_cast %get3A_276 : i32 to index
        %get3A_278 = arith.index_cast %mul3A_275 : i32 to index
        %get3A_279 = tpu.vector_load %arg14[%get3A_277, %get3A_278] {strides = array<i32>} : memref<4x8192xf32, #tpu.memory_space<vmem>>, vector<1x16xf32>,
        %get3A_280 = vector.shape_cast %get3A_279 : vector<1x16xf32> to vector<16xf32>
        %exp3A_281 = math.exp %get3A_280 : vector<16xf32>
        %add3A_282 = arith.addf %scan3A_232, %exp3A_281 : vector<16xf32>
        %mul3A_283 = arith.constant 16 : i32
        %mul3A_284 = arith.muli %scan3A_228, %mul3A_283 : i32
        %add3A_285 = arith.constant 4 : i32
        %add3A_286 = arith.addi %mul3A_284, %add3A_285 : i32
        %mul3A_287 = arith.constant 16 : i32
        %mul3A_288 = arith.muli %add3A_286, %mul3A_287 : i32
        %get3A_289 = arith.constant 3 : i32
        %get3A_290 = arith.index_cast %get3A_289 : i32 to index
        %get3A_291 = arith.index_cast %mul3A_288 : i32 to index
        %get3A_292 = tpu.vector_load %arg14[%get3A_290, %get3A_291] {strides = array<i32>} : memref<4x8192xf32, #tpu.memory_space<vmem>>, vector<1x16xf32>,
        %get3A_293 = vector.shape_cast %get3A_292 : vector<1x16xf32> to vector<16xf32>
        %exp3A_294 = math.exp %get3A_293 : vector<16xf32>
        %add3A_295 = arith.addf %add3A_243, %exp3A_294 : vector<16xf32>
        %mul3A_296 = arith.constant 16 : i32
        %mul3A_297 = arith.muli %scan3A_228, %mul3A_296 : i32
        %add3A_298 = arith.constant 5 : i32
        %add3A_299 = arith.addi %mul3A_297, %add3A_298 : i32
        %mul3A_300 = arith.constant 16 : i32
        %mul3A_301 = arith.muli %add3A_299, %mul3A_300 : i32
        %get3A_302 = arith.constant 3 : i32
        %get3A_303 = arith.index_cast %get3A_302 : i32 to index
        %get3A_304 = arith.index_cast %mul3A_301 : i32 to index
        %get3A_305 = tpu.vector_load %arg14[%get3A_303, %get3A_304] {strides = array<i32>} : memref<4x8192xf32, #tpu.memory_space<vmem>>, vector<1x16xf32>,
        %get3A_306 = vector.shape_cast %get3A_305 : vector<1x16xf32> to vector<16xf32>
        %exp3A_307 = math.exp %get3A_306 : vector<16xf32>
        %add3A_308 = arith.addf %add3A_256, %exp3A_307 : vector<16xf32>
        %mul3A_309 = arith.constant 16 : i32
        %mul3A_310 = arith.muli %scan3A_228, %mul3A_309 : i32
        %add3A_311 = arith.constant 6 : i32
        %add3A_312 = arith.addi %mul3A_310, %add3A_311 : i32
        %mul3A_313 = arith.constant 16 : i32
        %mul3A_314 = arith.muli %add3A_312, %mul3A_313 : i32
        %get3A_315 = arith.constant 3 : i32
        %get3A_316 = arith.index_cast %get3A_315 : i32 to index
        %get3A_317 = arith.index_cast %mul3A_314 : i32 to index
        %get3A_318 = tpu.vector_load %arg14[%get3A_316, %get3A_317] {strides = array<i32>} : memref<4x8192xf32, #tpu.memory_space<vmem>>, vector<1x16xf32>,
        %get3A_319 = vector.shape_cast %get3A_318 : vector<1x16xf32> to vector<16xf32>
        %exp3A_320 = math.exp %get3A_319 : vector<16xf32>
        %add3A_321 = arith.addf %add3A_269, %exp3A_320 : vector<16xf32>
        %mul3A_322 = arith.constant 16 : i32
        %mul3A_323 = arith.muli %scan3A_228, %mul3A_322 : i32
        %add3A_324 = arith.constant 7 : i32
        %add3A_325 = arith.addi %mul3A_323, %add3A_324 : i32
        %mul3A_326 = arith.constant 16 : i32
        %mul3A_327 = arith.muli %add3A_325, %mul3A_326 : i32
        %get3A_328 = arith.constant 3 : i32
        %get3A_329 = arith.index_cast %get3A_328 : i32 to index
        %get3A_330 = arith.index_cast %mul3A_327 : i32 to index
        %get3A_331 = tpu.vector_load %arg14[%get3A_329, %get3A_330] {strides = array<i32>} : memref<4x8192xf32, #tpu.memory_space<vmem>>, vector<1x16xf32>,
        %get3A_332 = vector.shape_cast %get3A_331 : vector<1x16xf32> to vector<16xf32>
        %exp3A_333 = math.exp %get3A_332 : vector<16xf32>
        %add3A_334 = arith.addf %add3A_282, %exp3A_333 : vector<16xf32>
        %mul3A_335 = arith.constant 16 : i32
        %mul3A_336 = arith.muli %scan3A_228, %mul3A_335 : i32
        %add3A_337 = arith.constant 8 : i32
        %add3A_338 = arith.addi %mul3A_336, %add3A_337 : i32
        %mul3A_339 = arith.constant 16 : i32
        %mul3A_340 = arith.muli %add3A_338, %mul3A_339 : i32
        %get3A_341 = arith.constant 3 : i32
        %get3A_342 = arith.index_cast %get3A_341 : i32 to index
        %get3A_343 = arith.index_cast %mul3A_340 : i32 to index
        %get3A_344 = tpu.vector_load %arg14[%get3A_342, %get3A_343] {strides = array<i32>} : memref<4x8192xf32, #tpu.memory_space<vmem>>, vector<1x16xf32>,
        %get3A_345 = vector.shape_cast %get3A_344 : vector<1x16xf32> to vector<16xf32>
        %exp3A_346 = math.exp %get3A_345 : vector<16xf32>
        %add3A_347 = arith.addf %add3A_295, %exp3A_346 : vector<16xf32>
        %mul3A_348 = arith.constant 16 : i32
        %mul3A_349 = arith.muli %scan3A_228, %mul3A_348 : i32
        %add3A_350 = arith.constant 9 : i32
        %add3A_351 = arith.addi %mul3A_349, %add3A_350 : i32
        %mul3A_352 = arith.constant 16 : i32
        %mul3A_353 = arith.muli %add3A_351, %mul3A_352 : i32
        %get3A_354 = arith.constant 3 : i32
        %get3A_355 = arith.index_cast %get3A_354 : i32 to index
        %get3A_356 = arith.index_cast %mul3A_353 : i32 to index
        %get3A_357 = tpu.vector_load %arg14[%get3A_355, %get3A_356] {strides = array<i32>} : memref<4x8192xf32, #tpu.memory_space<vmem>>, vector<1x16xf32>,
        %get3A_358 = vector.shape_cast %get3A_357 : vector<1x16xf32> to vector<16xf32>
        %exp3A_359 = math.exp %get3A_358 : vector<16xf32>
        %add3A_360 = arith.addf %add3A_308, %exp3A_359 : vector<16xf32>
        %mul3A_361 = arith.constant 16 : i32
        %mul3A_362 = arith.muli %scan3A_228, %mul3A_361 : i32
        %add3A_363 = arith.constant 10 : i32
        %add3A_364 = arith.addi %mul3A_362, %add3A_363 : i32
        %mul3A_365 = arith.constant 16 : i32
        %mul3A_366 = arith.muli %add3A_364, %mul3A_365 : i32
        %get3A_367 = arith.constant 3 : i32
        %get3A_368 = arith.index_cast %get3A_367 : i32 to index
        %get3A_369 = arith.index_cast %mul3A_366 : i32 to index
        %get3A_370 = tpu.vector_load %arg14[%get3A_368, %get3A_369] {strides = array<i32>} : memref<4x8192xf32, #tpu.memory_space<vmem>>, vector<1x16xf32>,
        %get3A_371 = vector.shape_cast %get3A_370 : vector<1x16xf32> to vector<16xf32>
        %exp3A_372 = math.exp %get3A_371 : vector<16xf32>
        %add3A_373 = arith.addf %add3A_321, %exp3A_372 : vector<16xf32>
        %mul3A_374 = arith.constant 16 : i32
        %mul3A_375 = arith.muli %scan3A_228, %mul3A_374 : i32
        %add3A_376 = arith.constant 11 : i32
        %add3A_377 = arith.addi %mul3A_375, %add3A_376 : i32
        %mul3A_378 = arith.constant 16 : i32
        %mul3A_379 = arith.muli %add3A_377, %mul3A_378 : i32
        %get3A_380 = arith.constant 3 : i32
        %get3A_381 = arith.index_cast %get3A_380 : i32 to index
        %get3A_382 = arith.index_cast %mul3A_379 : i32 to index
        %get3A_383 = tpu.vector_load %arg14[%get3A_381, %get3A_382] {strides = array<i32>} : memref<4x8192xf32, #tpu.memory_space<vmem>>, vector<1x16xf32>,
        %get3A_384 = vector.shape_cast %get3A_383 : vector<1x16xf32> to vector<16xf32>
        %exp3A_385 = math.exp %get3A_384 : vector<16xf32>
        %add3A_386 = arith.addf %add3A_334, %exp3A_385 : vector<16xf32>
        %mul3A_387 = arith.constant 16 : i32
        %mul3A_388 = arith.muli %scan3A_228, %mul3A_387 : i32
        %add3A_389 = arith.constant 12 : i32
        %add3A_390 = arith.addi %mul3A_388, %add3A_389 : i32
        %mul3A_391 = arith.constant 16 : i32
        %mul3A_392 = arith.muli %add3A_390, %mul3A_391 : i32
        %get3A_393 = arith.constant 3 : i32
        %get3A_394 = arith.index_cast %get3A_393 : i32 to index
        %get3A_395 = arith.index_cast %mul3A_392 : i32 to index
        %get3A_396 = tpu.vector_load %arg14[%get3A_394, %get3A_395] {strides = array<i32>} : memref<4x8192xf32, #tpu.memory_space<vmem>>, vector<1x16xf32>,
        %get3A_397 = vector.shape_cast %get3A_396 : vector<1x16xf32> to vector<16xf32>
        %exp3A_398 = math.exp %get3A_397 : vector<16xf32>
        %add3A_399 = arith.addf %add3A_347, %exp3A_398 : vector<16xf32>
        %mul3A_400 = arith.constant 16 : i32
        %mul3A_401 = arith.muli %scan3A_228, %mul3A_400 : i32
        %add3A_402 = arith.constant 13 : i32
        %add3A_403 = arith.addi %mul3A_401, %add3A_402 : i32
        %mul3A_404 = arith.constant 16 : i32
        %mul3A_405 = arith.muli %add3A_403, %mul3A_404 : i32
        %get3A_406 = arith.constant 3 : i32
        %get3A_407 = arith.index_cast %get3A_406 : i32 to index
        %get3A_408 = arith.index_cast %mul3A_405 : i32 to index
        %get3A_409 = tpu.vector_load %arg14[%get3A_407, %get3A_408] {strides = array<i32>} : memref<4x8192xf32, #tpu.memory_space<vmem>>, vector<1x16xf32>,
        %get3A_410 = vector.shape_cast %get3A_409 : vector<1x16xf32> to vector<16xf32>
        %exp3A_411 = math.exp %get3A_410 : vector<16xf32>
        %add3A_412 = arith.addf %add3A_360, %exp3A_411 : vector<16xf32>
        %mul3A_413 = arith.constant 16 : i32
        %mul3A_414 = arith.muli %scan3A_228, %mul3A_413 : i32
        %add3A_415 = arith.constant 14 : i32
        %add3A_416 = arith.addi %mul3A_414, %add3A_415 : i32
        %mul3A_417 = arith.constant 16 : i32
        %mul3A_418 = arith.muli %add3A_416, %mul3A_417 : i32
        %get3A_419 = arith.constant 3 : i32
        %get3A_420 = arith.index_cast %get3A_419 : i32 to index
        %get3A_421 = arith.index_cast %mul3A_418 : i32 to index
        %get3A_422 = tpu.vector_load %arg14[%get3A_420, %get3A_421] {strides = array<i32>} : memref<4x8192xf32, #tpu.memory_space<vmem>>, vector<1x16xf32>,
        %get3A_423 = vector.shape_cast %get3A_422 : vector<1x16xf32> to vector<16xf32>
        %exp3A_424 = math.exp %get3A_423 : vector<16xf32>
        %add3A_425 = arith.addf %add3A_373, %exp3A_424 : vector<16xf32>
        %mul3A_426 = arith.constant 16 : i32
        %mul3A_427 = arith.muli %scan3A_228, %mul3A_426 : i32
        %add3A_428 = arith.constant 15 : i32
        %add3A_429 = arith.addi %mul3A_427, %add3A_428 : i32
        %mul3A_430 = arith.constant 16 : i32
        %mul3A_431 = arith.muli %add3A_429, %mul3A_430 : i32
        %get3A_432 = arith.constant 3 : i32
        %get3A_433 = arith.index_cast %get3A_432 : i32 to index
        %get3A_434 = arith.index_cast %mul3A_431 : i32 to index
        %get3A_435 = tpu.vector_load %arg14[%get3A_433, %get3A_434] {strides = array<i32>} : memref<4x8192xf32, #tpu.memory_space<vmem>>, vector<1x16xf32>,
        %get3A_436 = vector.shape_cast %get3A_435 : vector<1x16xf32> to vector<16xf32>
        %exp3A_437 = math.exp %get3A_436 : vector<16xf32>
        %add3A_438 = arith.addf %add3A_386, %exp3A_437 : vector<16xf32>
        scf.yield %add3A_399, %add3A_412, %add3A_425, %add3A_438 : vector<16xf32>, vector<16xf32>, vector<16xf32>, vector<16xf32>
      }
      %scan3A_203 = arith.constant 32 : i32
      %add3A_204 = arith.addf %scan3A_202#0, %scan3A_202#1 : vector<16xf32>
      %add3A_205 = arith.addf %add3A_204, %scan3A_202#2 : vector<16xf32>
      %add3A_206 = arith.addf %add3A_205, %scan3A_202#3 : vector<16xf32>
      %add3A_207 = arith.constant 3 : i32
      %add3A_208 = arith.addi %mul3A_141, %add3A_207 : i32
      %swap3A_209 = arith.index_cast %add3A_208 : i32 to index
      %swap3A_210 = arith.constant 0 : index
      %swap3A_211 = tpu.vector_load %arg11[%swap3A_209, %swap3A_210] {strides = array<i32>} : memref<256x16xf32, #tpu.memory_space<vmem>>, vector<1x16xf32>,
      %swap3A_212 = vector.shape_cast %swap3A_211 : vector<1x16xf32> to vector<16xf32>
      %swap3A_213 = vector.shape_cast %add3A_206 : vector<16xf32> to vector<1x16xf32>
      tpu.vector_store %arg11[%swap3A_209, %swap3A_210], %swap3A_213 {strides = array<i32>} : memref<256x16xf32, #tpu.memory_space<vmem>>, vector<1x16xf32>,
      %mul3A_214 = arith.constant 4 : i32
      %mul3A_215 = arith.muli %add3A_126, %mul3A_214 : i32
      %add3A_216 = arith.addi %mul3A_2, %mul3A_215 : i32
      %dma_wait3A_217 = arith.constant 0 : i32
      %dma_wait3A_218 = tpu.memref_slice %arg6[%add3A_216, %dma_wait3A_217] : memref<8192x8192xf32, #tpu.memory_space<hbm>> -> memref<4x8192xf32, #tpu.memory_space<hbm>>
      %dma_wait3A_219 = arith.constant 0 : i32
      %dma_wait3A_220 = tpu.memref_slice %arg6[%add3A_216, %dma_wait3A_219] : memref<8192x8192xf32, #tpu.memory_space<hbm>> -> memref<4x8192xf32, #tpu.memory_space<hbm>>
      tpu.wait_dma2 semaphore(%arg18 : memref<!tpu.dma_semaphore, #tpu.memory_space<semaphore_mem>>) src(%arg14 : memref<4x8192xf32, #tpu.memory_space<vmem>>) dst(%dma_wait3A_220 : memref<4x8192xf32, #tpu.memory_space<hbm>>)
      %add3A_221 = arith.constant 2 : i32
      %add3A_222 = arith.addi %add3A_126, %add3A_221 : i32
      %lt3A_223 = arith.constant 64 : i32
      %lt3A_224 = arith.cmpi slt, %add3A_222, %lt3A_223 : i32
      %convert_element_type3A_225 = arith.extui %lt3A_224 : i1 to i32
      %cond3A_226 = arith.constant 0 : i32
      %cond3A_227 = arith.cmpi ne, %convert_element_type3A_225, %cond3A_226 : i32
      scf.if %cond3A_227 {
        %add3A_228 = arith.constant 2 : i32
        %add3A_229 = arith.addi %add3A_126, %add3A_228 : i32
        %mul3A_230 = arith.constant 8 : i32
        %mul3A_231 = arith.muli %add3A_229, %mul3A_230 : i32
        %dma_start3A_232 = tpu.memref_slice %arg9[%mul3A_231] : memref<512xi32, #tpu.memory_space<vmem>> -> memref<4xi32, #tpu.memory_space<vmem>>
        %dma_start3A_233 = arith.constant 0 : i32
        %dma_start3A_234 = arith.constant 0 : i32
        %dma_start3A_235 = tpu.memref_slice %arg4[%dma_start3A_233, %dma_start3A_234] : memref<8192x8192xf32, #tpu.memory_space<hbm>> -> memref<8192x8192xf32, #tpu.memory_space<hbm>>
        tpu.enqueue_indirect_dma source(%dma_start3A_235 : memref<8192x8192xf32, #tpu.memory_space<hbm>>) target(%arg14 : memref<4x8192xf32, #tpu.memory_space<vmem>>) offsets(%dma_start3A_232 : memref<4xi32, #tpu.memory_space<vmem>>) semaphore(%arg16 : memref<!tpu.dma_semaphore, #tpu.memory_space<semaphore_mem>>)
      } else {
      }
    }
    %scan3A_20 = arith.constant 32 : i32
    %dma_wait3A = arith.constant 0 : i32
    %dma_wait3A_21 = tpu.memref_slice %arg5[%dma_wait3A] : memref<67108864xf32, #tpu.memory_space<hbm>> -> memref<67108864xf32, #tpu.memory_space<hbm>>
    tpu.wait_indirect_dma semaphore(%arg19 : memref<!tpu.dma_semaphore, #tpu.memory_space<semaphore_mem>>) src(%dma_wait3A_21 : memref<67108864xf32, #tpu.memory_space<hbm>>) dst(%arg12 : memref<256xf32, #tpu.memory_space<vmem>>)
    "tpu.region"() ({
      %run_scoped3A = tpu.sem_alloc : memref<!tpu.dma_semaphore, #tpu.memory_space<semaphore_mem>>
      %dma_start3A_22 = arith.constant 0 : i32
      %dma_start3A_23 = tpu.memref_slice %arg7[%mul3A_2, %dma_start3A_22] : memref<8192x16xf32, #tpu.memory_space<hbm>> -> memref<256x16xf32, #tpu.memory_space<hbm>>
      %dma_start3A_24 = arith.constant 0 : i32
      %dma_start3A_25 = tpu.memref_slice %arg7[%mul3A_2, %dma_start3A_24] : memref<8192x16xf32, #tpu.memory_space<hbm>> -> memref<256x16xf32, #tpu.memory_space<hbm>>
      tpu.enqueue_dma source(%arg11 : memref<256x16xf32, #tpu.memory_space<vmem>>) target(%dma_start3A_25 : memref<256x16xf32, #tpu.memory_space<hbm>>) target_semaphore(%run_scoped3A : memref<!tpu.dma_semaphore, #tpu.memory_space<semaphore_mem>>)
      %dma_wait3A_26 = arith.constant 0 : i32
      %dma_wait3A_27 = tpu.memref_slice %arg7[%mul3A_2, %dma_wait3A_26] : memref<8192x16xf32, #tpu.memory_space<hbm>> -> memref<256x16xf32, #tpu.memory_space<hbm>>
      %dma_wait3A_28 = arith.constant 0 : i32
      %dma_wait3A_29 = tpu.memref_slice %arg7[%mul3A_2, %dma_wait3A_28] : memref<8192x16xf32, #tpu.memory_space<hbm>> -> memref<256x16xf32, #tpu.memory_space<hbm>>
      tpu.wait_dma2 semaphore(%run_scoped3A : memref<!tpu.dma_semaphore, #tpu.memory_space<semaphore_mem>>) src(%arg11 : memref<256x16xf32, #tpu.memory_space<vmem>>) dst(%dma_wait3A_29 : memref<256x16xf32, #tpu.memory_space<hbm>>)
      tpu.yield
    }) : () -> ()
    "tpu.region"() ({
      %run_scoped3A = tpu.sem_alloc : memref<!tpu.dma_semaphore, #tpu.memory_space<semaphore_mem>>
      %dma_start3A_22 = tpu.memref_slice %arg8[%mul3A_2] : memref<8192xf32, #tpu.memory_space<hbm>> -> memref<256xf32, #tpu.memory_space<hbm>>
      %dma_start3A_23 = tpu.memref_slice %arg8[%mul3A_2] : memref<8192xf32, #tpu.memory_space<hbm>> -> memref<256xf32, #tpu.memory_space<hbm>>
      tpu.enqueue_dma source(%arg12 : memref<256xf32, #tpu.memory_space<vmem>>) target(%dma_start3A_23 : memref<256xf32, #tpu.memory_space<hbm>>) target_semaphore(%run_scoped3A : memref<!tpu.dma_semaphore, #tpu.memory_space<semaphore_mem>>)
      %dma_wait3A_24 = tpu.memref_slice %arg8[%mul3A_2] : memref<8192xf32, #tpu.memory_space<hbm>> -> memref<256xf32, #tpu.memory_space<hbm>>
      %dma_wait3A_25 = tpu.memref_slice %arg8[%mul3A_2] : memref<8192xf32, #tpu.memory_space<hbm>> -> memref<256xf32, #tpu.memory_space<hbm>>
      tpu.wait_dma2 semaphore(%run_scoped3A : memref<!tpu.dma_semaphore, #tpu.memory_space<semaphore_mem>>) src(%arg12 : memref<256xf32, #tpu.memory_space<vmem>>) dst(%dma_wait3A_25 : memref<256xf32, #tpu.memory_space<hbm>>)
      tpu.yield
    }) : () -> ()
    return
  }
}

module attributes {stable_mosaic.version = 14 : i64} {
  func.func @_loss_body(%arg0: memref<8192x16xf32, #tpu.memory_space<vmem>>, %arg1: memref<8192x1xf32, #tpu.memory_space<vmem>>, %arg2: memref<1xf32, #tpu.memory_space<smem>>) attributes {dimension_semantics = [], scalar_prefetch = 0 : i64, scratch_operands = 0 : i64, tpu.core_type = #tpu.core_type<tc>} {
    %get3A = arith.constant 0 : index
    %get3A_0 = arith.constant 0 : index
    %get3A_1 = vector.load %arg0[%get3A, %get3A_0] : memref<8192x16xf32, #tpu.memory_space<vmem>>, vector<8192x16xf32>
    %reduce_sum3A = arith.constant dense<0.000000e+00> : vector<8192xf32>
    %reduce_sum3A_2 = vector.multi_reduction <add>, %get3A_1, %reduce_sum3A [1] : vector<8192x16xf32> to vector<8192xf32>
    %log3A = math.log %reduce_sum3A_2 : vector<8192xf32>
    %reduce_sum3A_3 = vector.shape_cast %log3A : vector<8192xf32> to vector<1x8192xf32>
    %reduce_sum3A_4 = arith.constant dense<0.000000e+00> : vector<1xf32>
    %reduce_sum3A_5 = vector.multi_reduction <add>, %reduce_sum3A_3, %reduce_sum3A_4 [1] : vector<1x8192xf32> to vector<1xf32>
    %reduce_sum3A_6 = vector.shape_cast %reduce_sum3A_5 : vector<1xf32> to vector<1x1xf32>
    %reduce_sum3A_7 = vector.extract %reduce_sum3A_6[0, 0] : f32 from vector<1x1xf32>
    %get3A_8 = arith.constant 0 : index
    %get3A_9 = arith.constant 0 : index
    %get3A_10 = vector.load %arg1[%get3A_8, %get3A_9] : memref<8192x1xf32, #tpu.memory_space<vmem>>, vector<8192x1xf32>
    %reduce_sum3A_11 = vector.shape_cast %get3A_10 : vector<8192x1xf32> to vector<1x8192x1xf32>
    %reduce_sum3A_12 = arith.constant dense<0.000000e+00> : vector<1xf32>
    %reduce_sum3A_13 = vector.multi_reduction <add>, %reduce_sum3A_11, %reduce_sum3A_12 [1, 2] : vector<1x8192x1xf32> to vector<1xf32>
    %reduce_sum3A_14 = vector.shape_cast %reduce_sum3A_13 : vector<1xf32> to vector<1x1x1xf32>
    %reduce_sum3A_15 = vector.extract %reduce_sum3A_14[0, 0, 0] : f32 from vector<1x1x1xf32>
    %sub3A = arith.subf %reduce_sum3A_7, %reduce_sum3A_15 : f32
    %div3A = arith.constant 8.192000e+03 : f32
    %div3A_16 = arith.divf %sub3A, %div3A : f32
    %swap3A = arith.constant 0 : index
    %swap3A_17 = memref.load %arg2[%swap3A] : memref<1xf32, #tpu.memory_space<smem>>
    memref.store %div3A_16, %arg2[%swap3A] : memref<1xf32, #tpu.memory_space<smem>>
    return
  }
}

</mosaic_0001>

<sc_bundles>
// kernel: kernel.4.cloned.1.call-start
scs
__scs_entry_jumppad:
0x0: {  	(pc) =	sbr.rel $0x88, $3  }
0x1: {  	(tag) =	ssettag $0x0;
	lr =	simm.s32 $0x1  }
0x2: {  	[smem:$0x3F9E] =	sst lr;
	_ =	strace $0xD0000000  }
0x3: {  	_ = 	snop  }
0x4: {  	_ = 	snop  }
0x5: {  	_ = 	snop  }
0x6: {  	_ = 	snop  }
0x7: {  	_ = 	snop  }
__scs_overlays_trampoline_lowered:
0x8: {  	[smem:$0x3FAD] =	sst s0  }
0x9: {  	[smem:$0x3FAE] =	sst s1  }
0xa: {  	[smem:$0x3FAF] =	sst s2  }
0xb: {  	[smem:$0x3FB0] =	sst s3  }
0xc: {  	[smem:$0x3FB1] =	sst s4  }
0xd: {  	[smem:$0x3FB2] =	sst s5  }
0xe: {  	[smem:$0x3FB3] =	sst s6  }
0xf: {  	[smem:$0x3FB4] =	sst s7  }
0x10: {  	[smem:$0x3FB5] =	sst s8  }
0x11: {  	[smem:$0x3FB6] =	sst s9;
	s0 =	simm.s32 @!p0 $0x0  }
0x12: {  	s1 =	sld [smem:$0x3F9C];
	s0 =	simm.s32 @p0 $0x1  }
0x13: {  	[smem:$0x3FB7] =	sst s0;
	s0 =	simm.s32 @!p1 $0x0  }
0x14: {  	s2 =	sld [smem:$0x3F9B];
	s0 =	simm.s32 @p1 $0x1  }
0x15: {  	[smem:$0x3FB8] =	sst s0;
	s0 =	simm.s32 @!p2 $0x0  }
0x16: {  	s3 =	sld [smem:$0x3FDB];
	s0 =	simm.s32 @p2 $0x1  }
0x17: {  	s4 =	simm.s32 $0x1BF5;
	[smem:$0x3FBA] =	sst s0  }
0x18: {  	s0 =	sld [smem:$0x3F9D];
	_ =	swait.ge [sflag:s4], $0x0  }
0x19: {  	s7 =	sld [smem:$0x3F9E]  }
0x1a: {  	s8 =	sadd.s32 $0xFFFFE003, lr  }
0x1b: {  	s9 =	sadd.s32 $0xFFFFFEF7, lr;
	s5 =	simm.s32 $0xFFFFFFFF;
	p2 =	slt.u32 s8, $0xFFFFF086  }
0x1c: {  	p1 =	slt.u32 s9, $0xF7A;
	s5 =	simm.s32 @!p2 $0x0  }
0x1d: {  	s5 =	simm.s32 @p1 $0x1;
	p0 =	seq.s32 s7, s2  }
0x1e: {  	s7 =	smul.u32 @!p0 $0xF7A, s2;
	p2 =	seq.s32 @!p0 s5, $0x0  }
0x1f: {  	s9 =	smul.u32 $0xF7A, s1;
	s8 =	simm.s32 @!p0 $0x1BF5;
	p2 =	por !p2, p0  }
0x20: {  	[sflag:s8] =	ssyncset.s32 @!p0 $0xFFFFF086;
	s6 =	sadd.s32 @!p0 s3, s7;
	s7 =	simm.s32 @!p0 $0x108  }
0x21: {  	s3 =	sadd.s32 s3, s9;
	s6 =	sadd.s32 @!p0 $0x88, s6;
	s7 =	simm.s32 @p2 $0x1082  }
0x22: {  	[simem:s7], [sflag:s8] =	dma.local @!p0 [hbm:s6], $0xF7A  }
0x23: {  	s9 =	sor.u32 $0xD0000000, s2;
	s6 =	simm.s32 $0x108;
	_ =	swait.ge @!p0 [sflag:s8], $0x0  }
0x24: {  	s3 =	sadd.s32 $0x88, s3;
	s6 =	simm.s32 @!p1 $0x1082;
	[sflag:s4] =	ssyncset.s32 $0xFFFFF086  }
0x25: {  	[simem:s6], [sflag:s4] =	dma.local [hbm:s3], $0xF7A  }
0x26: {  	[smem:$0x3F9E] =	sst s1;
	(tag) =	ssettag s2;
	_ =	strace s9  }
0x27: {  	s1 =	sld [smem:$0x3FAE]  }
0x28: {  	s2 =	sld [smem:$0x3FAF]  }
0x29: {  	s4 =	sld [smem:$0x3FB1]  }
0x2a: {  	p0 =	seq.s32 s5, $0x0;
	s5 =	sld [smem:$0x3FB2]  }
0x2b: {  	s6 =	sld [smem:$0x3FB3]  }
0x2c: {  	s7 =	sld [smem:$0x3FB4]  }
0x2d: {  	s3 =	simm.s32 $0x108;
	s8 =	sld [smem:$0x3FB5]  }
0x2e: {  	s3 =	simm.s32 @!p0 $0x1082;
	s9 =	sld [smem:$0x3FB6]  }
0x2f: {  	lr =	sadd.s32 s0, s3;
	s0 =	sld [smem:$0x3FAD]  }
0x30: {  	s3 =	sld [smem:$0x3FB0]  }
0x31: {  	[smem:$0x3FB9] =	sst s10  }
0x32: {  	s10 =	sld [smem:$0x3FB7];
	_ =	sdelay $0x3  }
0x33: {  	p0 =	seq.s32 s10, $0x1;
	s10 =	sld [smem:$0x3FB9];
	_ =	sdelay $0x3  }
0x34: {  	[smem:$0x3FB9] =	sst s10  }
0x35: {  	s10 =	sld [smem:$0x3FB8];
	_ =	sdelay $0x3  }
0x36: {  	p1 =	seq.s32 s10, $0x1;
	s10 =	sld [smem:$0x3FB9];
	_ =	sdelay $0x3  }
0x37: {  	[smem:$0x3FB9] =	sst s10  }
0x38: {  	s10 =	sld [smem:$0x3FBA]  }
0x39: {  	_ = 	snop;
	(pc) =	sbr.ind lr, $3  }
0x3a: {  	_ = 	snop  }
0x3b: {  	_ = 	snop  }
0x3c: {  	p2 =	seq.s32 s10, $0x1;
	s10 =	sld [smem:$0x3FB9]  }
0x3d: {  	_ =	shalt  }
0x3e: {  	_ =	shalt  }
0x3f: {  	_ =	shalt  }
0x40: {  	_ =	shalt  }
0x41: {  	_ =	shalt  }
0x42: {  	_ =	shalt  }
0x43: {  	_ =	shalt  }
0x44: {  	_ =	shalt  }
0x45: {  	_ =	shalt  }
0x46: {  	_ =	shalt  }
0x47: {  	_ =	shalt  }
0x48: {  	_ =	shalt  }
0x49: {  	_ =	shalt  }
0x4a: {  	_ =	shalt  }
0x4b: {  	_ =	shalt  }
0x4c: {  	_ =	shalt  }
0x4d: {  	_ =	shalt  }
0x4e: {  	_ =	shalt  }
0x4f: {  	_ =	shalt  }
0x50: {  	_ =	shalt  }
0x51: {  	_ =	shalt  }
0x52: {  	_ =	shalt  }
0x53: {  	_ =	shalt  }
0x54: {  	_ =	shalt  }
0x55: {  	_ =	shalt  }
0x56: {  	_ =	shalt  }
0x57: {  	_ =	shalt  }
0x58: {  	_ =	shalt  }
0x59: {  	_ =	shalt  }
0x5a: {  	_ =	shalt  }
0x5b: {  	_ =	shalt  }
0x5c: {  	_ =	shalt  }
0x5d: {  	_ =	shalt  }
0x5e: {  	_ =	shalt  }
0x5f: {  	_ =	shalt  }
0x60: {  	_ =	shalt  }
0x61: {  	_ =	shalt  }
0x62: {  	_ =	shalt  }
0x63: {  	_ =	shalt  }
0x64: {  	_ =	shalt  }
0x65: {  	_ =	shalt  }
0x66: {  	_ =	shalt  }
0x67: {  	_ =	shalt  }
0x68: {  	_ =	shalt  }
0x69: {  	_ =	shalt  }
0x6a: {  	_ =	shalt  }
0x6b: {  	_ =	shalt  }
0x6c: {  	_ =	shalt  }
0x6d: {  	_ =	shalt  }
0x6e: {  	_ =	shalt  }
0x6f: {  	_ =	shalt  }
0x70: {  	_ =	shalt  }
0x71: {  	_ =	shalt  }
0x72: {  	_ =	shalt  }
0x73: {  	_ =	shalt  }
0x74: {  	_ =	shalt  }
0x75: {  	_ =	shalt  }
0x76: {  	_ =	shalt  }
0x77: {  	_ =	shalt  }
0x78: {  	_ =	shalt  }
0x79: {  	_ =	shalt  }
0x7a: {  	_ =	shalt  }
0x7b: {  	_ =	shalt  }
0x7c: {  	_ =	shalt  }
0x7d: {  	_ =	shalt  }
0x7e: {  	_ =	shalt  }
0x7f: {  	_ =	shalt  }
0x80: {  	_ =	shalt  }
0x81: {  	_ =	shalt  }
0x82: {  	_ =	shalt  }
0x83: {  	_ =	shalt  }
0x84: {  	_ =	shalt  }
0x85: {  	_ =	shalt  }
0x86: {  	_ =	shalt  }
0x87: {  	_ =	shalt  }
.Lfunc_end0:
.L_simem_size_0:
called_computation.1_lowered:
.L_overlay_start_0:
0x88: {  	s2 =	sld [smem:$0x3FD9]  }
0x89: {  	s3 =	sld [smem:$0x3FFE];
	_ =	sdelay $0x1  }
0x8a: {  	s1 =	srdreg.scid  }
0x8b: {  	s0 =	sand.u32 $0x1, s1  }
0x8c: {  	s14 =	sshll.u32 s0, $0xA;
	s2 =	sadd.s32 s3, s2  }
0x8d: {  	s2 =	sadd.s32 s2, s14  }
0x8e: {  	[smem:$0x3FC5] =	sst s2  }
0x8f: {  	_ = 	snop  }
0x90: {  	s2 =	sld [smem:$0x3FD0];
	_ =	sdelay $0x2  }
0x91: {  	s4 =	simm.s32 $0xA;
	s5 =	simm.s32 $0x10;
	s15 =	sld [smem:$0x3FC7]  }
0x92: {  	[smem:s5], [sflag:s4] =	dma.local [hbm:s2], $0x1  }
0x93: {  	_ =	swait.eq [sflag:s4], $0x1  }
0x94: {  	[sflag:s4] =	ssyncset.done $0x0  }
0x95: {  	[sflag:s4] =	ssyncadd.s32 $0xFFFFFFFF  }
0x96: {  	s16 =	sld [smem:$0x10];
	(tm) =	ssettm $0x1  }
0x97: {  	s17 =	sld [smem:$0x3FFB];
	_ =	sdelay $0x3  }
0x98: {  	_ =	strace s17  }
0x99: {  	s4 =	sld [smem:$0x3FFC];
	_ =	sdelay $0x3  }
0x9a: {  	_ =	strace s4  }
0x9b: {  	s4 =	sld [smem:$0x3FFD];
	_ =	sdelay $0x3  }
0x9c: {  	_ =	strace s4  }
0x9d: {  	_ =	strace $0x8FFFFFFF  }
0x9e: {  	s18 =	sld [smem:$0x3FDB];
	_ =	sdelay $0x1  }
0x9f: {  	s19 =	simm.s32 $_scs_section_size  }
0xa0: {  	s6 =	simm.s32 $_size__tile_overlayer_lowered;
	s7 =	simm.s32 $_tile_overlayer_lowered  }
0xa1: {  	s22 =	simm.s32 $0x1BFF;
	s21 =	sshll.u32 s7, $0x1;
	s4 =	sadd.s32 s19, s18  }
0xa2: {  	s8 =	simm.s32 $0x0;
	s20 =	sshll.u32 s6, $0x1;
	s6 =	sadd.s32 s21, s4  }
0xa3: {  	[timem:s8], [sflag:s22] =	dma.local [hbm:s6], s20  }
0xa4: {  	_ =	swait.ge [sflag:s22], s20  }
0xa5: {  	s5 =	ssub.s32 $0x0, s20;
	[sflag:s22] =	ssyncset.done $0x0  }
0xa6: {  	[sflag:s22] =	ssyncadd.s32 s5;
	_ =	sdelay $0x1  }
0xa7: {  	s23 =	simm.s32 $0x1B8B  }
0xa8: {  	_ =	swait.ge [sflag:s23], $0x1  }
0xa9: {  	[sflag:s23] =	ssyncset.done $0x0  }
0xaa: {  	s25 =	simm.s32 $0x1B8E;
	s24 =	sld [smem:$0x3FFE];
	[sflag:s23] =	ssyncadd.s32 $0xFFFFFFFF  }
0xab: {  	s26 =	simm.s32 $execute0_lowered;
	[smem:$0x3FD2] =	sst s25  }
0xac: {  	s6 =	sshll.u32 s26, $0x1;
	_ =	strace $0x80000049;
	[dreg:$0x1] =	wrdreg $0xFFFFFFFF  }
0xad: {  	s28 =	simm.s32 $_size_execute0_lowered;
	s4 =	sadd.s32 s4, s6;
	[dreg:$0x0] =	wrdreg $0x0  }
0xae: {  	s6 =	sshll.u32 s28, $0x1;
	[dreg:$0x2] =	wrdreg s4  }
0xaf: {  	[dreg:$0x3] =	wrdreg s6  }
0xb0: {  	[dreg:$0x4] =	wrdreg $0xC0  }
0xb1: {  	_ =	task [dreg:s8], $0x5FFFF  }
0xb2: {  	[dreg:$0x1] =	wrdreg $0xFFFFFFFF  }
0xb3: {  	[dreg:$0x0] =	wrdreg $0x60  }
0xb4: {  	[dreg:$0x2] =	wrdreg s24  }
0xb5: {  	[dreg:$0x3] =	wrdreg s15  }
0xb6: {  	[dreg:$0x4] =	wrdreg s16  }
0xb7: {  	[dreg:$0x5] =	wrdreg $0x9  }
0xb8: {  	_ =	task.clear_ibuf [dreg:s8], $0x6FFFF;
	_ =	strace $0x90000049  }
0xb9: {  	s29 =	simm.s32 $0x9;
	_ =	strace $0x8000004B  }
0xba: {  	_ =	swait.ge [sflag:s29], $0x1  }
0xbb: {  	[sflag:s29] =	ssyncadd.s32 $0xFFFFFFFF  }
0xbc: {  	_ =	strace $0x9000004B  }
0xbd: {  	_ =	sfence  }
0xbe: {  	s30 =	sld [smem:$0x0];
	_ =	sdelay $0x2  }
0xbf: {  	s31 =	sshll.u32 s1, $0xD;
	s1 =	sshrl.u32 s1, $0x2  }
0xc0: {  	s3 =	sand.u32 $0x4000, s31;
	s1 =	sadd.s32 s1, s30  }
0xc1: {  	s0 =	sor.u32 s3, s0;
	s1 =	sshll.u32 s1, $0x11  }
0xc2: {  	s0 =	sor.u32 s1, s0  }
0xc3: {  	s0 =	sadd.s32 $0x8F2B, s0  }
0xc4: {  	[sflag:s0] =	ssyncadd.remote.s32 $0x1  }
0xc5: {  	_ =	sfence.sel $0xFFFF  }
0xc6: {  	[dreg:$0x0] =	wrdreg $0xFFFFFFFF;
	(pc) =	sbr.abs _section_cstart, $3  }
0xc7: {  	[dreg:$0x1] =	wrdreg $0xFFFFFFFF  }
0xc8: {  	_ =	task.clear_ibuf [dreg:s8], $0x2FFFF;
	_ =	strace $0x9FFFFFFF  }
0xc9: {  	(tm) =	ssettm $0x7FFFFFFF  }
tec
execute0_lowered:
.L_overlay_start_1:
0x0: {  	(tag) =	ssettag $0x1  }
0x1: {  	s0 =	rddreg [dreg:$0x0]  }
0x2: {  	s2 =	rddreg [dreg:$0x1]  }
0x3: {  	s22 =	rddreg [dreg:$0x2];
	s1 =	srdreg.scid  }
0x4: {  	s3 =	stileid.u32;
	s4 =	simm.s32 $0x0;
	s30 =	simm.s32 $0x200  }
0x5: {  	s31 =	simm.s32 $0x10400;
	s29 =	simm.s32 $0x400;
	s1 =	sand.u32 $0x1, s1  }
0x6: {  	s3 =	sshll.u32 s3, $0x1;
	[smem:$0x7FF] =	sst s4;
	s6 =	sadd.s32 $0x1200, s0  }
0x7: {  	s8 =	sadd.s32 $0x200, s2;
	s9 =	sadd.s32 $0x400, s2;
	s10 =	sadd.s32 $0x600, s2  }
0x8: {  	s11 =	sadd.s32 $0x800, s2;
	s12 =	sadd.s32 $0xA00, s2;
	s13 =	sadd.s32 $0xC00, s2  }
0x9: {  	s14 =	sadd.s32 $0xE00, s2;
	s15 =	sadd.s32 $0x1000, s2;
	s16 =	sadd.s32 $0x1200, s2  }
0xa: {  	s17 =	sadd.s32 $0x1400, s2;
	s18 =	sadd.s32 $0x1600, s2;
	s19 =	sadd.s32 $0x1800, s2  }
0xb: {  	s20 =	sadd.s32 $0x1A00, s2;
	s28 =	sadd.s32 $0x40, s22;
	s22 =	simm.s32 $0x0  }
0xc: {  	s3 =	sor.u32 s1, s3;
	_ =	strace $0x8000004A;
	[dreg:$0x4] =	wrdreg s6  }
0xd: {  	s1 =	ssub.s32 $0x2, s1;
	s5 =	sshll.u32 s3, $0x6;
	s21 =	sshll.u32 s3, $0xC  }
0xe: {  	s7 =	sshll.u32 s3, $0x5;
	s23 =	sshrl.u32 s1, $0x1;
	s3 =	sshll.u32 s3, $0x12  }
0xf: {  	s5 =	sadd.s32 s5, s0;
	s6 =	sadd.s32 s21, s0;
	s0 =	sadd.s32 s7, s0  }
0x10: {  	s1 =	ssub.s32 s1, s23;
	[dreg:$0x7] =	wrdreg s3;
	s5 =	sadd.s32 $0x801600, s5  }
0x11: {  	s21 =	sadd.s32 $0x1C00, s2;
	s24 =	sadd.s32 $0x801200, s0;
	[dreg:$0x5] =	wrdreg s5  }
.Ltmp0:
0x12: {  	s25 =	sadd.s32 $0x802200, s6;
	[dreg:$0x6] =	wrdreg s24;
	(pc) =	sbr.rel .LBB2_1-.Ltmp0, $4  }
0x13: {  	s7 =	simm.s32 $0x8300;
	s0 =	sadd.s32 $0x801E00, s0;
	[dreg:$0x8] =	wrdreg s25  }
0x14: {  	v0 =	vlaneseq.u32;
	s3 =	simm.s32 $0x3;
	s26 =	smax.u32 s1, $0x1;
	[dreg:$0x9] =	wrdreg s0  }
0x15: {  	v1 =	vshrl.u32 v0, $0x2;
	s6 =	simm.s32 $0x6;
	[dreg:$0xa] =	wrdreg s26;
	s26 =	sadd.s32 $0x1E00, s2  }
0x16: {  	vm0 =	vmmov $0xffff;
	v0 =	vand.u32 $0x3, v0;
	v1 =	vmul.u32 $0x8, v1;
	s25 =	simm.s32 $0x1;
	s0 =	simm.s32 $0x2;
	s5 =	simm.s32 $0x4  }
.LBB2_20:
0x17: {  	s1 =	simm.s32 $0x5  }
0x18: {  	_ =	swait.ge [sflag:s1], $0x100  }
0x19: {  	[sflag:s1] =	ssyncset.done $0x0  }
0x1a: {  	s6 =	simm.s32 $0x300;
	s22 =	rddreg [dreg:$0x8];
	[sflag:s1] =	ssyncadd.s32 $0xFFFFFF00  }
0x1b: {  	[hbm4b:s22+s4] =	stream.linear.scatter [tilespmem:s6], [sflag:$0x6], $0x8000, $0x38;
	[tilespmem:$0x18400] =	vst v63  }
0x1c: {  	s6 =	simm.s32 $0x6  }
0x1d: {  	_ =	swait.ge [sflag:s6], $0x8000  }
0x1e: {  	[sflag:s6] =	ssyncset.done $0x0  }
0x1f: {  	s7 =	simm.s32 $0x8300;
	s23 =	rddreg [dreg:$0x9];
	[sflag:s6] =	ssyncadd.s32 $0xFFFF8000  }
0x20: {  	[hbm4b:s23+s4] =	stream.linear.scatter [tilespmem:s7], [sflag:$0x6], $0x100, $0x38;
	[tilespmem:$0x18400] =	vst v63  }
0x21: {  	_ =	swait.ge [sflag:s6], $0x100  }
0x22: {  	s22 =	rddreg [dreg:$0xb]  }
0x23: {  	s24 =	rddreg [dreg:$0xa];
	s22 =	sadd.s32 $0x1, s22  }
0x24: {  	p0 =	sne.s32 s22, s24  }
.Ltmp1:
0x25: {  	_ = 	snop;
	(pc) =	sbr.rel @!p0 .LBB2_21-.Ltmp1, $3  }
0x26: {  	_ =	sdelay $0x1  }
0x27: {  	[sflag:s6] =	ssyncset.done $0x0  }
0x28: {  	[sflag:s6] =	ssyncadd.s32 $0xFFFFFF00  }
.LBB2_1:
0x29: {  	[dreg:$0xb] =	wrdreg s22  }
0x2a: {  	s1 =	rddreg [dreg:$0x5]  }
0x2b: {  	[tilespmem:s4], [sflag:$0x6] =	stream.linear.gather [hbm4b:s1+s4], $0x200, $0x38;
	[tilespmem:$0x18400] =	vst v63  }
0x2c: {  	_ =	swait.ge [sflag:s6], $0x200  }
0x2d: {  	[sflag:s6] =	ssyncset.done $0x0  }
0x2e: {  	s24 =	rddreg [dreg:$0x6];
	[sflag:s6] =	ssyncadd.s32 $0xFFFFFE00  }
0x2f: {  	[tilespmem:s30], [sflag:$0x6] =	stream.linear.gather [hbm4b:s24+s4], $0x100, $0x38;
	[tilespmem:$0x18400] =	vst v63  }
0x30: {  	_ =	swait.ge [sflag:s6], $0x100  }
0x31: {  	[sflag:s6] =	ssyncset.done $0x0  }
0x32: {  	s23 =	simm.s32 $0x100;
	s22 =	rddreg [dreg:$0x4];
	[sflag:s6] =	ssyncadd.s32 $0xFFFFFF00  }
0x33: {  	[tilespmem:s7], [sflag:$0x5] =	stream.indirect.gather [hbm4b:s22+s23], $0x1, s30, s23, $0xb8;
	[tilespmem:$0x18400] =	vst v63  }
0x34: {  	v2 =	vld.msk [tilespmem:$0x0], $0xf;
	_ =	sdelay $0x4  }
0x35: {  	v3 =	vshll.u32 v2, $0x6  }
0x36: {  	v2 =	vand.u32 $0x7, v2;
	v3 =	vand.u32 $0xFFFFFE00, v3  }
0x37: {  	v2 =	vor.u32 v2, v3  }
0x38: {  	v2 =	vperm.xlane v2, v0;
	_ =	sdelay $0x1  }
0x39: {  	v2 =	vadd.s32 v1, v2;
	_ =	sdelay $0x3  }
0x3a: {  	s24 =	simm.s32 $0x8400  }
0x3b: {  	[tilespmem:s24], [sflag:$0x1] =	stream.indirect_vreg.gather [hbm4b:s2+s4], $0x80, v2, vm0, $0xb8;
	[tilespmem:$0x18400] =	vst v63  }
0x3c: {  	s6 =	simm.s32 $0x8C00  }
0x3d: {  	[tilespmem:s6], [sflag:$0x1] =	stream.indirect_vreg.gather [hbm4b:s8+s4], $0x80, v2, vm0, $0xb8;
	[tilespmem:$0x18400] =	vst v63  }
0x3e: {  	s7 =	simm.s32 $0x9400  }
0x3f: {  	[tilespmem:s7], [sflag:$0x1] =	stream.indirect_vreg.gather [hbm4b:s9+s4], $0x80, v2, vm0, $0xb8;
	[tilespmem:$0x18400] =	vst v63  }
0x40: {  	s22 =	simm.s32 $0x9C00  }
0x41: {  	[tilespmem:s22], [sflag:$0x1] =	stream.indirect_vreg.gather [hbm4b:s10+s4], $0x80, v2, vm0, $0xb8;
	[tilespmem:$0x18400] =	vst v63  }
0x42: {  	s23 =	simm.s32 $0xA400  }
0x43: {  	[tilespmem:s23], [sflag:$0x1] =	stream.indirect_vreg.gather [hbm4b:s11+s4], $0x80, v2, vm0, $0xb8;
	[tilespmem:$0x18400] =	vst v63  }
0x44: {  	s24 =	simm.s32 $0xAC00  }
0x45: {  	[tilespmem:s24], [sflag:$0x1] =	stream.indirect_vreg.gather [hbm4b:s12+s4], $0x80, v2, vm0, $0xb8;
	[tilespmem:$0x18400] =	vst v63  }
0x46: {  	s6 =	simm.s32 $0xB400  }
0x47: {  	[tilespmem:s6], [sflag:$0x1] =	stream.indirect_vreg.gather [hbm4b:s13+s4], $0x80, v2, vm0, $0xb8;
	[tilespmem:$0x18400] =	vst v63  }
0x48: {  	s7 =	simm.s32 $0xBC00  }
0x49: {  	[tilespmem:s7], [sflag:$0x1] =	stream.indirect_vreg.gather [hbm4b:s14+s4], $0x80, v2, vm0, $0xb8;
	[tilespmem:$0x18400] =	vst v63  }
0x4a: {  	s22 =	simm.s32 $0xC400  }
0x4b: {  	[tilespmem:s22], [sflag:$0x1] =	stream.indirect_vreg.gather [hbm4b:s15+s4], $0x80, v2, vm0, $0xb8;
	[tilespmem:$0x18400] =	vst v63  }
0x4c: {  	s23 =	simm.s32 $0xCC00  }
0x4d: {  	[tilespmem:s23], [sflag:$0x1] =	stream.indirect_vreg.gather [hbm4b:s16+s4], $0x80, v2, vm0, $0xb8;
	[tilespmem:$0x18400] =	vst v63  }
0x4e: {  	s24 =	simm.s32 $0xD400  }
0x4f: {  	[tilespmem:s24], [sflag:$0x1] =	stream.indirect_vreg.gather [hbm4b:s17+s4], $0x80, v2, vm0, $0xb8;
	[tilespmem:$0x18400] =	vst v63  }
0x50: {  	s6 =	simm.s32 $0xDC00  }
0x51: {  	[tilespmem:s6], [sflag:$0x1] =	stream.indirect_vreg.gather [hbm4b:s18+s4], $0x80, v2, vm0, $0xb8;
	[tilespmem:$0x18400] =	vst v63  }
0x52: {  	s7 =	simm.s32 $0xE400  }
0x53: {  	[tilespmem:s7], [sflag:$0x1] =	stream.indirect_vreg.gather [hbm4b:s19+s4], $0x80, v2, vm0, $0xb8;
	[tilespmem:$0x18400] =	vst v63  }
0x54: {  	s22 =	simm.s32 $0xEC00  }
0x55: {  	[tilespmem:s22], [sflag:$0x1] =	stream.indirect_vreg.gather [hbm4b:s20+s4], $0x80, v2, vm0, $0xb8;
	[tilespmem:$0x18400] =	vst v63  }
0x56: {  	s23 =	simm.s32 $0xF400  }
0x57: {  	[tilespmem:s23], [sflag:$0x1] =	stream.indirect_vreg.gather [hbm4b:s21+s4], $0x80, v2, vm0, $0xb8;
	[tilespmem:$0x18400] =	vst v63  }
0x58: {  	s24 =	simm.s32 $0xFC00  }
0x59: {  	[tilespmem:s24], [sflag:$0x1] =	stream.indirect_vreg.gather [hbm4b:s26+s4], $0x80, v2, vm0, $0xb8;
	[tilespmem:$0x18400] =	vst v63  }
0x5a: {  	v2 =	vld.msk [tilespmem:$0x8], $0xf;
	_ =	sdelay $0x4  }
0x5b: {  	v3 =	vshll.u32 v2, $0x6  }
0x5c: {  	v2 =	vand.u32 $0x7, v2;
	v3 =	vand.u32 $0xFFFFFE00, v3  }
0x5d: {  	v2 =	vor.u32 v2, v3  }
0x5e: {  	v2 =	vperm.xlane v2, v0;
	_ =	sdelay $0x1  }
0x5f: {  	v2 =	vadd.s32 v1, v2;
	_ =	sdelay $0x4  }
0x60: {  	[tilespmem:s31], [sflag:$0x2] =	stream.indirect_vreg.gather [hbm4b:s2+s4], $0x80, v2, vm0, $0xb8;
	[tilespmem:$0x18400] =	vst v63  }
0x61: {  	s6 =	simm.s32 $0x10C00  }
0x62: {  	[tilespmem:s6], [sflag:$0x2] =	stream.indirect_vreg.gather [hbm4b:s8+s4], $0x80, v2, vm0, $0xb8;
	[tilespmem:$0x18400] =	vst v63  }
0x63: {  	s7 =	simm.s32 $0x11400  }
0x64: {  	[tilespmem:s7], [sflag:$0x2] =	stream.indirect_vreg.gather [hbm4b:s9+s4], $0x80, v2, vm0, $0xb8;
	[tilespmem:$0x18400] =	vst v63  }
0x65: {  	s22 =	simm.s32 $0x11C00  }
0x66: {  	[tilespmem:s22], [sflag:$0x2] =	stream.indirect_vreg.gather [hbm4b:s10+s4], $0x80, v2, vm0, $0xb8;
	[tilespmem:$0x18400] =	vst v63  }
0x67: {  	s23 =	simm.s32 $0x12400  }
0x68: {  	[tilespmem:s23], [sflag:$0x2] =	stream.indirect_vreg.gather [hbm4b:s11+s4], $0x80, v2, vm0, $0xb8;
	[tilespmem:$0x18400] =	vst v63  }
0x69: {  	s24 =	simm.s32 $0x12C00  }
0x6a: {  	[tilespmem:s24], [sflag:$0x2] =	stream.indirect_vreg.gather [hbm4b:s12+s4], $0x80, v2, vm0, $0xb8;
	[tilespmem:$0x18400] =	vst v63  }
0x6b: {  	s6 =	simm.s32 $0x13400  }
0x6c: {  	[tilespmem:s6], [sflag:$0x2] =	stream.indirect_vreg.gather [hbm4b:s13+s4], $0x80, v2, vm0, $0xb8;
	[tilespmem:$0x18400] =	vst v63  }
0x6d: {  	s7 =	simm.s32 $0x13C00  }
0x6e: {  	[tilespmem:s7], [sflag:$0x2] =	stream.indirect_vreg.gather [hbm4b:s14+s4], $0x80, v2, vm0, $0xb8;
	[tilespmem:$0x18400] =	vst v63  }
0x6f: {  	s22 =	simm.s32 $0x14400  }
0x70: {  	[tilespmem:s22], [sflag:$0x2] =	stream.indirect_vreg.gather [hbm4b:s15+s4], $0x80, v2, vm0, $0xb8;
	[tilespmem:$0x18400] =	vst v63  }
0x71: {  	s23 =	simm.s32 $0x14C00  }
0x72: {  	[tilespmem:s23], [sflag:$0x2] =	stream.indirect_vreg.gather [hbm4b:s16+s4], $0x80, v2, vm0, $0xb8;
	[tilespmem:$0x18400] =	vst v63  }
0x73: {  	s24 =	simm.s32 $0x15400  }
0x74: {  	[tilespmem:s24], [sflag:$0x2] =	stream.indirect_vreg.gather [hbm4b:s17+s4], $0x80, v2, vm0, $0xb8;
	[tilespmem:$0x18400] =	vst v63  }
0x75: {  	s6 =	simm.s32 $0x15C00  }
0x76: {  	[tilespmem:s6], [sflag:$0x2] =	stream.indirect_vreg.gather [hbm4b:s18+s4], $0x80, v2, vm0, $0xb8;
	[tilespmem:$0x18400] =	vst v63  }
0x77: {  	s7 =	simm.s32 $0x16400  }
0x78: {  	[tilespmem:s7], [sflag:$0x2] =	stream.indirect_vreg.gather [hbm4b:s19+s4], $0x80, v2, vm0, $0xb8;
	[tilespmem:$0x18400] =	vst v63  }
0x79: {  	s22 =	simm.s32 $0x16C00  }
0x7a: {  	[tilespmem:s22], [sflag:$0x2] =	stream.indirect_vreg.gather [hbm4b:s20+s4], $0x80, v2, vm0, $0xb8;
	[tilespmem:$0x18400] =	vst v63  }
0x7b: {  	s23 =	simm.s32 $0x17400  }
0x7c: {  	[tilespmem:s23], [sflag:$0x2] =	stream.indirect_vreg.gather [hbm4b:s21+s4], $0x80, v2, vm0, $0xb8;
	[tilespmem:$0x18400] =	vst v63  }
0x7d: {  	s24 =	simm.s32 $0x17C00;
	s6 =	simm.s32 $0x0  }
0x7e: {  	[tilespmem:s24], [sflag:$0x2] =	stream.indirect_vreg.gather [hbm4b:s26+s4], $0x80, v2, vm0, $0xb8;
	[tilespmem:$0x18400] =	vst v63  }
.LBB2_2:
0x7f: {  	_ =	swait.ge [sflag:s25], $0x8000  }
0x80: {  	[sflag:s25] =	ssyncset.done $0x0  }
0x81: {  	s1 =	sshll.u32 s6, $0xD;
	s7 =	rddreg [dreg:$0x7];
	[sflag:s25] =	ssyncadd.s32 $0xFFFF8000  }
0x82: {  	s24 =	sadd.s32 s7, s1;
	s22 =	rddreg [dreg:$0x2]  }
0x83: {  	s23 =	simm.s32 $0x8400;
	s1 =	sadd.s32 s22, s24;
	s22 =	simm.s32 $0x0  }
0x84: {  	[hbm4b:s1+s30] =	stream.strided.scatter [tilespmem:s23], [sflag:$0x3], $0x8000, s29, s30, $0x38;
	[tilespmem:$0x18400] =	vst v63  }
0x85: {  	v2 =	vld [tilespmem:s22+$0x8460]  }
0x86: {  	v3 =	vld [tilespmem:s22+$0x8430]  }
0x87: {  	v4 =	vld [tilespmem:s22+$0x8620]  }
0x88: {  	v6 =	vld [tilespmem:s22+$0x8450]  }
0x89: {  	v7 =	vld [tilespmem:s22+$0x8470]  }
0x8a: {  	v8 =	vld [tilespmem:s22+$0x8650]  }
0x8b: {  	v9 =	vld [tilespmem:s22+$0x8400]  }
0x8c: {  	v10 =	vld [tilespmem:s22+$0x8410]  }
0x8d: {  	v11 =	vld [tilespmem:s22+$0x8440]  }
0x8e: {  	v12 =	vld [tilespmem:s22+$0x8630]  }
0x8f: {  	v13 =	vld [tilespmem:s22+$0x8600]  }
0x90: {  	v14 =	vld [tilespmem:s22+$0x8660];
	v4 =	vmul.f32 $1.442695020e+00, v4  }
0x91: {  	v16 =	vld [tilespmem:s22+$0x8640];
	v3 =	vmul.f32 $1.442695020e+00, v3;
	v2 =	vmul.f32 $1.442695020e+00, v2  }
0x92: {  	v17 =	vld [tilespmem:s22+$0x8670];
	v7 =	vmul.f32 $1.442695020e+00, v7;
	v8 =	vmul.f32 $1.442695020e+00, v8  }
0x93: {  	v15 =	vld [tilespmem:s22+$0x8610];
	v9 =	vmul.f32 $1.442695020e+00, v9;
	v10 =	vmul.f32 $1.442695020e+00, v10  }
0x94: {  	s23 =	simm.s32 $0x400;
	v5 =	vld [tilespmem:s22+$0x8420];
	v11 =	vmul.f32 $1.442695020e+00, v11;
	v12 =	vmul.f32 $1.442695020e+00, v12  }
0x95: {  	v18 =	vld [tilespmem:s23+$0x8460];
	v6 =	vmul.f32 $1.442695020e+00, v6;
	v14 =	vmul.f32 $1.442695020e+00, v14  }
0x96: {  	v20 =	vld [tilespmem:s23+$0x8420];
	v13 =	vmul.f32 $1.442695020e+00, v13;
	v16 =	vmul.f32 $1.442695020e+00, v16  }
0x97: {  	v17 =	vmul.f32 $1.442695020e+00, v17;
	(erf) = vpow2.f32 v4;
	v4 =	vld [tilespmem:s23+$0x8620]  }
0x98: {  	v19 =	vld [tilespmem:s23+$0x8430];
	v15 =	vmul.f32 $1.442695020e+00, v15;
	(erf) = vpow2.f32 v3  }
0x99: {  	v5 =	vmul.f32 $1.442695020e+00, v5;
	v3 =	vld [tilespmem:s23+$0x8450];
	(erf) = vpow2.f32 v2  }
0x9a: {  	v18 =	vmul.f32 $1.442695020e+00, v18;
	v2 =	vld [tilespmem:s23+$0x8470];
	(erf) = vpow2.f32 v7  }
0x9b: {  	v20 =	vmul.f32 $1.442695020e+00, v20;
	v7 =	vld [tilespmem:s23+$0x8650];
	(erf) = vpow2.f32 v8  }
0x9c: {  	v8 =	vld [tilespmem:s23+$0x8400];
	v21 =	vmul.f32 $1.442695020e+00, v4;
	(erf) = vpow2.f32 v11  }
0x9d: {  	v11 =	vmul.f32 $1.442695020e+00, v19;
	(erf) = vpow2.f32 v5;
	v5 =	vld [tilespmem:s23+$0x8440]  }
0x9e: {  	v4 =	vld [tilespmem:s23+$0x8410];
	v29 =	vmul.f32 $1.442695020e+00, v3;
	(erf) = vpow2.f32 v12  }
0x9f: {  	v12 =	vmul.f32 $1.442695020e+00, v2;
	v2 =	vld [tilespmem:s23+$0x8630];
	(erf) = vpow2.f32 v9  }
0xa0: {  	v7 =	vmul.f32 $1.442695020e+00, v7;
	v19 =	vpop (erf);
	(erf) = vpow2.f32 v6;
	v6 =	vld [tilespmem:s23+$0x8660]  }
0xa1: {  	v9 =	vld [tilespmem:s23+$0x8600];
	v8 =	vmul.f32 $1.442695020e+00, v8;
	v22 =	vpop (erf);
	(erf) = vpow2.f32 v13  }
0xa2: {  	(erf) = vpow2.f32 v10;
	v10 =	vpop (erf);
	v23 =	vmul.f32 $1.442695020e+00, v5;
	v5 =	vld [tilespmem:s23+$0x8640]  }
0xa3: {  	v26 =	vld [tilespmem:s23+$0x8670];
	v24 =	vmul.f32 $1.442695020e+00, v4;
	v25 =	vpop (erf);
	(erf) = vpow2.f32 v16  }
0xa4: {  	s7 =	simm.s32 $0x800;
	v13 =	vld [tilespmem:s23+$0x8610];
	v16 =	vmul.f32 $1.442695020e+00, v2;
	v2 =	vpop (erf);
	(erf) = vpow2.f32 v17  }
0xa5: {  	v27 =	vimm.f32 $0.0e+00;
	v17 =	vld [tilespmem:s7+$0x8620];
	v3 =	vpop (erf);
	(erf) = vpow2.f32 v15;
	v4 =	vmul.f32 $1.442695020e+00, v6  }
0xa6: {  	v28 =	vld [tilespmem:s7+$0x8460];
	v15 =	vadd.f32 v22, v27;
	(erf) = vpow2.f32 v21;
	v6 =	vpop (erf);
	v21 =	vmul.f32 $1.442695020e+00, v9  }
0xa7: {  	v22 =	vld [tilespmem:s7+$0x8430];
	v30 =	vadd.f32 v6, v27;
	v31 =	vpop (erf);
	(erf) = vpow2.f32 v14;
	v32 =	vmul.f32 $1.442695020e+00, v5  }
0xa8: {  	v34 =	vld [tilespmem:s7+$0x8410];
	v14 =	vadd.f32 v25, v15;
	(erf) = vpow2.f32 v11;
	v9 =	vpop (erf);
	v11 =	vmul.f32 $1.442695020e+00, v26  }
0xa9: {  	v35 =	vld [tilespmem:s7+$0x8440];
	(erf) = vpow2.f32 v18;
	v15 =	vadd.f32 v9, v27;
	v25 =	vpop (erf);
	v9 =	vmul.f32 $1.442695020e+00, v13  }
0xaa: {  	v18 =	vld [tilespmem:s7+$0x8470];
	v17 =	vmul.f32 $1.442695020e+00, v17;
	(erf) = vpow2.f32 v12;
	v26 =	vpop (erf)  }
0xab: {  	v12 =	vadd.f32 v31, v14;
	v31 =	vld [tilespmem:s7+$0x8650];
	(erf) = vpow2.f32 v7;
	v7 =	vadd.f32 v10, v30;
	v10 =	vpop (erf)  }
0xac: {  	v14 =	vmul.f32 $1.442695020e+00, v22;
	v30 =	vld [tilespmem:s7+$0x8400];
	v33 =	vadd.f32 v3, v15;
	(erf) = vpow2.f32 v23;
	v13 =	vpop (erf)  }
0xad: {  	v6 =	vld [tilespmem:s7+$0x8420];
	v15 =	vmul.f32 $1.442695020e+00, v28;
	(erf) = vpow2.f32 v20;
	v20 =	vadd.f32 v10, v27;
	v3 =	vpop (erf)  }
0xae: {  	v5 =	vld [tilespmem:s7+$0x8450];
	v36 =	vadd.f32 v19, v7;
	v7 =	vmul.f32 $1.442695020e+00, v34;
	(erf) = vpow2.f32 v16;
	v28 =	vpop (erf)  }
0xaf: {  	v27 =	vld [tilespmem:s7+$0x8630];
	v10 =	vadd.f32 v3, v12;
	v16 =	vmul.f32 $1.442695020e+00, v18;
	(erf) = vpow2.f32 v8;
	v3 =	vpop (erf)  }
0xb0: {  	v23 =	vld [tilespmem:s7+$0x8600];
	v18 =	vmul.f32 $1.442695020e+00, v31;
	v25 =	vadd.f32 v25, v20;
	(erf) = vpow2.f32 v29;
	v31 =	vpop (erf)  }
0xb1: {  	v19 =	vld [tilespmem:s7+$0x8660];
	v8 =	vmul.f32 $1.442695020e+00, v30;
	v22 =	vpop (erf);
	(erf) = vpow2.f32 v21  }
0xb2: {  	v20 =	vld [tilespmem:s7+$0x8610];
	v29 =	vadd.f32 v26, v33;
	v28 =	vadd.f32 v28, v25;
	(erf) = vpow2.f32 v24;
	v12 =	vpop (erf)  }
0xb3: {  	s23 =	simm.s32 $0x3000;
	v25 =	vld [tilespmem:s7+$0x8640];
	v26 =	vadd.f32 v31, v36;
	v24 =	vmul.f32 $1.442695020e+00, v35;
	v21 =	vpop (erf);
	(erf) = vpow2.f32 v32  }
.LBB2_3:
0xb4: {  	v27 =	vmul.f32 $1.442695020e+00, v27;
	(erf) = vpow2.f32 v11;
	v13 =	vadd.f32 v13, v29  }
0xb5: {  	p0 =	sne.s32 s23, $0x1F000;
	v30 =	vld [tilespmem:s7+$0x8670];
	s7 =	sshra.s32 s23, $0x2;
	s23 =	sadd.s32 $0x1000, s23;
	v11 =	vmov v2;
	v2 =	vpop (erf);
	v29 =	vmov v4;
	v31 =	vmov v6  }
0xb6: {  	v33 =	vmul.f32 $1.442695020e+00, v5;
	v5 =	vadd.f32 v22, v10;
	v32 =	vld [tilespmem:s7+$0x8460];
	v10 =	vpop (erf);
	(erf) = vpow2.f32 v9  }
0xb7: {  	v22 =	vld [tilespmem:s7+$0x8430];
	v4 =	vmul.f32 $1.442695020e+00, v19;
	(erf) = vpow2.f32 v17;
	v6 =	vpop (erf);
	v19 =	vadd.f32 v11, v28  }
0xb8: {  	v28 =	vmul.f32 $1.442695020e+00, v23;
	v17 =	vld [tilespmem:s7+$0x8620];
	v23 =	vadd.f32 v6, v26;
	v26 =	vpop (erf);
	(erf) = vpow2.f32 v29  }
0xb9: {  	v6 =	vld [tilespmem:s7+$0x8420];
	v34 =	vmul.f32 $1.442695020e+00, v25;
	(erf) = vpow2.f32 v14;
	v14 =	vadd.f32 v21, v5;
	v9 =	vpop (erf)  }
0xba: {  	v5 =	vld [tilespmem:s7+$0x8450];
	v11 =	vmul.f32 $1.442695020e+00, v30;
	(erf) = vpow2.f32 v15;
	v30 =	vadd.f32 v9, v13;
	v21 =	vpop (erf)  }
0xbb: {  	v9 =	vmul.f32 $1.442695020e+00, v20;
	v25 =	vld [tilespmem:s7+$0x8470];
	(erf) = vpow2.f32 v16;
	v16 =	vadd.f32 v26, v14;
	v20 =	vpop (erf)  }
0xbc: {  	v15 =	vmul.f32 $1.442695020e+00, v31;
	v12 =	vadd.f32 v12, v23;
	v26 =	vld [tilespmem:s7+$0x8650];
	(erf) = vpow2.f32 v18;
	v18 =	vpop (erf)  }
0xbd: {  	v29 =	vld [tilespmem:s7+$0x8400];
	v17 =	vmul.f32 $1.442695020e+00, v17;
	(erf) = vpow2.f32 v24;
	v24 =	vadd.f32 v10, v30;
	v13 =	vpop (erf)  }
0xbe: {  	v14 =	vmul.f32 $1.442695020e+00, v22;
	v19 =	vadd.f32 v18, v19;
	v30 =	vld [tilespmem:s7+$0x8410];
	(erf) = vpow2.f32 v15;
	v10 =	vpop (erf)  }
0xbf: {  	v15 =	vmul.f32 $1.442695020e+00, v32;
	v31 =	vld [tilespmem:s7+$0x8440];
	(erf) = vpow2.f32 v27;
	v10 =	vadd.f32 v10, v16;
	v32 =	vpop (erf)  }
.Ltmp2:
0xc0: {  	v35 =	vadd.f32 v3, v12;
	v16 =	vmul.f32 $1.442695020e+00, v25;
	v27 =	vld [tilespmem:s7+$0x8630];
	(erf) = vpow2.f32 v8;
	v3 =	vpop (erf);
	(pc) =	sbr.rel @p0 .LBB2_3-.Ltmp2, $4  }
0xc1: {  	v23 =	vld [tilespmem:s7+$0x8600];
	v18 =	vmul.f32 $1.442695020e+00, v26;
	(erf) = vpow2.f32 v33;
	v33 =	vadd.f32 v21, v19;
	v26 =	vpop (erf)  }
0xc2: {  	v8 =	vmul.f32 $1.442695020e+00, v29;
	v19 =	vld [tilespmem:s7+$0x8660];
	v22 =	vpop (erf);
	(erf) = vpow2.f32 v28;
	v29 =	vadd.f32 v20, v24  }
0xc3: {  	v20 =	vld [tilespmem:s7+$0x8610];
	(erf) = vpow2.f32 v7;
	v7 =	vmul.f32 $1.442695020e+00, v30;
	v12 =	vpop (erf);
	v28 =	vadd.f32 v32, v33  }
0xc4: {  	v26 =	vadd.f32 v26, v35;
	v24 =	vmul.f32 $1.442695020e+00, v31;
	v25 =	vld [tilespmem:s7+$0x8640];
	v21 =	vpop (erf);
	(erf) = vpow2.f32 v34  }
0xc5: {  	v30 =	vpop (erf);
	(erf) = vpow2.f32 v11  }
0xc6: {  	(erf) = vpow2.f32 v9  }
0xc7: {  	v11 =	vpop (erf);
	(erf) = vpow2.f32 v17  }
0xc8: {  	v9 =	vpop (erf);
	(erf) = vpow2.f32 v4  }
0xc9: {  	v17 =	vpop (erf);
	(erf) = vpow2.f32 v14  }
0xca: {  	v4 =	vpop (erf);
	(erf) = vpow2.f32 v15  }
0xcb: {  	v6 =	vmul.f32 $1.442695020e+00, v6;
	v14 =	vpop (erf);
	(erf) = vpow2.f32 v16  }
0xcc: {  	v15 =	vpop (erf);
	(erf) = vpow2.f32 v18;
	v18 =	vmul.f32 $1.442695020e+00, v27  }
0xcd: {  	v16 =	vpop (erf)  }
0xce: {  	v5 =	vmul.f32 $1.442695020e+00, v5;
	(erf) = vpow2.f32 v24;
	v24 =	vpop (erf)  }
0xcf: {  	(erf) = vpow2.f32 v6;
	v6 =	vpop (erf)  }
0xd0: {  	v27 =	vld [tilespmem:s7+$0x8670];
	(erf) = vpow2.f32 v18;
	v18 =	vpop (erf)  }
0xd1: {  	v13 =	vadd.f32 v13, v29;
	v23 =	vmul.f32 $1.442695020e+00, v23;
	(erf) = vpow2.f32 v8;
	v8 =	vpop (erf)  }
0xd2: {  	(erf) = vpow2.f32 v5;
	v5 =	vpop (erf)  }
0xd3: {  	(erf) = vpow2.f32 v23;
	v23 =	vmul.f32 $1.442695020e+00, v25;
	v29 =	vpop (erf)  }
0xd4: {  	v2 =	vadd.f32 v2, v28;
	v10 =	vadd.f32 v22, v10;
	(erf) = vpow2.f32 v7;
	v7 =	vpop (erf)  }
0xd5: {  	v9 =	vadd.f32 v9, v26;
	v4 =	vadd.f32 v4, v13;
	v25 =	vmul.f32 $1.442695020e+00, v27;
	v13 =	vpop (erf)  }
0xd6: {  	v20 =	vmul.f32 $1.442695020e+00, v20;
	v2 =	vadd.f32 v16, v2;
	(erf) = vpow2.f32 v23;
	v16 =	vpop (erf)  }
0xd7: {  	v9 =	vadd.f32 v12, v9;
	v4 =	vadd.f32 v11, v4;
	(erf) = vpow2.f32 v25;
	v23 =	vpop (erf)  }
0xd8: {  	v2 =	vadd.f32 v14, v2;
	v14 =	vmul.f32 $1.442695020e+00, v19;
	(erf) = vpow2.f32 v20;
	v11 =	vpop (erf)  }
0xd9: {  	v10 =	vadd.f32 v21, v10;
	v12 =	vpop (erf)  }
0xda: {  	v4 =	vadd.f32 v15, v4;
	v2 =	vadd.f32 v18, v2;
	v15 =	vpop (erf)  }
0xdb: {  	v10 =	vadd.f32 v17, v10;
	v3 =	vadd.f32 v3, v9;
	v9 =	vpop (erf)  }
0xdc: {  	v4 =	vadd.f32 v24, v4;
	v2 =	vadd.f32 v30, v2;
	(erf) = vpow2.f32 v14;
	v14 =	vpop (erf)  }
0xdd: {  	v3 =	vadd.f32 v5, v3;
	v5 =	vpop (erf)  }
0xde: {  	v4 =	vadd.f32 v15, v4;
	v2 =	vadd.f32 v5, v2  }
0xdf: {  	v3 =	vadd.f32 v11, v3;
	v5 =	vadd.f32 v6, v10;
	v6 =	vpop (erf)  }
0xe0: {  	v4 =	vadd.f32 v23, v4;
	v10 =	vpop (erf);
	v2 =	vadd.f32 v9, v2  }
0xe1: {  	v3 =	vadd.f32 v7, v3;
	v5 =	vadd.f32 v29, v5;
	v7 =	vpop (erf)  }
0xe2: {  	v4 =	vadd.f32 v14, v4;
	v2 =	vadd.f32 v7, v2  }
0xe3: {  	v3 =	vadd.f32 v8, v3;
	v5 =	vadd.f32 v13, v5  }
0xe4: {  	v4 =	vadd.f32 v6, v4;
	v2 =	vadd.f32 v16, v2  }
0xe5: {  	v5 =	vadd.f32 v12, v5;
	v6 =	vpop (erf)  }
0xe6: {  	v3 =	vadd.f32 v6, v3;
	v2 =	vadd.f32 v2, v4;
	_ =	sdelay $0x1  }
0xe7: {  	v4 =	vadd.f32 v10, v5;
	v2 =	vadd.f32 v3, v2;
	_ =	sdelay $0x1  }
0xe8: {  	s1 =	sshll.u32 s6, $0xA;
	v2 =	vadd.f32 v4, v2  }
0xe9: {  	s7 =	sand.u32 $0x3FFFFC00, s1  }
0xea: {  	s23 =	simm.s32 $0x0;
	[tilespmem:s7+$0x300] =	vst v2  }
0xeb: {  	v2 =	vld [tilespmem:s23+$0x84E0]  }
0xec: {  	v3 =	vld [tilespmem:s23+$0x84B0]  }
0xed: {  	v4 =	vld [tilespmem:s23+$0x86A0]  }
0xee: {  	v6 =	vld [tilespmem:s23+$0x84D0]  }
0xef: {  	v7 =	vld [tilespmem:s23+$0x84F0]  }
0xf0: {  	v8 =	vld [tilespmem:s23+$0x86D0]  }
0xf1: {  	v9 =	vld [tilespmem:s23+$0x8480]  }
0xf2: {  	v10 =	vld [tilespmem:s23+$0x8490]  }
0xf3: {  	v11 =	vld [tilespmem:s23+$0x84C0]  }
0xf4: {  	v12 =	vld [tilespmem:s23+$0x86B0]  }
0xf5: {  	v13 =	vld [tilespmem:s23+$0x8680]  }
0xf6: {  	v14 =	vld [tilespmem:s23+$0x86E0];
	v4 =	vmul.f32 $1.442695020e+00, v4  }
0xf7: {  	v16 =	vld [tilespmem:s23+$0x86C0];
	v3 =	vmul.f32 $1.442695020e+00, v3;
	v2 =	vmul.f32 $1.442695020e+00, v2  }
0xf8: {  	v17 =	vld [tilespmem:s23+$0x86F0];
	v7 =	vmul.f32 $1.442695020e+00, v7;
	v8 =	vmul.f32 $1.442695020e+00, v8  }
0xf9: {  	v15 =	vld [tilespmem:s23+$0x8690];
	v9 =	vmul.f32 $1.442695020e+00, v9;
	v10 =	vmul.f32 $1.442695020e+00, v10  }
0xfa: {  	s22 =	simm.s32 $0x400;
	v5 =	vld [tilespmem:s23+$0x84A0];
	v11 =	vmul.f32 $1.442695020e+00, v11;
	v12 =	vmul.f32 $1.442695020e+00, v12  }
0xfb: {  	v18 =	vld [tilespmem:s22+$0x84E0];
	v6 =	vmul.f32 $1.442695020e+00, v6;
	v14 =	vmul.f32 $1.442695020e+00, v14  }
0xfc: {  	v20 =	vld [tilespmem:s22+$0x84A0];
	v13 =	vmul.f32 $1.442695020e+00, v13;
	v16 =	vmul.f32 $1.442695020e+00, v16  }
0xfd: {  	v17 =	vmul.f32 $1.442695020e+00, v17;
	(erf) = vpow2.f32 v4;
	v4 =	vld [tilespmem:s22+$0x86A0]  }
0xfe: {  	v19 =	vld [tilespmem:s22+$0x84B0];
	v15 =	vmul.f32 $1.442695020e+00, v15;
	(erf) = vpow2.f32 v3  }
0xff: {  	v5 =	vmul.f32 $1.442695020e+00, v5;
	v3 =	vld [tilespmem:s22+$0x84D0];
	(erf) = vpow2.f32 v2  }
0x100: {  	v18 =	vmul.f32 $1.442695020e+00, v18;
	v2 =	vld [tilespmem:s22+$0x84F0];
	(erf) = vpow2.f32 v7  }
0x101: {  	v20 =	vmul.f32 $1.442695020e+00, v20;
	v7 =	vld [tilespmem:s22+$0x86D0];
	(erf) = vpow2.f32 v8  }
0x102: {  	v8 =	vld [tilespmem:s22+$0x8480];
	v21 =	vmul.f32 $1.442695020e+00, v4;
	(erf) = vpow2.f32 v11  }
0x103: {  	v11 =	vmul.f32 $1.442695020e+00, v19;
	(erf) = vpow2.f32 v5;
	v5 =	vld [tilespmem:s22+$0x84C0]  }
0x104: {  	v4 =	vld [tilespmem:s22+$0x8490];
	v29 =	vmul.f32 $1.442695020e+00, v3;
	(erf) = vpow2.f32 v12  }
0x105: {  	v12 =	vmul.f32 $1.442695020e+00, v2;
	v2 =	vld [tilespmem:s22+$0x86B0];
	(erf) = vpow2.f32 v9  }
0x106: {  	v7 =	vmul.f32 $1.442695020e+00, v7;
	v19 =	vpop (erf);
	(erf) = vpow2.f32 v6;
	v6 =	vld [tilespmem:s22+$0x86E0]  }
0x107: {  	v9 =	vld [tilespmem:s22+$0x8680];
	v8 =	vmul.f32 $1.442695020e+00, v8;
	v22 =	vpop (erf);
	(erf) = vpow2.f32 v13  }
0x108: {  	(erf) = vpow2.f32 v10;
	v10 =	vpop (erf);
	v23 =	vmul.f32 $1.442695020e+00, v5;
	v5 =	vld [tilespmem:s22+$0x86C0]  }
0x109: {  	v26 =	vld [tilespmem:s22+$0x86F0];
	v24 =	vmul.f32 $1.442695020e+00, v4;
	v25 =	vpop (erf);
	(erf) = vpow2.f32 v16  }
0x10a: {  	s23 =	simm.s32 $0x800;
	v13 =	vld [tilespmem:s22+$0x8690];
	v16 =	vmul.f32 $1.442695020e+00, v2;
	v2 =	vpop (erf);
	(erf) = vpow2.f32 v17  }
0x10b: {  	v27 =	vimm.f32 $0.0e+00;
	v17 =	vld [tilespmem:s23+$0x86A0];
	v3 =	vpop (erf);
	(erf) = vpow2.f32 v15;
	v4 =	vmul.f32 $1.442695020e+00, v6  }
0x10c: {  	v28 =	vld [tilespmem:s23+$0x84E0];
	v15 =	vadd.f32 v22, v27;
	(erf) = vpow2.f32 v21;
	v6 =	vpop (erf);
	v21 =	vmul.f32 $1.442695020e+00, v9  }
0x10d: {  	v22 =	vld [tilespmem:s23+$0x84B0];
	v30 =	vadd.f32 v6, v27;
	v31 =	vpop (erf);
	(erf) = vpow2.f32 v14;
	v32 =	vmul.f32 $1.442695020e+00, v5  }
0x10e: {  	v34 =	vld [tilespmem:s23+$0x8490];
	v14 =	vadd.f32 v25, v15;
	(erf) = vpow2.f32 v11;
	v9 =	vpop (erf);
	v11 =	vmul.f32 $1.442695020e+00, v26  }
0x10f: {  	v35 =	vld [tilespmem:s23+$0x84C0];
	(erf) = vpow2.f32 v18;
	v15 =	vadd.f32 v9, v27;
	v25 =	vpop (erf);
	v9 =	vmul.f32 $1.442695020e+00, v13  }
0x110: {  	v18 =	vld [tilespmem:s23+$0x84F0];
	v17 =	vmul.f32 $1.442695020e+00, v17;
	(erf) = vpow2.f32 v12;
	v26 =	vpop (erf)  }
0x111: {  	v12 =	vadd.f32 v31, v14;
	v31 =	vld [tilespmem:s23+$0x86D0];
	(erf) = vpow2.f32 v7;
	v7 =	vadd.f32 v10, v30;
	v10 =	vpop (erf)  }
0x112: {  	v14 =	vmul.f32 $1.442695020e+00, v22;
	v30 =	vld [tilespmem:s23+$0x8480];
	v33 =	vadd.f32 v3, v15;
	(erf) = vpow2.f32 v23;
	v13 =	vpop (erf)  }
0x113: {  	v6 =	vld [tilespmem:s23+$0x84A0];
	v15 =	vmul.f32 $1.442695020e+00, v28;
	(erf) = vpow2.f32 v20;
	v20 =	vadd.f32 v10, v27;
	v3 =	vpop (erf)  }
0x114: {  	v5 =	vld [tilespmem:s23+$0x84D0];
	v36 =	vadd.f32 v19, v7;
	v7 =	vmul.f32 $1.442695020e+00, v34;
	(erf) = vpow2.f32 v16;
	v28 =	vpop (erf)  }
0x115: {  	v27 =	vld [tilespmem:s23+$0x86B0];
	v10 =	vadd.f32 v3, v12;
	v16 =	vmul.f32 $1.442695020e+00, v18;
	(erf) = vpow2.f32 v8;
	v3 =	vpop (erf)  }
0x116: {  	v23 =	vld [tilespmem:s23+$0x8680];
	v18 =	vmul.f32 $1.442695020e+00, v31;
	v25 =	vadd.f32 v25, v20;
	(erf) = vpow2.f32 v29;
	v31 =	vpop (erf)  }
0x117: {  	v19 =	vld [tilespmem:s23+$0x86E0];
	v8 =	vmul.f32 $1.442695020e+00, v30;
	v22 =	vpop (erf);
	(erf) = vpow2.f32 v21  }
0x118: {  	v20 =	vld [tilespmem:s23+$0x8690];
	v29 =	vadd.f32 v26, v33;
	v28 =	vadd.f32 v28, v25;
	(erf) = vpow2.f32 v24;
	v12 =	vpop (erf)  }
0x119: {  	s1 =	simm.s32 $0x3000;
	v25 =	vld [tilespmem:s23+$0x86C0];
	v26 =	vadd.f32 v31, v36;
	v24 =	vmul.f32 $1.442695020e+00, v35;
	v21 =	vpop (erf);
	(erf) = vpow2.f32 v32  }
.LBB2_5:
0x11a: {  	v27 =	vmul.f32 $1.442695020e+00, v27;
	(erf) = vpow2.f32 v11;
	v13 =	vadd.f32 v13, v29  }
0x11b: {  	p0 =	sne.s32 s1, $0x1F000;
	v30 =	vld [tilespmem:s23+$0x86F0];
	s23 =	sshra.s32 s1, $0x2;
	s1 =	sadd.s32 $0x1000, s1;
	v11 =	vmov v2;
	v2 =	vpop (erf);
	v29 =	vmov v4;
	v31 =	vmov v6  }
0x11c: {  	v33 =	vmul.f32 $1.442695020e+00, v5;
	v5 =	vadd.f32 v22, v10;
	v32 =	vld [tilespmem:s23+$0x84E0];
	v10 =	vpop (erf);
	(erf) = vpow2.f32 v9  }
0x11d: {  	v22 =	vld [tilespmem:s23+$0x84B0];
	v4 =	vmul.f32 $1.442695020e+00, v19;
	(erf) = vpow2.f32 v17;
	v6 =	vpop (erf);
	v19 =	vadd.f32 v11, v28  }
0x11e: {  	v28 =	vmul.f32 $1.442695020e+00, v23;
	v17 =	vld [tilespmem:s23+$0x86A0];
	v23 =	vadd.f32 v6, v26;
	v26 =	vpop (erf);
	(erf) = vpow2.f32 v29  }
0x11f: {  	v6 =	vld [tilespmem:s23+$0x84A0];
	v34 =	vmul.f32 $1.442695020e+00, v25;
	(erf) = vpow2.f32 v14;
	v14 =	vadd.f32 v21, v5;
	v9 =	vpop (erf)  }
0x120: {  	v5 =	vld [tilespmem:s23+$0x84D0];
	v11 =	vmul.f32 $1.442695020e+00, v30;
	(erf) = vpow2.f32 v15;
	v30 =	vadd.f32 v9, v13;
	v21 =	vpop (erf)  }
0x121: {  	v9 =	vmul.f32 $1.442695020e+00, v20;
	v25 =	vld [tilespmem:s23+$0x84F0];
	(erf) = vpow2.f32 v16;
	v16 =	vadd.f32 v26, v14;
	v20 =	vpop (erf)  }
0x122: {  	v15 =	vmul.f32 $1.442695020e+00, v31;
	v12 =	vadd.f32 v12, v23;
	v26 =	vld [tilespmem:s23+$0x86D0];
	(erf) = vpow2.f32 v18;
	v18 =	vpop (erf)  }
0x123: {  	v29 =	vld [tilespmem:s23+$0x8480];
	v17 =	vmul.f32 $1.442695020e+00, v17;
	(erf) = vpow2.f32 v24;
	v24 =	vadd.f32 v10, v30;
	v13 =	vpop (erf)  }
0x124: {  	v14 =	vmul.f32 $1.442695020e+00, v22;
	v19 =	vadd.f32 v18, v19;
	v30 =	vld [tilespmem:s23+$0x8490];
	(erf) = vpow2.f32 v15;
	v10 =	vpop (erf)  }
0x125: {  	v15 =	vmul.f32 $1.442695020e+00, v32;
	v31 =	vld [tilespmem:s23+$0x84C0];
	(erf) = vpow2.f32 v27;
	v10 =	vadd.f32 v10, v16;
	v32 =	vpop (erf)  }
.Ltmp3:
0x126: {  	v35 =	vadd.f32 v3, v12;
	v16 =	vmul.f32 $1.442695020e+00, v25;
	v27 =	vld [tilespmem:s23+$0x86B0];
	(erf) = vpow2.f32 v8;
	v3 =	vpop (erf);
	(pc) =	sbr.rel @p0 .LBB2_5-.Ltmp3, $4  }
0x127: {  	v23 =	vld [tilespmem:s23+$0x8680];
	v18 =	vmul.f32 $1.442695020e+00, v26;
	(erf) = vpow2.f32 v33;
	v33 =	vadd.f32 v21, v19;
	v26 =	vpop (erf)  }
0x128: {  	v8 =	vmul.f32 $1.442695020e+00, v29;
	v19 =	vld [tilespmem:s23+$0x86E0];
	v22 =	vpop (erf);
	(erf) = vpow2.f32 v28;
	v29 =	vadd.f32 v20, v24  }
0x129: {  	v20 =	vld [tilespmem:s23+$0x8690];
	(erf) = vpow2.f32 v7;
	v7 =	vmul.f32 $1.442695020e+00, v30;
	v12 =	vpop (erf);
	v28 =	vadd.f32 v32, v33  }
0x12a: {  	v26 =	vadd.f32 v26, v35;
	v24 =	vmul.f32 $1.442695020e+00, v31;
	v25 =	vld [tilespmem:s23+$0x86C0];
	v21 =	vpop (erf);
	(erf) = vpow2.f32 v34  }
0x12b: {  	v30 =	vpop (erf);
	(erf) = vpow2.f32 v11  }
0x12c: {  	(erf) = vpow2.f32 v9  }
0x12d: {  	v11 =	vpop (erf);
	(erf) = vpow2.f32 v17  }
0x12e: {  	v9 =	vpop (erf);
	(erf) = vpow2.f32 v4  }
0x12f: {  	v17 =	vpop (erf);
	(erf) = vpow2.f32 v14  }
0x130: {  	v4 =	vpop (erf);
	(erf) = vpow2.f32 v15  }
0x131: {  	v6 =	vmul.f32 $1.442695020e+00, v6;
	v14 =	vpop (erf);
	(erf) = vpow2.f32 v16  }
0x132: {  	v15 =	vpop (erf);
	(erf) = vpow2.f32 v18;
	v18 =	vmul.f32 $1.442695020e+00, v27  }
0x133: {  	v16 =	vpop (erf)  }
0x134: {  	v5 =	vmul.f32 $1.442695020e+00, v5;
	(erf) = vpow2.f32 v24;
	v24 =	vpop (erf)  }
0x135: {  	(erf) = vpow2.f32 v6;
	v6 =	vpop (erf)  }
0x136: {  	v27 =	vld [tilespmem:s23+$0x86F0];
	(erf) = vpow2.f32 v18;
	v18 =	vpop (erf)  }
0x137: {  	v13 =	vadd.f32 v13, v29;
	v23 =	vmul.f32 $1.442695020e+00, v23;
	(erf) = vpow2.f32 v8;
	v8 =	vpop (erf)  }
0x138: {  	(erf) = vpow2.f32 v5;
	v5 =	vpop (erf)  }
0x139: {  	(erf) = vpow2.f32 v23;
	v23 =	vmul.f32 $1.442695020e+00, v25;
	v29 =	vpop (erf)  }
0x13a: {  	v2 =	vadd.f32 v2, v28;
	v10 =	vadd.f32 v22, v10;
	(erf) = vpow2.f32 v7;
	v7 =	vpop (erf)  }
0x13b: {  	v9 =	vadd.f32 v9, v26;
	v4 =	vadd.f32 v4, v13;
	v25 =	vmul.f32 $1.442695020e+00, v27;
	v13 =	vpop (erf)  }
0x13c: {  	v20 =	vmul.f32 $1.442695020e+00, v20;
	v2 =	vadd.f32 v16, v2;
	(erf) = vpow2.f32 v23;
	v16 =	vpop (erf)  }
0x13d: {  	v9 =	vadd.f32 v12, v9;
	v4 =	vadd.f32 v11, v4;
	(erf) = vpow2.f32 v25;
	v23 =	vpop (erf)  }
0x13e: {  	v2 =	vadd.f32 v14, v2;
	v14 =	vmul.f32 $1.442695020e+00, v19;
	(erf) = vpow2.f32 v20;
	v11 =	vpop (erf)  }
0x13f: {  	v10 =	vadd.f32 v21, v10;
	v12 =	vpop (erf)  }
0x140: {  	v4 =	vadd.f32 v15, v4;
	v2 =	vadd.f32 v18, v2;
	v15 =	vpop (erf)  }
0x141: {  	v10 =	vadd.f32 v17, v10;
	v3 =	vadd.f32 v3, v9;
	v9 =	vpop (erf)  }
0x142: {  	v4 =	vadd.f32 v24, v4;
	v2 =	vadd.f32 v30, v2;
	(erf) = vpow2.f32 v14;
	v14 =	vpop (erf)  }
0x143: {  	v3 =	vadd.f32 v5, v3;
	v5 =	vpop (erf)  }
0x144: {  	v4 =	vadd.f32 v15, v4;
	v2 =	vadd.f32 v5, v2  }
0x145: {  	v3 =	vadd.f32 v11, v3;
	v5 =	vadd.f32 v6, v10;
	v6 =	vpop (erf)  }
0x146: {  	v4 =	vadd.f32 v23, v4;
	v10 =	vpop (erf);
	v2 =	vadd.f32 v9, v2  }
0x147: {  	v3 =	vadd.f32 v7, v3;
	v5 =	vadd.f32 v29, v5;
	v7 =	vpop (erf)  }
0x148: {  	v4 =	vadd.f32 v14, v4;
	v2 =	vadd.f32 v7, v2  }
0x149: {  	v3 =	vadd.f32 v8, v3;
	v5 =	vadd.f32 v13, v5  }
0x14a: {  	v4 =	vadd.f32 v6, v4;
	v2 =	vadd.f32 v16, v2  }
0x14b: {  	v5 =	vadd.f32 v12, v5;
	v6 =	vpop (erf)  }
0x14c: {  	v3 =	vadd.f32 v6, v3;
	v2 =	vadd.f32 v2, v4;
	_ =	sdelay $0x1  }
0x14d: {  	v4 =	vadd.f32 v10, v5;
	v2 =	vadd.f32 v3, v2;
	_ =	sdelay $0x1  }
0x14e: {  	v2 =	vadd.f32 v4, v2;
	_ =	sdelay $0x1  }
0x14f: {  	s1 =	simm.s32 $0x0;
	[tilespmem:s7+$0x380] =	vst v2  }
0x150: {  	v2 =	vld [tilespmem:s1+$0x8560]  }
0x151: {  	v3 =	vld [tilespmem:s1+$0x8530]  }
0x152: {  	v4 =	vld [tilespmem:s1+$0x8720]  }
0x153: {  	v6 =	vld [tilespmem:s1+$0x8550]  }
0x154: {  	v7 =	vld [tilespmem:s1+$0x8570]  }
0x155: {  	v8 =	vld [tilespmem:s1+$0x8750]  }
0x156: {  	v9 =	vld [tilespmem:s1+$0x8500]  }
0x157: {  	v10 =	vld [tilespmem:s1+$0x8510]  }
0x158: {  	v11 =	vld [tilespmem:s1+$0x8540]  }
0x159: {  	v12 =	vld [tilespmem:s1+$0x8730]  }
0x15a: {  	v13 =	vld [tilespmem:s1+$0x8700]  }
0x15b: {  	v14 =	vld [tilespmem:s1+$0x8760];
	v4 =	vmul.f32 $1.442695020e+00, v4  }
0x15c: {  	v16 =	vld [tilespmem:s1+$0x8740];
	v3 =	vmul.f32 $1.442695020e+00, v3;
	v2 =	vmul.f32 $1.442695020e+00, v2  }
0x15d: {  	v17 =	vld [tilespmem:s1+$0x8770];
	v7 =	vmul.f32 $1.442695020e+00, v7;
	v8 =	vmul.f32 $1.442695020e+00, v8  }
0x15e: {  	v15 =	vld [tilespmem:s1+$0x8710];
	v9 =	vmul.f32 $1.442695020e+00, v9;
	v10 =	vmul.f32 $1.442695020e+00, v10  }
0x15f: {  	s22 =	simm.s32 $0x400;
	v5 =	vld [tilespmem:s1+$0x8520];
	v11 =	vmul.f32 $1.442695020e+00, v11;
	v12 =	vmul.f32 $1.442695020e+00, v12  }
0x160: {  	v18 =	vld [tilespmem:s22+$0x8560];
	v6 =	vmul.f32 $1.442695020e+00, v6;
	v14 =	vmul.f32 $1.442695020e+00, v14  }
0x161: {  	v20 =	vld [tilespmem:s22+$0x8520];
	v13 =	vmul.f32 $1.442695020e+00, v13;
	v16 =	vmul.f32 $1.442695020e+00, v16  }
0x162: {  	v17 =	vmul.f32 $1.442695020e+00, v17;
	(erf) = vpow2.f32 v4;
	v4 =	vld [tilespmem:s22+$0x8720]  }
0x163: {  	v19 =	vld [tilespmem:s22+$0x8530];
	v15 =	vmul.f32 $1.442695020e+00, v15;
	(erf) = vpow2.f32 v3  }
0x164: {  	v5 =	vmul.f32 $1.442695020e+00, v5;
	v3 =	vld [tilespmem:s22+$0x8550];
	(erf) = vpow2.f32 v2  }
0x165: {  	v18 =	vmul.f32 $1.442695020e+00, v18;
	v2 =	vld [tilespmem:s22+$0x8570];
	(erf) = vpow2.f32 v7  }
0x166: {  	v20 =	vmul.f32 $1.442695020e+00, v20;
	v7 =	vld [tilespmem:s22+$0x8750];
	(erf) = vpow2.f32 v8  }
0x167: {  	v8 =	vld [tilespmem:s22+$0x8500];
	v21 =	vmul.f32 $1.442695020e+00, v4;
	(erf) = vpow2.f32 v11  }
0x168: {  	v11 =	vmul.f32 $1.442695020e+00, v19;
	(erf) = vpow2.f32 v5;
	v5 =	vld [tilespmem:s22+$0x8540]  }
0x169: {  	v4 =	vld [tilespmem:s22+$0x8510];
	v29 =	vmul.f32 $1.442695020e+00, v3;
	(erf) = vpow2.f32 v12  }
0x16a: {  	v12 =	vmul.f32 $1.442695020e+00, v2;
	v2 =	vld [tilespmem:s22+$0x8730];
	(erf) = vpow2.f32 v9  }
0x16b: {  	v7 =	vmul.f32 $1.442695020e+00, v7;
	v19 =	vpop (erf);
	(erf) = vpow2.f32 v6;
	v6 =	vld [tilespmem:s22+$0x8760]  }
0x16c: {  	v9 =	vld [tilespmem:s22+$0x8700];
	v8 =	vmul.f32 $1.442695020e+00, v8;
	v22 =	vpop (erf);
	(erf) = vpow2.f32 v13  }
0x16d: {  	(erf) = vpow2.f32 v10;
	v10 =	vpop (erf);
	v23 =	vmul.f32 $1.442695020e+00, v5;
	v5 =	vld [tilespmem:s22+$0x8740]  }
0x16e: {  	v26 =	vld [tilespmem:s22+$0x8770];
	v24 =	vmul.f32 $1.442695020e+00, v4;
	v25 =	vpop (erf);
	(erf) = vpow2.f32 v16  }
0x16f: {  	s23 =	simm.s32 $0x800;
	v13 =	vld [tilespmem:s22+$0x8710];
	v16 =	vmul.f32 $1.442695020e+00, v2;
	v2 =	vpop (erf);
	(erf) = vpow2.f32 v17  }
0x170: {  	v27 =	vimm.f32 $0.0e+00;
	v17 =	vld [tilespmem:s23+$0x8720];
	v3 =	vpop (erf);
	(erf) = vpow2.f32 v15;
	v4 =	vmul.f32 $1.442695020e+00, v6  }
0x171: {  	v28 =	vld [tilespmem:s23+$0x8560];
	v15 =	vadd.f32 v22, v27;
	(erf) = vpow2.f32 v21;
	v6 =	vpop (erf);
	v21 =	vmul.f32 $1.442695020e+00, v9  }
0x172: {  	v22 =	vld [tilespmem:s23+$0x8530];
	v30 =	vadd.f32 v6, v27;
	v31 =	vpop (erf);
	(erf) = vpow2.f32 v14;
	v32 =	vmul.f32 $1.442695020e+00, v5  }
0x173: {  	v34 =	vld [tilespmem:s23+$0x8510];
	v14 =	vadd.f32 v25, v15;
	(erf) = vpow2.f32 v11;
	v9 =	vpop (erf);
	v11 =	vmul.f32 $1.442695020e+00, v26  }
0x174: {  	v35 =	vld [tilespmem:s23+$0x8540];
	(erf) = vpow2.f32 v18;
	v15 =	vadd.f32 v9, v27;
	v25 =	vpop (erf);
	v9 =	vmul.f32 $1.442695020e+00, v13  }
0x175: {  	v18 =	vld [tilespmem:s23+$0x8570];
	v17 =	vmul.f32 $1.442695020e+00, v17;
	(erf) = vpow2.f32 v12;
	v26 =	vpop (erf)  }
0x176: {  	v12 =	vadd.f32 v31, v14;
	v31 =	vld [tilespmem:s23+$0x8750];
	(erf) = vpow2.f32 v7;
	v7 =	vadd.f32 v10, v30;
	v10 =	vpop (erf)  }
0x177: {  	v14 =	vmul.f32 $1.442695020e+00, v22;
	v30 =	vld [tilespmem:s23+$0x8500];
	v33 =	vadd.f32 v3, v15;
	(erf) = vpow2.f32 v23;
	v13 =	vpop (erf)  }
0x178: {  	v6 =	vld [tilespmem:s23+$0x8520];
	v15 =	vmul.f32 $1.442695020e+00, v28;
	(erf) = vpow2.f32 v20;
	v20 =	vadd.f32 v10, v27;
	v3 =	vpop (erf)  }
0x179: {  	v5 =	vld [tilespmem:s23+$0x8550];
	v36 =	vadd.f32 v19, v7;
	v7 =	vmul.f32 $1.442695020e+00, v34;
	(erf) = vpow2.f32 v16;
	v28 =	vpop (erf)  }
0x17a: {  	v27 =	vld [tilespmem:s23+$0x8730];
	v10 =	vadd.f32 v3, v12;
	v16 =	vmul.f32 $1.442695020e+00, v18;
	(erf) = vpow2.f32 v8;
	v3 =	vpop (erf)  }
0x17b: {  	v23 =	vld [tilespmem:s23+$0x8700];
	v18 =	vmul.f32 $1.442695020e+00, v31;
	v25 =	vadd.f32 v25, v20;
	(erf) = vpow2.f32 v29;
	v31 =	vpop (erf)  }
0x17c: {  	v19 =	vld [tilespmem:s23+$0x8760];
	v8 =	vmul.f32 $1.442695020e+00, v30;
	v22 =	vpop (erf);
	(erf) = vpow2.f32 v21  }
0x17d: {  	v20 =	vld [tilespmem:s23+$0x8710];
	v29 =	vadd.f32 v26, v33;
	v28 =	vadd.f32 v28, v25;
	(erf) = vpow2.f32 v24;
	v12 =	vpop (erf)  }
0x17e: {  	s1 =	simm.s32 $0x3000;
	v25 =	vld [tilespmem:s23+$0x8740];
	v26 =	vadd.f32 v31, v36;
	v24 =	vmul.f32 $1.442695020e+00, v35;
	v21 =	vpop (erf);
	(erf) = vpow2.f32 v32  }
.LBB2_7:
0x17f: {  	v27 =	vmul.f32 $1.442695020e+00, v27;
	(erf) = vpow2.f32 v11;
	v13 =	vadd.f32 v13, v29  }
0x180: {  	p0 =	sne.s32 s1, $0x1F000;
	v30 =	vld [tilespmem:s23+$0x8770];
	s23 =	sshra.s32 s1, $0x2;
	s1 =	sadd.s32 $0x1000, s1;
	v11 =	vmov v2;
	v2 =	vpop (erf);
	v29 =	vmov v4;
	v31 =	vmov v6  }
0x181: {  	v33 =	vmul.f32 $1.442695020e+00, v5;
	v5 =	vadd.f32 v22, v10;
	v32 =	vld [tilespmem:s23+$0x8560];
	v10 =	vpop (erf);
	(erf) = vpow2.f32 v9  }
0x182: {  	v22 =	vld [tilespmem:s23+$0x8530];
	v4 =	vmul.f32 $1.442695020e+00, v19;
	(erf) = vpow2.f32 v17;
	v6 =	vpop (erf);
	v19 =	vadd.f32 v11, v28  }
0x183: {  	v28 =	vmul.f32 $1.442695020e+00, v23;
	v17 =	vld [tilespmem:s23+$0x8720];
	v23 =	vadd.f32 v6, v26;
	v26 =	vpop (erf);
	(erf) = vpow2.f32 v29  }
0x184: {  	v6 =	vld [tilespmem:s23+$0x8520];
	v34 =	vmul.f32 $1.442695020e+00, v25;
	(erf) = vpow2.f32 v14;
	v14 =	vadd.f32 v21, v5;
	v9 =	vpop (erf)  }
0x185: {  	v5 =	vld [tilespmem:s23+$0x8550];
	v11 =	vmul.f32 $1.442695020e+00, v30;
	(erf) = vpow2.f32 v15;
	v30 =	vadd.f32 v9, v13;
	v21 =	vpop (erf)  }
0x186: {  	v9 =	vmul.f32 $1.442695020e+00, v20;
	v25 =	vld [tilespmem:s23+$0x8570];
	(erf) = vpow2.f32 v16;
	v16 =	vadd.f32 v26, v14;
	v20 =	vpop (erf)  }
0x187: {  	v15 =	vmul.f32 $1.442695020e+00, v31;
	v12 =	vadd.f32 v12, v23;
	v26 =	vld [tilespmem:s23+$0x8750];
	(erf) = vpow2.f32 v18;
	v18 =	vpop (erf)  }
0x188: {  	v29 =	vld [tilespmem:s23+$0x8500];
	v17 =	vmul.f32 $1.442695020e+00, v17;
	(erf) = vpow2.f32 v24;
	v24 =	vadd.f32 v10, v30;
	v13 =	vpop (erf)  }
0x189: {  	v14 =	vmul.f32 $1.442695020e+00, v22;
	v19 =	vadd.f32 v18, v19;
	v30 =	vld [tilespmem:s23+$0x8510];
	(erf) = vpow2.f32 v15;
	v10 =	vpop (erf)  }
0x18a: {  	v15 =	vmul.f32 $1.442695020e+00, v32;
	v31 =	vld [tilespmem:s23+$0x8540];
	(erf) = vpow2.f32 v27;
	v10 =	vadd.f32 v10, v16;
	v32 =	vpop (erf)  }
.Ltmp4:
0x18b: {  	v35 =	vadd.f32 v3, v12;
	v16 =	vmul.f32 $1.442695020e+00, v25;
	v27 =	vld [tilespmem:s23+$0x8730];
	(erf) = vpow2.f32 v8;
	v3 =	vpop (erf);
	(pc) =	sbr.rel @p0 .LBB2_7-.Ltmp4, $4  }
0x18c: {  	v23 =	vld [tilespmem:s23+$0x8700];
	v18 =	vmul.f32 $1.442695020e+00, v26;
	(erf) = vpow2.f32 v33;
	v33 =	vadd.f32 v21, v19;
	v26 =	vpop (erf)  }
0x18d: {  	v8 =	vmul.f32 $1.442695020e+00, v29;
	v19 =	vld [tilespmem:s23+$0x8760];
	v22 =	vpop (erf);
	(erf) = vpow2.f32 v28;
	v29 =	vadd.f32 v20, v24  }
0x18e: {  	v20 =	vld [tilespmem:s23+$0x8710];
	(erf) = vpow2.f32 v7;
	v7 =	vmul.f32 $1.442695020e+00, v30;
	v12 =	vpop (erf);
	v28 =	vadd.f32 v32, v33  }
0x18f: {  	v26 =	vadd.f32 v26, v35;
	v24 =	vmul.f32 $1.442695020e+00, v31;
	v25 =	vld [tilespmem:s23+$0x8740];
	v21 =	vpop (erf);
	(erf) = vpow2.f32 v34  }
0x190: {  	v30 =	vpop (erf);
	(erf) = vpow2.f32 v11  }
0x191: {  	(erf) = vpow2.f32 v9  }
0x192: {  	v11 =	vpop (erf);
	(erf) = vpow2.f32 v17  }
0x193: {  	v9 =	vpop (erf);
	(erf) = vpow2.f32 v4  }
0x194: {  	v17 =	vpop (erf);
	(erf) = vpow2.f32 v14  }
0x195: {  	v4 =	vpop (erf);
	(erf) = vpow2.f32 v15  }
0x196: {  	v6 =	vmul.f32 $1.442695020e+00, v6;
	v14 =	vpop (erf);
	(erf) = vpow2.f32 v16  }
0x197: {  	v15 =	vpop (erf);
	(erf) = vpow2.f32 v18;
	v18 =	vmul.f32 $1.442695020e+00, v27  }
0x198: {  	v16 =	vpop (erf)  }
0x199: {  	v5 =	vmul.f32 $1.442695020e+00, v5;
	(erf) = vpow2.f32 v24;
	v24 =	vpop (erf)  }
0x19a: {  	(erf) = vpow2.f32 v6;
	v6 =	vpop (erf)  }
0x19b: {  	v27 =	vld [tilespmem:s23+$0x8770];
	(erf) = vpow2.f32 v18;
	v18 =	vpop (erf)  }
0x19c: {  	v13 =	vadd.f32 v13, v29;
	v23 =	vmul.f32 $1.442695020e+00, v23;
	(erf) = vpow2.f32 v8;
	v8 =	vpop (erf)  }
0x19d: {  	(erf) = vpow2.f32 v5;
	v5 =	vpop (erf)  }
0x19e: {  	(erf) = vpow2.f32 v23;
	v23 =	vmul.f32 $1.442695020e+00, v25;
	v29 =	vpop (erf)  }
0x19f: {  	v2 =	vadd.f32 v2, v28;
	v10 =	vadd.f32 v22, v10;
	(erf) = vpow2.f32 v7;
	v7 =	vpop (erf)  }
0x1a0: {  	v9 =	vadd.f32 v9, v26;
	v4 =	vadd.f32 v4, v13;
	v25 =	vmul.f32 $1.442695020e+00, v27;
	v13 =	vpop (erf)  }
0x1a1: {  	v20 =	vmul.f32 $1.442695020e+00, v20;
	v2 =	vadd.f32 v16, v2;
	(erf) = vpow2.f32 v23;
	v16 =	vpop (erf)  }
0x1a2: {  	v9 =	vadd.f32 v12, v9;
	v4 =	vadd.f32 v11, v4;
	(erf) = vpow2.f32 v25;
	v23 =	vpop (erf)  }
0x1a3: {  	v2 =	vadd.f32 v14, v2;
	v14 =	vmul.f32 $1.442695020e+00, v19;
	(erf) = vpow2.f32 v20;
	v11 =	vpop (erf)  }
0x1a4: {  	v10 =	vadd.f32 v21, v10;
	v12 =	vpop (erf)  }
0x1a5: {  	v4 =	vadd.f32 v15, v4;
	v2 =	vadd.f32 v18, v2;
	v15 =	vpop (erf)  }
0x1a6: {  	v10 =	vadd.f32 v17, v10;
	v3 =	vadd.f32 v3, v9;
	v9 =	vpop (erf)  }
0x1a7: {  	v4 =	vadd.f32 v24, v4;
	v2 =	vadd.f32 v30, v2;
	(erf) = vpow2.f32 v14;
	v14 =	vpop (erf)  }
0x1a8: {  	v3 =	vadd.f32 v5, v3;
	v5 =	vpop (erf)  }
0x1a9: {  	v4 =	vadd.f32 v15, v4;
	v2 =	vadd.f32 v5, v2  }
0x1aa: {  	v3 =	vadd.f32 v11, v3;
	v5 =	vadd.f32 v6, v10;
	v6 =	vpop (erf)  }
0x1ab: {  	v4 =	vadd.f32 v23, v4;
	v10 =	vpop (erf);
	v2 =	vadd.f32 v9, v2  }
0x1ac: {  	v3 =	vadd.f32 v7, v3;
	v5 =	vadd.f32 v29, v5;
	v7 =	vpop (erf)  }
0x1ad: {  	v4 =	vadd.f32 v14, v4;
	v2 =	vadd.f32 v7, v2  }
0x1ae: {  	v3 =	vadd.f32 v8, v3;
	v5 =	vadd.f32 v13, v5  }
0x1af: {  	v4 =	vadd.f32 v6, v4;
	v2 =	vadd.f32 v16, v2  }
0x1b0: {  	v5 =	vadd.f32 v12, v5;
	v6 =	vpop (erf)  }
0x1b1: {  	v3 =	vadd.f32 v6, v3;
	v2 =	vadd.f32 v2, v4;
	_ =	sdelay $0x1  }
0x1b2: {  	v4 =	vadd.f32 v10, v5;
	v2 =	vadd.f32 v3, v2;
	_ =	sdelay $0x1  }
0x1b3: {  	v2 =	vadd.f32 v4, v2;
	_ =	sdelay $0x1  }
0x1b4: {  	s1 =	simm.s32 $0x0;
	[tilespmem:s7+$0x400] =	vst v2  }
0x1b5: {  	v2 =	vld [tilespmem:s1+$0x85E0]  }
0x1b6: {  	v3 =	vld [tilespmem:s1+$0x85B0]  }
0x1b7: {  	v4 =	vld [tilespmem:s1+$0x87A0]  }
0x1b8: {  	v6 =	vld [tilespmem:s1+$0x85D0]  }
0x1b9: {  	v7 =	vld [tilespmem:s1+$0x85F0]  }
0x1ba: {  	v8 =	vld [tilespmem:s1+$0x87D0]  }
0x1bb: {  	v9 =	vld [tilespmem:s1+$0x8580]  }
0x1bc: {  	v10 =	vld [tilespmem:s1+$0x8590]  }
0x1bd: {  	v11 =	vld [tilespmem:s1+$0x85C0]  }
0x1be: {  	v12 =	vld [tilespmem:s1+$0x87B0]  }
0x1bf: {  	v13 =	vld [tilespmem:s1+$0x8780]  }
0x1c0: {  	v14 =	vld [tilespmem:s1+$0x87E0];
	v4 =	vmul.f32 $1.442695020e+00, v4  }
0x1c1: {  	v16 =	vld [tilespmem:s1+$0x87C0];
	v3 =	vmul.f32 $1.442695020e+00, v3;
	v2 =	vmul.f32 $1.442695020e+00, v2  }
0x1c2: {  	v17 =	vld [tilespmem:s1+$0x87F0];
	v7 =	vmul.f32 $1.442695020e+00, v7;
	v8 =	vmul.f32 $1.442695020e+00, v8  }
0x1c3: {  	v15 =	vld [tilespmem:s1+$0x8790];
	v9 =	vmul.f32 $1.442695020e+00, v9;
	v10 =	vmul.f32 $1.442695020e+00, v10  }
0x1c4: {  	s22 =	simm.s32 $0x400;
	v5 =	vld [tilespmem:s1+$0x85A0];
	v11 =	vmul.f32 $1.442695020e+00, v11;
	v12 =	vmul.f32 $1.442695020e+00, v12  }
0x1c5: {  	v18 =	vld [tilespmem:s22+$0x85E0];
	v6 =	vmul.f32 $1.442695020e+00, v6;
	v14 =	vmul.f32 $1.442695020e+00, v14  }
0x1c6: {  	v20 =	vld [tilespmem:s22+$0x85A0];
	v13 =	vmul.f32 $1.442695020e+00, v13;
	v16 =	vmul.f32 $1.442695020e+00, v16  }
0x1c7: {  	v17 =	vmul.f32 $1.442695020e+00, v17;
	(erf) = vpow2.f32 v4;
	v4 =	vld [tilespmem:s22+$0x87A0]  }
0x1c8: {  	v19 =	vld [tilespmem:s22+$0x85B0];
	v15 =	vmul.f32 $1.442695020e+00, v15;
	(erf) = vpow2.f32 v3  }
0x1c9: {  	v5 =	vmul.f32 $1.442695020e+00, v5;
	v3 =	vld [tilespmem:s22+$0x85D0];
	(erf) = vpow2.f32 v2  }
0x1ca: {  	v18 =	vmul.f32 $1.442695020e+00, v18;
	v2 =	vld [tilespmem:s22+$0x85F0];
	(erf) = vpow2.f32 v7  }
0x1cb: {  	v20 =	vmul.f32 $1.442695020e+00, v20;
	v7 =	vld [tilespmem:s22+$0x87D0];
	(erf) = vpow2.f32 v8  }
0x1cc: {  	v8 =	vld [tilespmem:s22+$0x8580];
	v21 =	vmul.f32 $1.442695020e+00, v4;
	(erf) = vpow2.f32 v11  }
0x1cd: {  	v11 =	vmul.f32 $1.442695020e+00, v19;
	(erf) = vpow2.f32 v5;
	v5 =	vld [tilespmem:s22+$0x85C0]  }
0x1ce: {  	v4 =	vld [tilespmem:s22+$0x8590];
	v29 =	vmul.f32 $1.442695020e+00, v3;
	(erf) = vpow2.f32 v12  }
0x1cf: {  	v12 =	vmul.f32 $1.442695020e+00, v2;
	v2 =	vld [tilespmem:s22+$0x87B0];
	(erf) = vpow2.f32 v9  }
0x1d0: {  	v7 =	vmul.f32 $1.442695020e+00, v7;
	v19 =	vpop (erf);
	(erf) = vpow2.f32 v6;
	v6 =	vld [tilespmem:s22+$0x87E0]  }
0x1d1: {  	v9 =	vld [tilespmem:s22+$0x8780];
	v8 =	vmul.f32 $1.442695020e+00, v8;
	v22 =	vpop (erf);
	(erf) = vpow2.f32 v13  }
0x1d2: {  	(erf) = vpow2.f32 v10;
	v10 =	vpop (erf);
	v23 =	vmul.f32 $1.442695020e+00, v5;
	v5 =	vld [tilespmem:s22+$0x87C0]  }
0x1d3: {  	v26 =	vld [tilespmem:s22+$0x87F0];
	v24 =	vmul.f32 $1.442695020e+00, v4;
	v25 =	vpop (erf);
	(erf) = vpow2.f32 v16  }
0x1d4: {  	s23 =	simm.s32 $0x800;
	v13 =	vld [tilespmem:s22+$0x8790];
	v16 =	vmul.f32 $1.442695020e+00, v2;
	v2 =	vpop (erf);
	(erf) = vpow2.f32 v17  }
0x1d5: {  	v27 =	vimm.f32 $0.0e+00;
	v17 =	vld [tilespmem:s23+$0x87A0];
	v3 =	vpop (erf);
	(erf) = vpow2.f32 v15;
	v4 =	vmul.f32 $1.442695020e+00, v6  }
0x1d6: {  	v28 =	vld [tilespmem:s23+$0x85E0];
	v15 =	vadd.f32 v22, v27;
	(erf) = vpow2.f32 v21;
	v6 =	vpop (erf);
	v21 =	vmul.f32 $1.442695020e+00, v9  }
0x1d7: {  	v22 =	vld [tilespmem:s23+$0x85B0];
	v30 =	vadd.f32 v6, v27;
	v31 =	vpop (erf);
	(erf) = vpow2.f32 v14;
	v32 =	vmul.f32 $1.442695020e+00, v5  }
0x1d8: {  	v34 =	vld [tilespmem:s23+$0x8590];
	v14 =	vadd.f32 v25, v15;
	(erf) = vpow2.f32 v11;
	v9 =	vpop (erf);
	v11 =	vmul.f32 $1.442695020e+00, v26  }
0x1d9: {  	v35 =	vld [tilespmem:s23+$0x85C0];
	(erf) = vpow2.f32 v18;
	v15 =	vadd.f32 v9, v27;
	v25 =	vpop (erf);
	v9 =	vmul.f32 $1.442695020e+00, v13  }
0x1da: {  	v18 =	vld [tilespmem:s23+$0x85F0];
	v17 =	vmul.f32 $1.442695020e+00, v17;
	(erf) = vpow2.f32 v12;
	v26 =	vpop (erf)  }
0x1db: {  	v12 =	vadd.f32 v31, v14;
	v31 =	vld [tilespmem:s23+$0x87D0];
	(erf) = vpow2.f32 v7;
	v7 =	vadd.f32 v10, v30;
	v10 =	vpop (erf)  }
0x1dc: {  	v14 =	vmul.f32 $1.442695020e+00, v22;
	v30 =	vld [tilespmem:s23+$0x8580];
	v33 =	vadd.f32 v3, v15;
	(erf) = vpow2.f32 v23;
	v13 =	vpop (erf)  }
0x1dd: {  	v6 =	vld [tilespmem:s23+$0x85A0];
	v15 =	vmul.f32 $1.442695020e+00, v28;
	(erf) = vpow2.f32 v20;
	v20 =	vadd.f32 v10, v27;
	v3 =	vpop (erf)  }
0x1de: {  	v5 =	vld [tilespmem:s23+$0x85D0];
	v36 =	vadd.f32 v19, v7;
	v7 =	vmul.f32 $1.442695020e+00, v34;
	(erf) = vpow2.f32 v16;
	v28 =	vpop (erf)  }
0x1df: {  	v27 =	vld [tilespmem:s23+$0x87B0];
	v10 =	vadd.f32 v3, v12;
	v16 =	vmul.f32 $1.442695020e+00, v18;
	(erf) = vpow2.f32 v8;
	v3 =	vpop (erf)  }
0x1e0: {  	v23 =	vld [tilespmem:s23+$0x8780];
	v18 =	vmul.f32 $1.442695020e+00, v31;
	v25 =	vadd.f32 v25, v20;
	(erf) = vpow2.f32 v29;
	v31 =	vpop (erf)  }
0x1e1: {  	v19 =	vld [tilespmem:s23+$0x87E0];
	v8 =	vmul.f32 $1.442695020e+00, v30;
	v22 =	vpop (erf);
	(erf) = vpow2.f32 v21  }
0x1e2: {  	v20 =	vld [tilespmem:s23+$0x8790];
	v29 =	vadd.f32 v26, v33;
	v28 =	vadd.f32 v28, v25;
	(erf) = vpow2.f32 v24;
	v12 =	vpop (erf)  }
0x1e3: {  	s1 =	simm.s32 $0x3000;
	v25 =	vld [tilespmem:s23+$0x87C0];
	v26 =	vadd.f32 v31, v36;
	v24 =	vmul.f32 $1.442695020e+00, v35;
	v21 =	vpop (erf);
	(erf) = vpow2.f32 v32  }
.LBB2_9:
0x1e4: {  	v27 =	vmul.f32 $1.442695020e+00, v27;
	(erf) = vpow2.f32 v11;
	v13 =	vadd.f32 v13, v29  }
0x1e5: {  	p0 =	sne.s32 s1, $0x1F000;
	v30 =	vld [tilespmem:s23+$0x87F0];
	s23 =	sshra.s32 s1, $0x2;
	s1 =	sadd.s32 $0x1000, s1;
	v11 =	vmov v2;
	v2 =	vpop (erf);
	v29 =	vmov v4;
	v31 =	vmov v6  }
0x1e6: {  	v33 =	vmul.f32 $1.442695020e+00, v5;
	v5 =	vadd.f32 v22, v10;
	v32 =	vld [tilespmem:s23+$0x85E0];
	v10 =	vpop (erf);
	(erf) = vpow2.f32 v9  }
0x1e7: {  	v22 =	vld [tilespmem:s23+$0x85B0];
	v4 =	vmul.f32 $1.442695020e+00, v19;
	(erf) = vpow2.f32 v17;
	v6 =	vpop (erf);
	v19 =	vadd.f32 v11, v28  }
0x1e8: {  	v28 =	vmul.f32 $1.442695020e+00, v23;
	v17 =	vld [tilespmem:s23+$0x87A0];
	v23 =	vadd.f32 v6, v26;
	v26 =	vpop (erf);
	(erf) = vpow2.f32 v29  }
0x1e9: {  	v6 =	vld [tilespmem:s23+$0x85A0];
	v34 =	vmul.f32 $1.442695020e+00, v25;
	(erf) = vpow2.f32 v14;
	v14 =	vadd.f32 v21, v5;
	v9 =	vpop (erf)  }
0x1ea: {  	v5 =	vld [tilespmem:s23+$0x85D0];
	v11 =	vmul.f32 $1.442695020e+00, v30;
	(erf) = vpow2.f32 v15;
	v30 =	vadd.f32 v9, v13;
	v21 =	vpop (erf)  }
0x1eb: {  	v9 =	vmul.f32 $1.442695020e+00, v20;
	v25 =	vld [tilespmem:s23+$0x85F0];
	(erf) = vpow2.f32 v16;
	v16 =	vadd.f32 v26, v14;
	v20 =	vpop (erf)  }
0x1ec: {  	v15 =	vmul.f32 $1.442695020e+00, v31;
	v12 =	vadd.f32 v12, v23;
	v26 =	vld [tilespmem:s23+$0x87D0];
	(erf) = vpow2.f32 v18;
	v18 =	vpop (erf)  }
0x1ed: {  	v29 =	vld [tilespmem:s23+$0x8580];
	v17 =	vmul.f32 $1.442695020e+00, v17;
	(erf) = vpow2.f32 v24;
	v24 =	vadd.f32 v10, v30;
	v13 =	vpop (erf)  }
0x1ee: {  	v14 =	vmul.f32 $1.442695020e+00, v22;
	v19 =	vadd.f32 v18, v19;
	v30 =	vld [tilespmem:s23+$0x8590];
	(erf) = vpow2.f32 v15;
	v10 =	vpop (erf)  }
0x1ef: {  	v15 =	vmul.f32 $1.442695020e+00, v32;
	v31 =	vld [tilespmem:s23+$0x85C0];
	(erf) = vpow2.f32 v27;
	v10 =	vadd.f32 v10, v16;
	v32 =	vpop (erf)  }
.Ltmp5:
0x1f0: {  	v35 =	vadd.f32 v3, v12;
	v16 =	vmul.f32 $1.442695020e+00, v25;
	v27 =	vld [tilespmem:s23+$0x87B0];
	(erf) = vpow2.f32 v8;
	v3 =	vpop (erf);
	(pc) =	sbr.rel @p0 .LBB2_9-.Ltmp5, $4  }
0x1f1: {  	v23 =	vld [tilespmem:s23+$0x8780];
	v18 =	vmul.f32 $1.442695020e+00, v26;
	(erf) = vpow2.f32 v33;
	v33 =	vadd.f32 v21, v19;
	v26 =	vpop (erf)  }
0x1f2: {  	v8 =	vmul.f32 $1.442695020e+00, v29;
	v19 =	vld [tilespmem:s23+$0x87E0];
	v22 =	vpop (erf);
	(erf) = vpow2.f32 v28;
	v29 =	vadd.f32 v20, v24  }
0x1f3: {  	v20 =	vld [tilespmem:s23+$0x8790];
	(erf) = vpow2.f32 v7;
	v7 =	vmul.f32 $1.442695020e+00, v30;
	v12 =	vpop (erf);
	v28 =	vadd.f32 v32, v33  }
0x1f4: {  	v26 =	vadd.f32 v26, v35;
	v24 =	vmul.f32 $1.442695020e+00, v31;
	v25 =	vld [tilespmem:s23+$0x87C0];
	v21 =	vpop (erf);
	(erf) = vpow2.f32 v34  }
0x1f5: {  	v30 =	vpop (erf);
	(erf) = vpow2.f32 v11  }
0x1f6: {  	(erf) = vpow2.f32 v9  }
0x1f7: {  	v11 =	vpop (erf);
	(erf) = vpow2.f32 v17  }
0x1f8: {  	v9 =	vpop (erf);
	(erf) = vpow2.f32 v4  }
0x1f9: {  	v17 =	vpop (erf);
	(erf) = vpow2.f32 v14  }
0x1fa: {  	v4 =	vpop (erf);
	(erf) = vpow2.f32 v15  }
0x1fb: {  	v6 =	vmul.f32 $1.442695020e+00, v6;
	v14 =	vpop (erf);
	(erf) = vpow2.f32 v16  }
0x1fc: {  	v15 =	vpop (erf);
	(erf) = vpow2.f32 v18;
	v18 =	vmul.f32 $1.442695020e+00, v27  }
0x1fd: {  	v16 =	vpop (erf)  }
0x1fe: {  	v5 =	vmul.f32 $1.442695020e+00, v5;
	(erf) = vpow2.f32 v24;
	v24 =	vpop (erf)  }
0x1ff: {  	(erf) = vpow2.f32 v6;
	v6 =	vpop (erf)  }
0x200: {  	v27 =	vld [tilespmem:s23+$0x87F0];
	(erf) = vpow2.f32 v18;
	v18 =	vpop (erf)  }
0x201: {  	v13 =	vadd.f32 v13, v29;
	v23 =	vmul.f32 $1.442695020e+00, v23;
	(erf) = vpow2.f32 v8;
	v8 =	vpop (erf)  }
0x202: {  	(erf) = vpow2.f32 v5;
	v5 =	vpop (erf)  }
0x203: {  	(erf) = vpow2.f32 v23;
	v23 =	vmul.f32 $1.442695020e+00, v25;
	v29 =	vpop (erf)  }
0x204: {  	v2 =	vadd.f32 v2, v28;
	v10 =	vadd.f32 v22, v10;
	(erf) = vpow2.f32 v7;
	v7 =	vpop (erf)  }
0x205: {  	v9 =	vadd.f32 v9, v26;
	v4 =	vadd.f32 v4, v13;
	v25 =	vmul.f32 $1.442695020e+00, v27;
	v13 =	vpop (erf)  }
0x206: {  	v20 =	vmul.f32 $1.442695020e+00, v20;
	v2 =	vadd.f32 v16, v2;
	(erf) = vpow2.f32 v23;
	v16 =	vpop (erf)  }
0x207: {  	v9 =	vadd.f32 v12, v9;
	v4 =	vadd.f32 v11, v4;
	(erf) = vpow2.f32 v25;
	v23 =	vpop (erf)  }
0x208: {  	v2 =	vadd.f32 v14, v2;
	v14 =	vmul.f32 $1.442695020e+00, v19;
	(erf) = vpow2.f32 v20;
	v11 =	vpop (erf)  }
0x209: {  	v10 =	vadd.f32 v21, v10;
	v12 =	vpop (erf)  }
0x20a: {  	v4 =	vadd.f32 v15, v4;
	v2 =	vadd.f32 v18, v2;
	v15 =	vpop (erf)  }
0x20b: {  	v10 =	vadd.f32 v17, v10;
	v3 =	vadd.f32 v3, v9;
	v9 =	vpop (erf)  }
0x20c: {  	v4 =	vadd.f32 v24, v4;
	v2 =	vadd.f32 v30, v2;
	(erf) = vpow2.f32 v14;
	v14 =	vpop (erf)  }
0x20d: {  	v3 =	vadd.f32 v5, v3;
	v5 =	vpop (erf)  }
0x20e: {  	v4 =	vadd.f32 v15, v4;
	v2 =	vadd.f32 v5, v2  }
0x20f: {  	v3 =	vadd.f32 v11, v3;
	v5 =	vadd.f32 v6, v10;
	v6 =	vpop (erf)  }
0x210: {  	v4 =	vadd.f32 v23, v4;
	v10 =	vpop (erf);
	v2 =	vadd.f32 v9, v2  }
0x211: {  	v3 =	vadd.f32 v7, v3;
	v5 =	vadd.f32 v29, v5;
	v7 =	vpop (erf)  }
0x212: {  	v4 =	vadd.f32 v14, v4;
	v2 =	vadd.f32 v7, v2  }
0x213: {  	v3 =	vadd.f32 v8, v3;
	v5 =	vadd.f32 v13, v5  }
0x214: {  	v4 =	vadd.f32 v6, v4;
	v2 =	vadd.f32 v16, v2  }
0x215: {  	v5 =	vadd.f32 v12, v5;
	v6 =	vpop (erf)  }
0x216: {  	v3 =	vadd.f32 v6, v3;
	v2 =	vadd.f32 v2, v4;
	_ =	sdelay $0x1  }
0x217: {  	v4 =	vadd.f32 v10, v5;
	v2 =	vadd.f32 v3, v2;
	_ =	sdelay $0x1  }
0x218: {  	v2 =	vadd.f32 v4, v2;
	_ =	sdelay $0x1  }
0x219: {  	[tilespmem:s7+$0x480] =	vst v2  }
0x21a: {  	_ =	swait.ge [sflag:s3], $0x8000  }
0x21b: {  	p0 =	seq.s32 s6, $0x1F;
	s23 =	sshll.u32 s6, $0x6;
	[sflag:s3] =	ssyncset.done $0x0  }
0x21c: {  	s1 =	sshrl.u32 @!p0 s23, $0x2;
	[sflag:s3] =	ssyncadd.s32 $0xFFFF8000  }
0x21d: {  	v2 =	vld.msk @!p0 [tilespmem:s1+$0x10], $0xf;
	_ =	sdelay $0x4  }
0x21e: {  	v3 =	vshll.u32 @!p0 v2, $0x6  }
0x21f: {  	v4 =	vlaneseq.u32 @!p0;
	v2 =	vand.u32 @!p0 $0x7, v2;
	v3 =	vand.u32 @!p0 $0xFFFFFE00, v3  }
0x220: {  	v2 =	vor.u32 @!p0 v2, v3;
	v3 =	vand.u32 @!p0 $0x3, v4;
	v4 =	vshrl.u32 @!p0 v4, $0x2  }
0x221: {  	v2 =	vperm.xlane @!p0 v2, v3;
	v3 =	vmul.u32 @!p0 $0x8, v4;
	_ =	sdelay $0x1  }
0x222: {  	v2 =	vadd.s32 @!p0 v3, v2;
	_ =	sdelay $0x3  }
0x223: {  	vm1 =	vmmov @!p0 $0xffff;
	s22 =	simm.s32 @!p0 $0x8400;
	s1 =	simm.s32 @!p0 $0x0  }
0x224: {  	[tilespmem:s22], [sflag:$0x1] =	stream.indirect_vreg.gather @!p0 [hbm4b:s2+s1], $0x80, v2, vm1, $0xb8;
	[tilespmem:$0x18400] =	vst v63  }
0x225: {  	s22 =	simm.s32 @!p0 $0x8C00  }
0x226: {  	[tilespmem:s22], [sflag:$0x1] =	stream.indirect_vreg.gather @!p0 [hbm4b:s8+s1], $0x80, v2, vm1, $0xb8;
	[tilespmem:$0x18400] =	vst v63  }
0x227: {  	s22 =	simm.s32 @!p0 $0x9400  }
0x228: {  	[tilespmem:s22], [sflag:$0x1] =	stream.indirect_vreg.gather @!p0 [hbm4b:s9+s1], $0x80, v2, vm1, $0xb8;
	[tilespmem:$0x18400] =	vst v63  }
0x229: {  	s22 =	simm.s32 @!p0 $0x9C00  }
0x22a: {  	[tilespmem:s22], [sflag:$0x1] =	stream.indirect_vreg.gather @!p0 [hbm4b:s10+s1], $0x80, v2, vm1, $0xb8;
	[tilespmem:$0x18400] =	vst v63  }
0x22b: {  	s22 =	simm.s32 @!p0 $0xA400  }
0x22c: {  	[tilespmem:s22], [sflag:$0x1] =	stream.indirect_vreg.gather @!p0 [hbm4b:s11+s1], $0x80, v2, vm1, $0xb8;
	[tilespmem:$0x18400] =	vst v63  }
0x22d: {  	s22 =	simm.s32 @!p0 $0xAC00  }
0x22e: {  	[tilespmem:s22], [sflag:$0x1] =	stream.indirect_vreg.gather @!p0 [hbm4b:s12+s1], $0x80, v2, vm1, $0xb8;
	[tilespmem:$0x18400] =	vst v63  }
0x22f: {  	s22 =	simm.s32 @!p0 $0xB400  }
0x230: {  	[tilespmem:s22], [sflag:$0x1] =	stream.indirect_vreg.gather @!p0 [hbm4b:s13+s1], $0x80, v2, vm1, $0xb8;
	[tilespmem:$0x18400] =	vst v63  }
0x231: {  	s22 =	simm.s32 @!p0 $0xBC00  }
0x232: {  	[tilespmem:s22], [sflag:$0x1] =	stream.indirect_vreg.gather @!p0 [hbm4b:s14+s1], $0x80, v2, vm1, $0xb8;
	[tilespmem:$0x18400] =	vst v63  }
0x233: {  	s22 =	simm.s32 @!p0 $0xC400  }
0x234: {  	[tilespmem:s22], [sflag:$0x1] =	stream.indirect_vreg.gather @!p0 [hbm4b:s15+s1], $0x80, v2, vm1, $0xb8;
	[tilespmem:$0x18400] =	vst v63  }
0x235: {  	s22 =	simm.s32 @!p0 $0xCC00  }
0x236: {  	[tilespmem:s22], [sflag:$0x1] =	stream.indirect_vreg.gather @!p0 [hbm4b:s16+s1], $0x80, v2, vm1, $0xb8;
	[tilespmem:$0x18400] =	vst v63  }
0x237: {  	s22 =	simm.s32 @!p0 $0xD400  }
0x238: {  	[tilespmem:s22], [sflag:$0x1] =	stream.indirect_vreg.gather @!p0 [hbm4b:s17+s1], $0x80, v2, vm1, $0xb8;
	[tilespmem:$0x18400] =	vst v63  }
0x239: {  	s22 =	simm.s32 @!p0 $0xDC00  }
0x23a: {  	[tilespmem:s22], [sflag:$0x1] =	stream.indirect_vreg.gather @!p0 [hbm4b:s18+s1], $0x80, v2, vm1, $0xb8;
	[tilespmem:$0x18400] =	vst v63  }
0x23b: {  	s22 =	simm.s32 @!p0 $0xE400  }
0x23c: {  	[tilespmem:s22], [sflag:$0x1] =	stream.indirect_vreg.gather @!p0 [hbm4b:s19+s1], $0x80, v2, vm1, $0xb8;
	[tilespmem:$0x18400] =	vst v63  }
0x23d: {  	s22 =	simm.s32 @!p0 $0xEC00  }
0x23e: {  	[tilespmem:s22], [sflag:$0x1] =	stream.indirect_vreg.gather @!p0 [hbm4b:s20+s1], $0x80, v2, vm1, $0xb8;
	[tilespmem:$0x18400] =	vst v63  }
0x23f: {  	s22 =	simm.s32 @!p0 $0xF400  }
0x240: {  	[tilespmem:s22], [sflag:$0x1] =	stream.indirect_vreg.gather @!p0 [hbm4b:s21+s1], $0x80, v2, vm1, $0xb8;
	[tilespmem:$0x18400] =	vst v63  }
0x241: {  	s22 =	simm.s32 @!p0 $0xFC00  }
0x242: {  	[tilespmem:s22], [sflag:$0x1] =	stream.indirect_vreg.gather @!p0 [hbm4b:s26+s1], $0x80, v2, vm1, $0xb8;
	[tilespmem:$0x18400] =	vst v63  }
0x243: {  	_ =	swait.ge [sflag:s0], $0x8000  }
0x244: {  	[sflag:s0] =	ssyncset.done $0x0  }
0x245: {  	s22 =	sadd.s32 s24, s28;
	s24 =	simm.s32 $0x0;
	[sflag:s0] =	ssyncadd.s32 $0xFFFF8000  }
0x246: {  	[hbm4b:s22+s30] =	stream.strided.scatter [tilespmem:s31], [sflag:$0x4], $0x8000, s29, s30, $0x38;
	[tilespmem:$0x18400] =	vst v63  }
0x247: {  	v2 =	vld [tilespmem:s24+$0x10460]  }
0x248: {  	v3 =	vld [tilespmem:s24+$0x10430]  }
0x249: {  	v4 =	vld [tilespmem:s24+$0x10620]  }
0x24a: {  	v6 =	vld [tilespmem:s24+$0x10450]  }
0x24b: {  	v7 =	vld [tilespmem:s24+$0x10470]  }
0x24c: {  	v8 =	vld [tilespmem:s24+$0x10650]  }
0x24d: {  	v9 =	vld [tilespmem:s24+$0x10400]  }
0x24e: {  	v10 =	vld [tilespmem:s24+$0x10410]  }
0x24f: {  	v11 =	vld [tilespmem:s24+$0x10440]  }
0x250: {  	v12 =	vld [tilespmem:s24+$0x10630]  }
0x251: {  	v13 =	vld [tilespmem:s24+$0x10600]  }
0x252: {  	v14 =	vld [tilespmem:s24+$0x10660];
	v4 =	vmul.f32 $1.442695020e+00, v4  }
0x253: {  	v16 =	vld [tilespmem:s24+$0x10640];
	v3 =	vmul.f32 $1.442695020e+00, v3;
	v2 =	vmul.f32 $1.442695020e+00, v2  }
0x254: {  	v17 =	vld [tilespmem:s24+$0x10670];
	v7 =	vmul.f32 $1.442695020e+00, v7;
	v8 =	vmul.f32 $1.442695020e+00, v8  }
0x255: {  	v15 =	vld [tilespmem:s24+$0x10610];
	v9 =	vmul.f32 $1.442695020e+00, v9;
	v10 =	vmul.f32 $1.442695020e+00, v10  }
0x256: {  	s22 =	simm.s32 $0x400;
	v5 =	vld [tilespmem:s24+$0x10420];
	v11 =	vmul.f32 $1.442695020e+00, v11;
	v12 =	vmul.f32 $1.442695020e+00, v12  }
0x257: {  	v18 =	vld [tilespmem:s22+$0x10460];
	v6 =	vmul.f32 $1.442695020e+00, v6;
	v14 =	vmul.f32 $1.442695020e+00, v14  }
0x258: {  	v20 =	vld [tilespmem:s22+$0x10420];
	v13 =	vmul.f32 $1.442695020e+00, v13;
	v16 =	vmul.f32 $1.442695020e+00, v16  }
0x259: {  	v17 =	vmul.f32 $1.442695020e+00, v17;
	(erf) = vpow2.f32 v4;
	v4 =	vld [tilespmem:s22+$0x10620]  }
0x25a: {  	v19 =	vld [tilespmem:s22+$0x10430];
	v15 =	vmul.f32 $1.442695020e+00, v15;
	(erf) = vpow2.f32 v3  }
0x25b: {  	v5 =	vmul.f32 $1.442695020e+00, v5;
	v3 =	vld [tilespmem:s22+$0x10450];
	(erf) = vpow2.f32 v2  }
0x25c: {  	v18 =	vmul.f32 $1.442695020e+00, v18;
	v2 =	vld [tilespmem:s22+$0x10470];
	(erf) = vpow2.f32 v7  }
0x25d: {  	v20 =	vmul.f32 $1.442695020e+00, v20;
	v7 =	vld [tilespmem:s22+$0x10650];
	(erf) = vpow2.f32 v8  }
0x25e: {  	v8 =	vld [tilespmem:s22+$0x10400];
	v21 =	vmul.f32 $1.442695020e+00, v4;
	(erf) = vpow2.f32 v11  }
0x25f: {  	v11 =	vmul.f32 $1.442695020e+00, v19;
	(erf) = vpow2.f32 v5;
	v5 =	vld [tilespmem:s22+$0x10440]  }
0x260: {  	v4 =	vld [tilespmem:s22+$0x10410];
	v29 =	vmul.f32 $1.442695020e+00, v3;
	(erf) = vpow2.f32 v12  }
0x261: {  	v12 =	vmul.f32 $1.442695020e+00, v2;
	v2 =	vld [tilespmem:s22+$0x10630];
	(erf) = vpow2.f32 v9  }
0x262: {  	v7 =	vmul.f32 $1.442695020e+00, v7;
	v19 =	vpop (erf);
	(erf) = vpow2.f32 v6;
	v6 =	vld [tilespmem:s22+$0x10660]  }
0x263: {  	v9 =	vld [tilespmem:s22+$0x10600];
	v8 =	vmul.f32 $1.442695020e+00, v8;
	v22 =	vpop (erf);
	(erf) = vpow2.f32 v13  }
0x264: {  	(erf) = vpow2.f32 v10;
	v10 =	vpop (erf);
	v23 =	vmul.f32 $1.442695020e+00, v5;
	v5 =	vld [tilespmem:s22+$0x10640]  }
0x265: {  	v26 =	vld [tilespmem:s22+$0x10670];
	v24 =	vmul.f32 $1.442695020e+00, v4;
	v25 =	vpop (erf);
	(erf) = vpow2.f32 v16  }
0x266: {  	s24 =	simm.s32 $0x800;
	v13 =	vld [tilespmem:s22+$0x10610];
	v16 =	vmul.f32 $1.442695020e+00, v2;
	v2 =	vpop (erf);
	(erf) = vpow2.f32 v17  }
0x267: {  	v27 =	vimm.f32 $0.0e+00;
	v17 =	vld [tilespmem:s24+$0x10620];
	v3 =	vpop (erf);
	(erf) = vpow2.f32 v15;
	v4 =	vmul.f32 $1.442695020e+00, v6  }
0x268: {  	v28 =	vld [tilespmem:s24+$0x10460];
	v15 =	vadd.f32 v22, v27;
	(erf) = vpow2.f32 v21;
	v6 =	vpop (erf);
	v21 =	vmul.f32 $1.442695020e+00, v9  }
0x269: {  	v22 =	vld [tilespmem:s24+$0x10430];
	v30 =	vadd.f32 v6, v27;
	v31 =	vpop (erf);
	(erf) = vpow2.f32 v14;
	v32 =	vmul.f32 $1.442695020e+00, v5  }
0x26a: {  	v34 =	vld [tilespmem:s24+$0x10410];
	v14 =	vadd.f32 v25, v15;
	(erf) = vpow2.f32 v11;
	v9 =	vpop (erf);
	v11 =	vmul.f32 $1.442695020e+00, v26  }
0x26b: {  	v35 =	vld [tilespmem:s24+$0x10440];
	(erf) = vpow2.f32 v18;
	v15 =	vadd.f32 v9, v27;
	v25 =	vpop (erf);
	v9 =	vmul.f32 $1.442695020e+00, v13  }
0x26c: {  	v18 =	vld [tilespmem:s24+$0x10470];
	v17 =	vmul.f32 $1.442695020e+00, v17;
	(erf) = vpow2.f32 v12;
	v26 =	vpop (erf)  }
0x26d: {  	v12 =	vadd.f32 v31, v14;
	v31 =	vld [tilespmem:s24+$0x10650];
	(erf) = vpow2.f32 v7;
	v7 =	vadd.f32 v10, v30;
	v10 =	vpop (erf)  }
0x26e: {  	v14 =	vmul.f32 $1.442695020e+00, v22;
	v30 =	vld [tilespmem:s24+$0x10400];
	v33 =	vadd.f32 v3, v15;
	(erf) = vpow2.f32 v23;
	v13 =	vpop (erf)  }
0x26f: {  	v6 =	vld [tilespmem:s24+$0x10420];
	v15 =	vmul.f32 $1.442695020e+00, v28;
	(erf) = vpow2.f32 v20;
	v20 =	vadd.f32 v10, v27;
	v3 =	vpop (erf)  }
0x270: {  	v5 =	vld [tilespmem:s24+$0x10450];
	v36 =	vadd.f32 v19, v7;
	v7 =	vmul.f32 $1.442695020e+00, v34;
	(erf) = vpow2.f32 v16;
	v28 =	vpop (erf)  }
0x271: {  	v27 =	vld [tilespmem:s24+$0x10630];
	v10 =	vadd.f32 v3, v12;
	v16 =	vmul.f32 $1.442695020e+00, v18;
	(erf) = vpow2.f32 v8;
	v3 =	vpop (erf)  }
0x272: {  	v23 =	vld [tilespmem:s24+$0x10600];
	v18 =	vmul.f32 $1.442695020e+00, v31;
	v25 =	vadd.f32 v25, v20;
	(erf) = vpow2.f32 v29;
	v31 =	vpop (erf)  }
0x273: {  	v19 =	vld [tilespmem:s24+$0x10660];
	v8 =	vmul.f32 $1.442695020e+00, v30;
	v22 =	vpop (erf);
	(erf) = vpow2.f32 v21  }
0x274: {  	v20 =	vld [tilespmem:s24+$0x10610];
	v29 =	vadd.f32 v26, v33;
	v28 =	vadd.f32 v28, v25;
	(erf) = vpow2.f32 v24;
	v12 =	vpop (erf)  }
0x275: {  	s1 =	simm.s32 $0x3000;
	v25 =	vld [tilespmem:s24+$0x10640];
	v26 =	vadd.f32 v31, v36;
	v24 =	vmul.f32 $1.442695020e+00, v35;
	v21 =	vpop (erf);
	(erf) = vpow2.f32 v32  }
.LBB2_11:
0x276: {  	v27 =	vmul.f32 $1.442695020e+00, v27;
	(erf) = vpow2.f32 v11;
	v13 =	vadd.f32 v13, v29  }
0x277: {  	p1 =	sne.s32 s1, $0x1F000;
	v30 =	vld [tilespmem:s24+$0x10670];
	s24 =	sshra.s32 s1, $0x2;
	s1 =	sadd.s32 $0x1000, s1;
	v11 =	vmov v2;
	v2 =	vpop (erf);
	v29 =	vmov v4;
	v31 =	vmov v6  }
0x278: {  	v33 =	vmul.f32 $1.442695020e+00, v5;
	v5 =	vadd.f32 v22, v10;
	v32 =	vld [tilespmem:s24+$0x10460];
	v10 =	vpop (erf);
	(erf) = vpow2.f32 v9  }
0x279: {  	v22 =	vld [tilespmem:s24+$0x10430];
	v4 =	vmul.f32 $1.442695020e+00, v19;
	(erf) = vpow2.f32 v17;
	v6 =	vpop (erf);
	v19 =	vadd.f32 v11, v28  }
0x27a: {  	v28 =	vmul.f32 $1.442695020e+00, v23;
	v17 =	vld [tilespmem:s24+$0x10620];
	v23 =	vadd.f32 v6, v26;
	v26 =	vpop (erf);
	(erf) = vpow2.f32 v29  }
0x27b: {  	v6 =	vld [tilespmem:s24+$0x10420];
	v34 =	vmul.f32 $1.442695020e+00, v25;
	(erf) = vpow2.f32 v14;
	v14 =	vadd.f32 v21, v5;
	v9 =	vpop (erf)  }
0x27c: {  	v5 =	vld [tilespmem:s24+$0x10450];
	v11 =	vmul.f32 $1.442695020e+00, v30;
	(erf) = vpow2.f32 v15;
	v30 =	vadd.f32 v9, v13;
	v21 =	vpop (erf)  }
0x27d: {  	v9 =	vmul.f32 $1.442695020e+00, v20;
	v25 =	vld [tilespmem:s24+$0x10470];
	(erf) = vpow2.f32 v16;
	v16 =	vadd.f32 v26, v14;
	v20 =	vpop (erf)  }
0x27e: {  	v15 =	vmul.f32 $1.442695020e+00, v31;
	v12 =	vadd.f32 v12, v23;
	v26 =	vld [tilespmem:s24+$0x10650];
	(erf) = vpow2.f32 v18;
	v18 =	vpop (erf)  }
0x27f: {  	v29 =	vld [tilespmem:s24+$0x10400];
	v17 =	vmul.f32 $1.442695020e+00, v17;
	(erf) = vpow2.f32 v24;
	v24 =	vadd.f32 v10, v30;
	v13 =	vpop (erf)  }
0x280: {  	v14 =	vmul.f32 $1.442695020e+00, v22;
	v19 =	vadd.f32 v18, v19;
	v30 =	vld [tilespmem:s24+$0x10410];
	(erf) = vpow2.f32 v15;
	v10 =	vpop (erf)  }
0x281: {  	v15 =	vmul.f32 $1.442695020e+00, v32;
	v31 =	vld [tilespmem:s24+$0x10440];
	(erf) = vpow2.f32 v27;
	v10 =	vadd.f32 v10, v16;
	v32 =	vpop (erf)  }
.Ltmp6:
0x282: {  	v35 =	vadd.f32 v3, v12;
	v16 =	vmul.f32 $1.442695020e+00, v25;
	v27 =	vld [tilespmem:s24+$0x10630];
	(erf) = vpow2.f32 v8;
	v3 =	vpop (erf);
	(pc) =	sbr.rel @p1 .LBB2_11-.Ltmp6, $4  }
0x283: {  	v23 =	vld [tilespmem:s24+$0x10600];
	v18 =	vmul.f32 $1.442695020e+00, v26;
	(erf) = vpow2.f32 v33;
	v33 =	vadd.f32 v21, v19;
	v26 =	vpop (erf)  }
0x284: {  	v8 =	vmul.f32 $1.442695020e+00, v29;
	v19 =	vld [tilespmem:s24+$0x10660];
	v22 =	vpop (erf);
	(erf) = vpow2.f32 v28;
	v29 =	vadd.f32 v20, v24  }
0x285: {  	v20 =	vld [tilespmem:s24+$0x10610];
	(erf) = vpow2.f32 v7;
	v7 =	vmul.f32 $1.442695020e+00, v30;
	v12 =	vpop (erf);
	v28 =	vadd.f32 v32, v33  }
0x286: {  	v26 =	vadd.f32 v26, v35;
	v24 =	vmul.f32 $1.442695020e+00, v31;
	v25 =	vld [tilespmem:s24+$0x10640];
	v21 =	vpop (erf);
	(erf) = vpow2.f32 v34  }
0x287: {  	v30 =	vpop (erf);
	(erf) = vpow2.f32 v11  }
0x288: {  	(erf) = vpow2.f32 v9  }
0x289: {  	v11 =	vpop (erf);
	(erf) = vpow2.f32 v17  }
0x28a: {  	v9 =	vpop (erf);
	(erf) = vpow2.f32 v4  }
0x28b: {  	v17 =	vpop (erf);
	(erf) = vpow2.f32 v14  }
0x28c: {  	v4 =	vpop (erf);
	(erf) = vpow2.f32 v15  }
0x28d: {  	v6 =	vmul.f32 $1.442695020e+00, v6;
	v14 =	vpop (erf);
	(erf) = vpow2.f32 v16  }
0x28e: {  	v15 =	vpop (erf);
	(erf) = vpow2.f32 v18;
	v18 =	vmul.f32 $1.442695020e+00, v27  }
0x28f: {  	v16 =	vpop (erf)  }
0x290: {  	v5 =	vmul.f32 $1.442695020e+00, v5;
	(erf) = vpow2.f32 v24;
	v24 =	vpop (erf)  }
0x291: {  	(erf) = vpow2.f32 v6;
	v6 =	vpop (erf)  }
0x292: {  	v27 =	vld [tilespmem:s24+$0x10670];
	(erf) = vpow2.f32 v18;
	v18 =	vpop (erf)  }
0x293: {  	v13 =	vadd.f32 v13, v29;
	v23 =	vmul.f32 $1.442695020e+00, v23;
	(erf) = vpow2.f32 v8;
	v8 =	vpop (erf)  }
0x294: {  	(erf) = vpow2.f32 v5;
	v5 =	vpop (erf)  }
0x295: {  	(erf) = vpow2.f32 v23;
	v23 =	vmul.f32 $1.442695020e+00, v25;
	v29 =	vpop (erf)  }
0x296: {  	v2 =	vadd.f32 v2, v28;
	v10 =	vadd.f32 v22, v10;
	(erf) = vpow2.f32 v7;
	v7 =	vpop (erf)  }
0x297: {  	v9 =	vadd.f32 v9, v26;
	v4 =	vadd.f32 v4, v13;
	v25 =	vmul.f32 $1.442695020e+00, v27;
	v13 =	vpop (erf)  }
0x298: {  	v20 =	vmul.f32 $1.442695020e+00, v20;
	v2 =	vadd.f32 v16, v2;
	(erf) = vpow2.f32 v23;
	v16 =	vpop (erf)  }
0x299: {  	v9 =	vadd.f32 v12, v9;
	v4 =	vadd.f32 v11, v4;
	(erf) = vpow2.f32 v25;
	v23 =	vpop (erf)  }
0x29a: {  	v2 =	vadd.f32 v14, v2;
	v14 =	vmul.f32 $1.442695020e+00, v19;
	(erf) = vpow2.f32 v20;
	v11 =	vpop (erf)  }
0x29b: {  	v10 =	vadd.f32 v21, v10;
	v12 =	vpop (erf)  }
0x29c: {  	v4 =	vadd.f32 v15, v4;
	v2 =	vadd.f32 v18, v2;
	v15 =	vpop (erf)  }
0x29d: {  	v10 =	vadd.f32 v17, v10;
	v3 =	vadd.f32 v3, v9;
	v9 =	vpop (erf)  }
0x29e: {  	v4 =	vadd.f32 v24, v4;
	v2 =	vadd.f32 v30, v2;
	(erf) = vpow2.f32 v14;
	v14 =	vpop (erf)  }
0x29f: {  	v3 =	vadd.f32 v5, v3;
	v5 =	vpop (erf)  }
0x2a0: {  	v4 =	vadd.f32 v15, v4;
	v2 =	vadd.f32 v5, v2  }
0x2a1: {  	v3 =	vadd.f32 v11, v3;
	v5 =	vadd.f32 v6, v10;
	v6 =	vpop (erf)  }
0x2a2: {  	v4 =	vadd.f32 v23, v4;
	v10 =	vpop (erf);
	v2 =	vadd.f32 v9, v2  }
0x2a3: {  	v3 =	vadd.f32 v7, v3;
	v5 =	vadd.f32 v29, v5;
	v7 =	vpop (erf)  }
0x2a4: {  	v4 =	vadd.f32 v14, v4;
	v2 =	vadd.f32 v7, v2  }
0x2a5: {  	v3 =	vadd.f32 v8, v3;
	v5 =	vadd.f32 v13, v5  }
0x2a6: {  	v4 =	vadd.f32 v6, v4;
	v2 =	vadd.f32 v16, v2  }
0x2a7: {  	v5 =	vadd.f32 v12, v5;
	v6 =	vpop (erf)  }
0x2a8: {  	v3 =	vadd.f32 v6, v3;
	v2 =	vadd.f32 v2, v4;
	_ =	sdelay $0x1  }
0x2a9: {  	v4 =	vadd.f32 v10, v5;
	v2 =	vadd.f32 v3, v2;
	_ =	sdelay $0x1  }
0x2aa: {  	v2 =	vadd.f32 v4, v2;
	_ =	sdelay $0x1  }
0x2ab: {  	s1 =	simm.s32 $0x0;
	[tilespmem:s7+$0x500] =	vst v2  }
0x2ac: {  	v2 =	vld [tilespmem:s1+$0x104E0]  }
0x2ad: {  	v3 =	vld [tilespmem:s1+$0x104B0]  }
0x2ae: {  	v4 =	vld [tilespmem:s1+$0x106A0]  }
0x2af: {  	v6 =	vld [tilespmem:s1+$0x104D0]  }
0x2b0: {  	v7 =	vld [tilespmem:s1+$0x104F0]  }
0x2b1: {  	v8 =	vld [tilespmem:s1+$0x106D0]  }
0x2b2: {  	v9 =	vld [tilespmem:s1+$0x10480]  }
0x2b3: {  	v10 =	vld [tilespmem:s1+$0x10490]  }
0x2b4: {  	v11 =	vld [tilespmem:s1+$0x104C0]  }
0x2b5: {  	v12 =	vld [tilespmem:s1+$0x106B0]  }
0x2b6: {  	v13 =	vld [tilespmem:s1+$0x10680]  }
0x2b7: {  	v14 =	vld [tilespmem:s1+$0x106E0];
	v4 =	vmul.f32 $1.442695020e+00, v4  }
0x2b8: {  	v16 =	vld [tilespmem:s1+$0x106C0];
	v3 =	vmul.f32 $1.442695020e+00, v3;
	v2 =	vmul.f32 $1.442695020e+00, v2  }
0x2b9: {  	v17 =	vld [tilespmem:s1+$0x106F0];
	v7 =	vmul.f32 $1.442695020e+00, v7;
	v8 =	vmul.f32 $1.442695020e+00, v8  }
0x2ba: {  	v15 =	vld [tilespmem:s1+$0x10690];
	v9 =	vmul.f32 $1.442695020e+00, v9;
	v10 =	vmul.f32 $1.442695020e+00, v10  }
0x2bb: {  	s22 =	simm.s32 $0x400;
	v5 =	vld [tilespmem:s1+$0x104A0];
	v11 =	vmul.f32 $1.442695020e+00, v11;
	v12 =	vmul.f32 $1.442695020e+00, v12  }
0x2bc: {  	v18 =	vld [tilespmem:s22+$0x104E0];
	v6 =	vmul.f32 $1.442695020e+00, v6;
	v14 =	vmul.f32 $1.442695020e+00, v14  }
0x2bd: {  	v20 =	vld [tilespmem:s22+$0x104A0];
	v13 =	vmul.f32 $1.442695020e+00, v13;
	v16 =	vmul.f32 $1.442695020e+00, v16  }
0x2be: {  	v17 =	vmul.f32 $1.442695020e+00, v17;
	(erf) = vpow2.f32 v4;
	v4 =	vld [tilespmem:s22+$0x106A0]  }
0x2bf: {  	v19 =	vld [tilespmem:s22+$0x104B0];
	v15 =	vmul.f32 $1.442695020e+00, v15;
	(erf) = vpow2.f32 v3  }
0x2c0: {  	v5 =	vmul.f32 $1.442695020e+00, v5;
	v3 =	vld [tilespmem:s22+$0x104D0];
	(erf) = vpow2.f32 v2  }
0x2c1: {  	v18 =	vmul.f32 $1.442695020e+00, v18;
	v2 =	vld [tilespmem:s22+$0x104F0];
	(erf) = vpow2.f32 v7  }
0x2c2: {  	v20 =	vmul.f32 $1.442695020e+00, v20;
	v7 =	vld [tilespmem:s22+$0x106D0];
	(erf) = vpow2.f32 v8  }
0x2c3: {  	v8 =	vld [tilespmem:s22+$0x10480];
	v21 =	vmul.f32 $1.442695020e+00, v4;
	(erf) = vpow2.f32 v11  }
0x2c4: {  	v11 =	vmul.f32 $1.442695020e+00, v19;
	(erf) = vpow2.f32 v5;
	v5 =	vld [tilespmem:s22+$0x104C0]  }
0x2c5: {  	v4 =	vld [tilespmem:s22+$0x10490];
	v29 =	vmul.f32 $1.442695020e+00, v3;
	(erf) = vpow2.f32 v12  }
0x2c6: {  	v12 =	vmul.f32 $1.442695020e+00, v2;
	v2 =	vld [tilespmem:s22+$0x106B0];
	(erf) = vpow2.f32 v9  }
0x2c7: {  	v7 =	vmul.f32 $1.442695020e+00, v7;
	v19 =	vpop (erf);
	(erf) = vpow2.f32 v6;
	v6 =	vld [tilespmem:s22+$0x106E0]  }
0x2c8: {  	v9 =	vld [tilespmem:s22+$0x10680];
	v8 =	vmul.f32 $1.442695020e+00, v8;
	v22 =	vpop (erf);
	(erf) = vpow2.f32 v13  }
0x2c9: {  	(erf) = vpow2.f32 v10;
	v10 =	vpop (erf);
	v23 =	vmul.f32 $1.442695020e+00, v5;
	v5 =	vld [tilespmem:s22+$0x106C0]  }
0x2ca: {  	v26 =	vld [tilespmem:s22+$0x106F0];
	v24 =	vmul.f32 $1.442695020e+00, v4;
	v25 =	vpop (erf);
	(erf) = vpow2.f32 v16  }
0x2cb: {  	s24 =	simm.s32 $0x800;
	v13 =	vld [tilespmem:s22+$0x10690];
	v16 =	vmul.f32 $1.442695020e+00, v2;
	v2 =	vpop (erf);
	(erf) = vpow2.f32 v17  }
0x2cc: {  	v27 =	vimm.f32 $0.0e+00;
	v17 =	vld [tilespmem:s24+$0x106A0];
	v3 =	vpop (erf);
	(erf) = vpow2.f32 v15;
	v4 =	vmul.f32 $1.442695020e+00, v6  }
0x2cd: {  	v28 =	vld [tilespmem:s24+$0x104E0];
	v15 =	vadd.f32 v22, v27;
	(erf) = vpow2.f32 v21;
	v6 =	vpop (erf);
	v21 =	vmul.f32 $1.442695020e+00, v9  }
0x2ce: {  	v22 =	vld [tilespmem:s24+$0x104B0];
	v30 =	vadd.f32 v6, v27;
	v31 =	vpop (erf);
	(erf) = vpow2.f32 v14;
	v32 =	vmul.f32 $1.442695020e+00, v5  }
0x2cf: {  	v34 =	vld [tilespmem:s24+$0x10490];
	v14 =	vadd.f32 v25, v15;
	(erf) = vpow2.f32 v11;
	v9 =	vpop (erf);
	v11 =	vmul.f32 $1.442695020e+00, v26  }
0x2d0: {  	v35 =	vld [tilespmem:s24+$0x104C0];
	(erf) = vpow2.f32 v18;
	v15 =	vadd.f32 v9, v27;
	v25 =	vpop (erf);
	v9 =	vmul.f32 $1.442695020e+00, v13  }
0x2d1: {  	v18 =	vld [tilespmem:s24+$0x104F0];
	v17 =	vmul.f32 $1.442695020e+00, v17;
	(erf) = vpow2.f32 v12;
	v26 =	vpop (erf)  }
0x2d2: {  	v12 =	vadd.f32 v31, v14;
	v31 =	vld [tilespmem:s24+$0x106D0];
	(erf) = vpow2.f32 v7;
	v7 =	vadd.f32 v10, v30;
	v10 =	vpop (erf)  }
0x2d3: {  	v14 =	vmul.f32 $1.442695020e+00, v22;
	v30 =	vld [tilespmem:s24+$0x10480];
	v33 =	vadd.f32 v3, v15;
	(erf) = vpow2.f32 v23;
	v13 =	vpop (erf)  }
0x2d4: {  	v6 =	vld [tilespmem:s24+$0x104A0];
	v15 =	vmul.f32 $1.442695020e+00, v28;
	(erf) = vpow2.f32 v20;
	v20 =	vadd.f32 v10, v27;
	v3 =	vpop (erf)  }
0x2d5: {  	v5 =	vld [tilespmem:s24+$0x104D0];
	v36 =	vadd.f32 v19, v7;
	v7 =	vmul.f32 $1.442695020e+00, v34;
	(erf) = vpow2.f32 v16;
	v28 =	vpop (erf)  }
0x2d6: {  	v27 =	vld [tilespmem:s24+$0x106B0];
	v10 =	vadd.f32 v3, v12;
	v16 =	vmul.f32 $1.442695020e+00, v18;
	(erf) = vpow2.f32 v8;
	v3 =	vpop (erf)  }
0x2d7: {  	v23 =	vld [tilespmem:s24+$0x10680];
	v18 =	vmul.f32 $1.442695020e+00, v31;
	v25 =	vadd.f32 v25, v20;
	(erf) = vpow2.f32 v29;
	v31 =	vpop (erf)  }
0x2d8: {  	v19 =	vld [tilespmem:s24+$0x106E0];
	v8 =	vmul.f32 $1.442695020e+00, v30;
	v22 =	vpop (erf);
	(erf) = vpow2.f32 v21  }
0x2d9: {  	v20 =	vld [tilespmem:s24+$0x10690];
	v29 =	vadd.f32 v26, v33;
	v28 =	vadd.f32 v28, v25;
	(erf) = vpow2.f32 v24;
	v12 =	vpop (erf)  }
0x2da: {  	s1 =	simm.s32 $0x3000;
	v25 =	vld [tilespmem:s24+$0x106C0];
	v26 =	vadd.f32 v31, v36;
	v24 =	vmul.f32 $1.442695020e+00, v35;
	v21 =	vpop (erf);
	(erf) = vpow2.f32 v32  }
.LBB2_13:
0x2db: {  	v27 =	vmul.f32 $1.442695020e+00, v27;
	(erf) = vpow2.f32 v11;
	v13 =	vadd.f32 v13, v29  }
0x2dc: {  	p1 =	sne.s32 s1, $0x1F000;
	v30 =	vld [tilespmem:s24+$0x106F0];
	s24 =	sshra.s32 s1, $0x2;
	s1 =	sadd.s32 $0x1000, s1;
	v11 =	vmov v2;
	v2 =	vpop (erf);
	v29 =	vmov v4;
	v31 =	vmov v6  }
0x2dd: {  	v33 =	vmul.f32 $1.442695020e+00, v5;
	v5 =	vadd.f32 v22, v10;
	v32 =	vld [tilespmem:s24+$0x104E0];
	v10 =	vpop (erf);
	(erf) = vpow2.f32 v9  }
0x2de: {  	v22 =	vld [tilespmem:s24+$0x104B0];
	v4 =	vmul.f32 $1.442695020e+00, v19;
	(erf) = vpow2.f32 v17;
	v6 =	vpop (erf);
	v19 =	vadd.f32 v11, v28  }
0x2df: {  	v28 =	vmul.f32 $1.442695020e+00, v23;
	v17 =	vld [tilespmem:s24+$0x106A0];
	v23 =	vadd.f32 v6, v26;
	v26 =	vpop (erf);
	(erf) = vpow2.f32 v29  }
0x2e0: {  	v6 =	vld [tilespmem:s24+$0x104A0];
	v34 =	vmul.f32 $1.442695020e+00, v25;
	(erf) = vpow2.f32 v14;
	v14 =	vadd.f32 v21, v5;
	v9 =	vpop (erf)  }
0x2e1: {  	v5 =	vld [tilespmem:s24+$0x104D0];
	v11 =	vmul.f32 $1.442695020e+00, v30;
	(erf) = vpow2.f32 v15;
	v30 =	vadd.f32 v9, v13;
	v21 =	vpop (erf)  }
0x2e2: {  	v9 =	vmul.f32 $1.442695020e+00, v20;
	v25 =	vld [tilespmem:s24+$0x104F0];
	(erf) = vpow2.f32 v16;
	v16 =	vadd.f32 v26, v14;
	v20 =	vpop (erf)  }
0x2e3: {  	v15 =	vmul.f32 $1.442695020e+00, v31;
	v12 =	vadd.f32 v12, v23;
	v26 =	vld [tilespmem:s24+$0x106D0];
	(erf) = vpow2.f32 v18;
	v18 =	vpop (erf)  }
0x2e4: {  	v29 =	vld [tilespmem:s24+$0x10480];
	v17 =	vmul.f32 $1.442695020e+00, v17;
	(erf) = vpow2.f32 v24;
	v24 =	vadd.f32 v10, v30;
	v13 =	vpop (erf)  }
0x2e5: {  	v14 =	vmul.f32 $1.442695020e+00, v22;
	v19 =	vadd.f32 v18, v19;
	v30 =	vld [tilespmem:s24+$0x10490];
	(erf) = vpow2.f32 v15;
	v10 =	vpop (erf)  }
0x2e6: {  	v15 =	vmul.f32 $1.442695020e+00, v32;
	v31 =	vld [tilespmem:s24+$0x104C0];
	(erf) = vpow2.f32 v27;
	v10 =	vadd.f32 v10, v16;
	v32 =	vpop (erf)  }
.Ltmp7:
0x2e7: {  	v35 =	vadd.f32 v3, v12;
	v16 =	vmul.f32 $1.442695020e+00, v25;
	v27 =	vld [tilespmem:s24+$0x106B0];
	(erf) = vpow2.f32 v8;
	v3 =	vpop (erf);
	(pc) =	sbr.rel @p1 .LBB2_13-.Ltmp7, $4  }
0x2e8: {  	v23 =	vld [tilespmem:s24+$0x10680];
	v18 =	vmul.f32 $1.442695020e+00, v26;
	(erf) = vpow2.f32 v33;
	v33 =	vadd.f32 v21, v19;
	v26 =	vpop (erf)  }
0x2e9: {  	v8 =	vmul.f32 $1.442695020e+00, v29;
	v19 =	vld [tilespmem:s24+$0x106E0];
	v22 =	vpop (erf);
	(erf) = vpow2.f32 v28;
	v29 =	vadd.f32 v20, v24  }
0x2ea: {  	v20 =	vld [tilespmem:s24+$0x10690];
	(erf) = vpow2.f32 v7;
	v7 =	vmul.f32 $1.442695020e+00, v30;
	v12 =	vpop (erf);
	v28 =	vadd.f32 v32, v33  }
0x2eb: {  	v26 =	vadd.f32 v26, v35;
	v24 =	vmul.f32 $1.442695020e+00, v31;
	v25 =	vld [tilespmem:s24+$0x106C0];
	v21 =	vpop (erf);
	(erf) = vpow2.f32 v34  }
0x2ec: {  	v30 =	vpop (erf);
	(erf) = vpow2.f32 v11  }
0x2ed: {  	(erf) = vpow2.f32 v9  }
0x2ee: {  	v11 =	vpop (erf);
	(erf) = vpow2.f32 v17  }
0x2ef: {  	v9 =	vpop (erf);
	(erf) = vpow2.f32 v4  }
0x2f0: {  	v17 =	vpop (erf);
	(erf) = vpow2.f32 v14  }
0x2f1: {  	v4 =	vpop (erf);
	(erf) = vpow2.f32 v15  }
0x2f2: {  	v6 =	vmul.f32 $1.442695020e+00, v6;
	v14 =	vpop (erf);
	(erf) = vpow2.f32 v16  }
0x2f3: {  	v15 =	vpop (erf);
	(erf) = vpow2.f32 v18;
	v18 =	vmul.f32 $1.442695020e+00, v27  }
0x2f4: {  	v16 =	vpop (erf)  }
0x2f5: {  	v5 =	vmul.f32 $1.442695020e+00, v5;
	(erf) = vpow2.f32 v24;
	v24 =	vpop (erf)  }
0x2f6: {  	(erf) = vpow2.f32 v6;
	v6 =	vpop (erf)  }
0x2f7: {  	v27 =	vld [tilespmem:s24+$0x106F0];
	(erf) = vpow2.f32 v18;
	v18 =	vpop (erf)  }
0x2f8: {  	v13 =	vadd.f32 v13, v29;
	v23 =	vmul.f32 $1.442695020e+00, v23;
	(erf) = vpow2.f32 v8;
	v8 =	vpop (erf)  }
0x2f9: {  	(erf) = vpow2.f32 v5;
	v5 =	vpop (erf)  }
0x2fa: {  	(erf) = vpow2.f32 v23;
	v23 =	vmul.f32 $1.442695020e+00, v25;
	v29 =	vpop (erf)  }
0x2fb: {  	v2 =	vadd.f32 v2, v28;
	v10 =	vadd.f32 v22, v10;
	(erf) = vpow2.f32 v7;
	v7 =	vpop (erf)  }
0x2fc: {  	v9 =	vadd.f32 v9, v26;
	v4 =	vadd.f32 v4, v13;
	v25 =	vmul.f32 $1.442695020e+00, v27;
	v13 =	vpop (erf)  }
0x2fd: {  	v20 =	vmul.f32 $1.442695020e+00, v20;
	v2 =	vadd.f32 v16, v2;
	(erf) = vpow2.f32 v23;
	v16 =	vpop (erf)  }
0x2fe: {  	v9 =	vadd.f32 v12, v9;
	v4 =	vadd.f32 v11, v4;
	(erf) = vpow2.f32 v25;
	v23 =	vpop (erf)  }
0x2ff: {  	v2 =	vadd.f32 v14, v2;
	v14 =	vmul.f32 $1.442695020e+00, v19;
	(erf) = vpow2.f32 v20;
	v11 =	vpop (erf)  }
0x300: {  	v10 =	vadd.f32 v21, v10;
	v12 =	vpop (erf)  }
0x301: {  	v4 =	vadd.f32 v15, v4;
	v2 =	vadd.f32 v18, v2;
	v15 =	vpop (erf)  }
0x302: {  	v10 =	vadd.f32 v17, v10;
	v3 =	vadd.f32 v3, v9;
	v9 =	vpop (erf)  }
0x303: {  	v4 =	vadd.f32 v24, v4;
	v2 =	vadd.f32 v30, v2;
	(erf) = vpow2.f32 v14;
	v14 =	vpop (erf)  }
0x304: {  	v3 =	vadd.f32 v5, v3;
	v5 =	vpop (erf)  }
0x305: {  	v4 =	vadd.f32 v15, v4;
	v2 =	vadd.f32 v5, v2  }
0x306: {  	v3 =	vadd.f32 v11, v3;
	v5 =	vadd.f32 v6, v10;
	v6 =	vpop (erf)  }
0x307: {  	v4 =	vadd.f32 v23, v4;
	v10 =	vpop (erf);
	v2 =	vadd.f32 v9, v2  }
0x308: {  	v3 =	vadd.f32 v7, v3;
	v5 =	vadd.f32 v29, v5;
	v7 =	vpop (erf)  }
0x309: {  	v4 =	vadd.f32 v14, v4;
	v2 =	vadd.f32 v7, v2  }
0x30a: {  	v3 =	vadd.f32 v8, v3;
	v5 =	vadd.f32 v13, v5  }
0x30b: {  	v4 =	vadd.f32 v6, v4;
	v2 =	vadd.f32 v16, v2  }
0x30c: {  	v5 =	vadd.f32 v12, v5;
	v6 =	vpop (erf)  }
0x30d: {  	v3 =	vadd.f32 v6, v3;
	v2 =	vadd.f32 v2, v4;
	_ =	sdelay $0x1  }
0x30e: {  	v4 =	vadd.f32 v10, v5;
	v2 =	vadd.f32 v3, v2;
	_ =	sdelay $0x1  }
0x30f: {  	v2 =	vadd.f32 v4, v2;
	_ =	sdelay $0x1  }
0x310: {  	s1 =	simm.s32 $0x0;
	[tilespmem:s7+$0x580] =	vst v2  }
0x311: {  	v2 =	vld [tilespmem:s1+$0x10560]  }
0x312: {  	v3 =	vld [tilespmem:s1+$0x10530]  }
0x313: {  	v4 =	vld [tilespmem:s1+$0x10720]  }
0x314: {  	v6 =	vld [tilespmem:s1+$0x10550]  }
0x315: {  	v7 =	vld [tilespmem:s1+$0x10570]  }
0x316: {  	v8 =	vld [tilespmem:s1+$0x10750]  }
0x317: {  	v9 =	vld [tilespmem:s1+$0x10500]  }
0x318: {  	v10 =	vld [tilespmem:s1+$0x10510]  }
0x319: {  	v11 =	vld [tilespmem:s1+$0x10540]  }
0x31a: {  	v12 =	vld [tilespmem:s1+$0x10730]  }
0x31b: {  	v13 =	vld [tilespmem:s1+$0x10700]  }
0x31c: {  	v14 =	vld [tilespmem:s1+$0x10760];
	v4 =	vmul.f32 $1.442695020e+00, v4  }
0x31d: {  	v16 =	vld [tilespmem:s1+$0x10740];
	v3 =	vmul.f32 $1.442695020e+00, v3;
	v2 =	vmul.f32 $1.442695020e+00, v2  }
0x31e: {  	v17 =	vld [tilespmem:s1+$0x10770];
	v7 =	vmul.f32 $1.442695020e+00, v7;
	v8 =	vmul.f32 $1.442695020e+00, v8  }
0x31f: {  	v15 =	vld [tilespmem:s1+$0x10710];
	v9 =	vmul.f32 $1.442695020e+00, v9;
	v10 =	vmul.f32 $1.442695020e+00, v10  }
0x320: {  	s22 =	simm.s32 $0x400;
	v5 =	vld [tilespmem:s1+$0x10520];
	v11 =	vmul.f32 $1.442695020e+00, v11;
	v12 =	vmul.f32 $1.442695020e+00, v12  }
0x321: {  	v18 =	vld [tilespmem:s22+$0x10560];
	v6 =	vmul.f32 $1.442695020e+00, v6;
	v14 =	vmul.f32 $1.442695020e+00, v14  }
0x322: {  	v20 =	vld [tilespmem:s22+$0x10520];
	v13 =	vmul.f32 $1.442695020e+00, v13;
	v16 =	vmul.f32 $1.442695020e+00, v16  }
0x323: {  	v17 =	vmul.f32 $1.442695020e+00, v17;
	(erf) = vpow2.f32 v4;
	v4 =	vld [tilespmem:s22+$0x10720]  }
0x324: {  	v19 =	vld [tilespmem:s22+$0x10530];
	v15 =	vmul.f32 $1.442695020e+00, v15;
	(erf) = vpow2.f32 v3  }
0x325: {  	v5 =	vmul.f32 $1.442695020e+00, v5;
	v3 =	vld [tilespmem:s22+$0x10550];
	(erf) = vpow2.f32 v2  }
0x326: {  	v18 =	vmul.f32 $1.442695020e+00, v18;
	v2 =	vld [tilespmem:s22+$0x10570];
	(erf) = vpow2.f32 v7  }
0x327: {  	v20 =	vmul.f32 $1.442695020e+00, v20;
	v7 =	vld [tilespmem:s22+$0x10750];
	(erf) = vpow2.f32 v8  }
0x328: {  	v8 =	vld [tilespmem:s22+$0x10500];
	v21 =	vmul.f32 $1.442695020e+00, v4;
	(erf) = vpow2.f32 v11  }
0x329: {  	v11 =	vmul.f32 $1.442695020e+00, v19;
	(erf) = vpow2.f32 v5;
	v5 =	vld [tilespmem:s22+$0x10540]  }
0x32a: {  	v4 =	vld [tilespmem:s22+$0x10510];
	v29 =	vmul.f32 $1.442695020e+00, v3;
	(erf) = vpow2.f32 v12  }
0x32b: {  	v12 =	vmul.f32 $1.442695020e+00, v2;
	v2 =	vld [tilespmem:s22+$0x10730];
	(erf) = vpow2.f32 v9  }
0x32c: {  	v7 =	vmul.f32 $1.442695020e+00, v7;
	v19 =	vpop (erf);
	(erf) = vpow2.f32 v6;
	v6 =	vld [tilespmem:s22+$0x10760]  }
0x32d: {  	v9 =	vld [tilespmem:s22+$0x10700];
	v8 =	vmul.f32 $1.442695020e+00, v8;
	v22 =	vpop (erf);
	(erf) = vpow2.f32 v13  }
0x32e: {  	(erf) = vpow2.f32 v10;
	v10 =	vpop (erf);
	v23 =	vmul.f32 $1.442695020e+00, v5;
	v5 =	vld [tilespmem:s22+$0x10740]  }
0x32f: {  	v26 =	vld [tilespmem:s22+$0x10770];
	v24 =	vmul.f32 $1.442695020e+00, v4;
	v25 =	vpop (erf);
	(erf) = vpow2.f32 v16  }
0x330: {  	s24 =	simm.s32 $0x800;
	v13 =	vld [tilespmem:s22+$0x10710];
	v16 =	vmul.f32 $1.442695020e+00, v2;
	v2 =	vpop (erf);
	(erf) = vpow2.f32 v17  }
0x331: {  	v27 =	vimm.f32 $0.0e+00;
	v17 =	vld [tilespmem:s24+$0x10720];
	v3 =	vpop (erf);
	(erf) = vpow2.f32 v15;
	v4 =	vmul.f32 $1.442695020e+00, v6  }
0x332: {  	v28 =	vld [tilespmem:s24+$0x10560];
	v15 =	vadd.f32 v22, v27;
	(erf) = vpow2.f32 v21;
	v6 =	vpop (erf);
	v21 =	vmul.f32 $1.442695020e+00, v9  }
0x333: {  	v22 =	vld [tilespmem:s24+$0x10530];
	v30 =	vadd.f32 v6, v27;
	v31 =	vpop (erf);
	(erf) = vpow2.f32 v14;
	v32 =	vmul.f32 $1.442695020e+00, v5  }
0x334: {  	v34 =	vld [tilespmem:s24+$0x10510];
	v14 =	vadd.f32 v25, v15;
	(erf) = vpow2.f32 v11;
	v9 =	vpop (erf);
	v11 =	vmul.f32 $1.442695020e+00, v26  }
0x335: {  	v35 =	vld [tilespmem:s24+$0x10540];
	(erf) = vpow2.f32 v18;
	v15 =	vadd.f32 v9, v27;
	v25 =	vpop (erf);
	v9 =	vmul.f32 $1.442695020e+00, v13  }
0x336: {  	v18 =	vld [tilespmem:s24+$0x10570];
	v17 =	vmul.f32 $1.442695020e+00, v17;
	(erf) = vpow2.f32 v12;
	v26 =	vpop (erf)  }
0x337: {  	v12 =	vadd.f32 v31, v14;
	v31 =	vld [tilespmem:s24+$0x10750];
	(erf) = vpow2.f32 v7;
	v7 =	vadd.f32 v10, v30;
	v10 =	vpop (erf)  }
0x338: {  	v14 =	vmul.f32 $1.442695020e+00, v22;
	v30 =	vld [tilespmem:s24+$0x10500];
	v33 =	vadd.f32 v3, v15;
	(erf) = vpow2.f32 v23;
	v13 =	vpop (erf)  }
0x339: {  	v6 =	vld [tilespmem:s24+$0x10520];
	v15 =	vmul.f32 $1.442695020e+00, v28;
	(erf) = vpow2.f32 v20;
	v20 =	vadd.f32 v10, v27;
	v3 =	vpop (erf)  }
0x33a: {  	v5 =	vld [tilespmem:s24+$0x10550];
	v36 =	vadd.f32 v19, v7;
	v7 =	vmul.f32 $1.442695020e+00, v34;
	(erf) = vpow2.f32 v16;
	v28 =	vpop (erf)  }
0x33b: {  	v27 =	vld [tilespmem:s24+$0x10730];
	v10 =	vadd.f32 v3, v12;
	v16 =	vmul.f32 $1.442695020e+00, v18;
	(erf) = vpow2.f32 v8;
	v3 =	vpop (erf)  }
0x33c: {  	v23 =	vld [tilespmem:s24+$0x10700];
	v18 =	vmul.f32 $1.442695020e+00, v31;
	v25 =	vadd.f32 v25, v20;
	(erf) = vpow2.f32 v29;
	v31 =	vpop (erf)  }
0x33d: {  	v19 =	vld [tilespmem:s24+$0x10760];
	v8 =	vmul.f32 $1.442695020e+00, v30;
	v22 =	vpop (erf);
	(erf) = vpow2.f32 v21  }
0x33e: {  	v20 =	vld [tilespmem:s24+$0x10710];
	v29 =	vadd.f32 v26, v33;
	v28 =	vadd.f32 v28, v25;
	(erf) = vpow2.f32 v24;
	v12 =	vpop (erf)  }
0x33f: {  	s1 =	simm.s32 $0x3000;
	v25 =	vld [tilespmem:s24+$0x10740];
	v26 =	vadd.f32 v31, v36;
	v24 =	vmul.f32 $1.442695020e+00, v35;
	v21 =	vpop (erf);
	(erf) = vpow2.f32 v32  }
.LBB2_15:
0x340: {  	v27 =	vmul.f32 $1.442695020e+00, v27;
	(erf) = vpow2.f32 v11;
	v13 =	vadd.f32 v13, v29  }
0x341: {  	p1 =	sne.s32 s1, $0x1F000;
	v30 =	vld [tilespmem:s24+$0x10770];
	s24 =	sshra.s32 s1, $0x2;
	s1 =	sadd.s32 $0x1000, s1;
	v11 =	vmov v2;
	v2 =	vpop (erf);
	v29 =	vmov v4;
	v31 =	vmov v6  }
0x342: {  	v33 =	vmul.f32 $1.442695020e+00, v5;
	v5 =	vadd.f32 v22, v10;
	v32 =	vld [tilespmem:s24+$0x10560];
	v10 =	vpop (erf);
	(erf) = vpow2.f32 v9  }
0x343: {  	v22 =	vld [tilespmem:s24+$0x10530];
	v4 =	vmul.f32 $1.442695020e+00, v19;
	(erf) = vpow2.f32 v17;
	v6 =	vpop (erf);
	v19 =	vadd.f32 v11, v28  }
0x344: {  	v28 =	vmul.f32 $1.442695020e+00, v23;
	v17 =	vld [tilespmem:s24+$0x10720];
	v23 =	vadd.f32 v6, v26;
	v26 =	vpop (erf);
	(erf) = vpow2.f32 v29  }
0x345: {  	v6 =	vld [tilespmem:s24+$0x10520];
	v34 =	vmul.f32 $1.442695020e+00, v25;
	(erf) = vpow2.f32 v14;
	v14 =	vadd.f32 v21, v5;
	v9 =	vpop (erf)  }
0x346: {  	v5 =	vld [tilespmem:s24+$0x10550];
	v11 =	vmul.f32 $1.442695020e+00, v30;
	(erf) = vpow2.f32 v15;
	v30 =	vadd.f32 v9, v13;
	v21 =	vpop (erf)  }
0x347: {  	v9 =	vmul.f32 $1.442695020e+00, v20;
	v25 =	vld [tilespmem:s24+$0x10570];
	(erf) = vpow2.f32 v16;
	v16 =	vadd.f32 v26, v14;
	v20 =	vpop (erf)  }
0x348: {  	v15 =	vmul.f32 $1.442695020e+00, v31;
	v12 =	vadd.f32 v12, v23;
	v26 =	vld [tilespmem:s24+$0x10750];
	(erf) = vpow2.f32 v18;
	v18 =	vpop (erf)  }
0x349: {  	v29 =	vld [tilespmem:s24+$0x10500];
	v17 =	vmul.f32 $1.442695020e+00, v17;
	(erf) = vpow2.f32 v24;
	v24 =	vadd.f32 v10, v30;
	v13 =	vpop (erf)  }
0x34a: {  	v14 =	vmul.f32 $1.442695020e+00, v22;
	v19 =	vadd.f32 v18, v19;
	v30 =	vld [tilespmem:s24+$0x10510];
	(erf) = vpow2.f32 v15;
	v10 =	vpop (erf)  }
0x34b: {  	v15 =	vmul.f32 $1.442695020e+00, v32;
	v31 =	vld [tilespmem:s24+$0x10540];
	(erf) = vpow2.f32 v27;
	v10 =	vadd.f32 v10, v16;
	v32 =	vpop (erf)  }
.Ltmp8:
0x34c: {  	v35 =	vadd.f32 v3, v12;
	v16 =	vmul.f32 $1.442695020e+00, v25;
	v27 =	vld [tilespmem:s24+$0x10730];
	(erf) = vpow2.f32 v8;
	v3 =	vpop (erf);
	(pc) =	sbr.rel @p1 .LBB2_15-.Ltmp8, $4  }
0x34d: {  	v23 =	vld [tilespmem:s24+$0x10700];
	v18 =	vmul.f32 $1.442695020e+00, v26;
	(erf) = vpow2.f32 v33;
	v33 =	vadd.f32 v21, v19;
	v26 =	vpop (erf)  }
0x34e: {  	v8 =	vmul.f32 $1.442695020e+00, v29;
	v19 =	vld [tilespmem:s24+$0x10760];
	v22 =	vpop (erf);
	(erf) = vpow2.f32 v28;
	v29 =	vadd.f32 v20, v24  }
0x34f: {  	v20 =	vld [tilespmem:s24+$0x10710];
	(erf) = vpow2.f32 v7;
	v7 =	vmul.f32 $1.442695020e+00, v30;
	v12 =	vpop (erf);
	v28 =	vadd.f32 v32, v33  }
0x350: {  	v26 =	vadd.f32 v26, v35;
	v24 =	vmul.f32 $1.442695020e+00, v31;
	v25 =	vld [tilespmem:s24+$0x10740];
	v21 =	vpop (erf);
	(erf) = vpow2.f32 v34  }
0x351: {  	v30 =	vpop (erf);
	(erf) = vpow2.f32 v11  }
0x352: {  	(erf) = vpow2.f32 v9  }
0x353: {  	v11 =	vpop (erf);
	(erf) = vpow2.f32 v17  }
0x354: {  	v9 =	vpop (erf);
	(erf) = vpow2.f32 v4  }
0x355: {  	v17 =	vpop (erf);
	(erf) = vpow2.f32 v14  }
0x356: {  	v4 =	vpop (erf);
	(erf) = vpow2.f32 v15  }
0x357: {  	v6 =	vmul.f32 $1.442695020e+00, v6;
	v14 =	vpop (erf);
	(erf) = vpow2.f32 v16  }
0x358: {  	v15 =	vpop (erf);
	(erf) = vpow2.f32 v18;
	v18 =	vmul.f32 $1.442695020e+00, v27  }
0x359: {  	v16 =	vpop (erf)  }
0x35a: {  	v5 =	vmul.f32 $1.442695020e+00, v5;
	(erf) = vpow2.f32 v24;
	v24 =	vpop (erf)  }
0x35b: {  	(erf) = vpow2.f32 v6;
	v6 =	vpop (erf)  }
0x35c: {  	v27 =	vld [tilespmem:s24+$0x10770];
	(erf) = vpow2.f32 v18;
	v18 =	vpop (erf)  }
0x35d: {  	v13 =	vadd.f32 v13, v29;
	v23 =	vmul.f32 $1.442695020e+00, v23;
	(erf) = vpow2.f32 v8;
	v8 =	vpop (erf)  }
0x35e: {  	(erf) = vpow2.f32 v5;
	v5 =	vpop (erf)  }
0x35f: {  	(erf) = vpow2.f32 v23;
	v23 =	vmul.f32 $1.442695020e+00, v25;
	v29 =	vpop (erf)  }
0x360: {  	v2 =	vadd.f32 v2, v28;
	v10 =	vadd.f32 v22, v10;
	(erf) = vpow2.f32 v7;
	v7 =	vpop (erf)  }
0x361: {  	v9 =	vadd.f32 v9, v26;
	v4 =	vadd.f32 v4, v13;
	v25 =	vmul.f32 $1.442695020e+00, v27;
	v13 =	vpop (erf)  }
0x362: {  	v20 =	vmul.f32 $1.442695020e+00, v20;
	v2 =	vadd.f32 v16, v2;
	(erf) = vpow2.f32 v23;
	v16 =	vpop (erf)  }
0x363: {  	v9 =	vadd.f32 v12, v9;
	v4 =	vadd.f32 v11, v4;
	(erf) = vpow2.f32 v25;
	v23 =	vpop (erf)  }
0x364: {  	v2 =	vadd.f32 v14, v2;
	v14 =	vmul.f32 $1.442695020e+00, v19;
	(erf) = vpow2.f32 v20;
	v11 =	vpop (erf)  }
0x365: {  	v10 =	vadd.f32 v21, v10;
	v12 =	vpop (erf)  }
0x366: {  	v4 =	vadd.f32 v15, v4;
	v2 =	vadd.f32 v18, v2;
	v15 =	vpop (erf)  }
0x367: {  	v10 =	vadd.f32 v17, v10;
	v3 =	vadd.f32 v3, v9;
	v9 =	vpop (erf)  }
0x368: {  	v4 =	vadd.f32 v24, v4;
	v2 =	vadd.f32 v30, v2;
	(erf) = vpow2.f32 v14;
	v14 =	vpop (erf)  }
0x369: {  	v3 =	vadd.f32 v5, v3;
	v5 =	vpop (erf)  }
0x36a: {  	v4 =	vadd.f32 v15, v4;
	v2 =	vadd.f32 v5, v2  }
0x36b: {  	v3 =	vadd.f32 v11, v3;
	v5 =	vadd.f32 v6, v10;
	v6 =	vpop (erf)  }
0x36c: {  	v4 =	vadd.f32 v23, v4;
	v10 =	vpop (erf);
	v2 =	vadd.f32 v9, v2  }
0x36d: {  	v3 =	vadd.f32 v7, v3;
	v5 =	vadd.f32 v29, v5;
	v7 =	vpop (erf)  }
0x36e: {  	v4 =	vadd.f32 v14, v4;
	v2 =	vadd.f32 v7, v2  }
0x36f: {  	v3 =	vadd.f32 v8, v3;
	v5 =	vadd.f32 v13, v5  }
0x370: {  	v4 =	vadd.f32 v6, v4;
	v2 =	vadd.f32 v16, v2  }
0x371: {  	v5 =	vadd.f32 v12, v5;
	v6 =	vpop (erf)  }
0x372: {  	v3 =	vadd.f32 v6, v3;
	v2 =	vadd.f32 v2, v4;
	_ =	sdelay $0x1  }
0x373: {  	v4 =	vadd.f32 v10, v5;
	v2 =	vadd.f32 v3, v2;
	_ =	sdelay $0x1  }
0x374: {  	v2 =	vadd.f32 v4, v2;
	_ =	sdelay $0x1  }
0x375: {  	s1 =	simm.s32 $0x0;
	[tilespmem:s7+$0x600] =	vst v2  }
0x376: {  	v2 =	vld [tilespmem:s1+$0x105E0]  }
0x377: {  	v3 =	vld [tilespmem:s1+$0x105B0]  }
0x378: {  	v4 =	vld [tilespmem:s1+$0x107A0]  }
0x379: {  	v6 =	vld [tilespmem:s1+$0x105D0]  }
0x37a: {  	v7 =	vld [tilespmem:s1+$0x105F0]  }
0x37b: {  	v8 =	vld [tilespmem:s1+$0x107D0]  }
0x37c: {  	v9 =	vld [tilespmem:s1+$0x10580]  }
0x37d: {  	v10 =	vld [tilespmem:s1+$0x10590]  }
0x37e: {  	v11 =	vld [tilespmem:s1+$0x105C0]  }
0x37f: {  	v12 =	vld [tilespmem:s1+$0x107B0]  }
0x380: {  	v13 =	vld [tilespmem:s1+$0x10780]  }
0x381: {  	v14 =	vld [tilespmem:s1+$0x107E0];
	v4 =	vmul.f32 $1.442695020e+00, v4  }
0x382: {  	v16 =	vld [tilespmem:s1+$0x107C0];
	v3 =	vmul.f32 $1.442695020e+00, v3;
	v2 =	vmul.f32 $1.442695020e+00, v2  }
0x383: {  	v17 =	vld [tilespmem:s1+$0x107F0];
	v7 =	vmul.f32 $1.442695020e+00, v7;
	v8 =	vmul.f32 $1.442695020e+00, v8  }
0x384: {  	v15 =	vld [tilespmem:s1+$0x10790];
	v9 =	vmul.f32 $1.442695020e+00, v9;
	v10 =	vmul.f32 $1.442695020e+00, v10  }
0x385: {  	s22 =	simm.s32 $0x400;
	v5 =	vld [tilespmem:s1+$0x105A0];
	v11 =	vmul.f32 $1.442695020e+00, v11;
	v12 =	vmul.f32 $1.442695020e+00, v12  }
0x386: {  	v18 =	vld [tilespmem:s22+$0x105E0];
	v6 =	vmul.f32 $1.442695020e+00, v6;
	v14 =	vmul.f32 $1.442695020e+00, v14  }
0x387: {  	v20 =	vld [tilespmem:s22+$0x105A0];
	v13 =	vmul.f32 $1.442695020e+00, v13;
	v16 =	vmul.f32 $1.442695020e+00, v16  }
0x388: {  	v17 =	vmul.f32 $1.442695020e+00, v17;
	(erf) = vpow2.f32 v4;
	v4 =	vld [tilespmem:s22+$0x107A0]  }
0x389: {  	v19 =	vld [tilespmem:s22+$0x105B0];
	v15 =	vmul.f32 $1.442695020e+00, v15;
	(erf) = vpow2.f32 v3  }
0x38a: {  	v5 =	vmul.f32 $1.442695020e+00, v5;
	v3 =	vld [tilespmem:s22+$0x105D0];
	(erf) = vpow2.f32 v2  }
0x38b: {  	v18 =	vmul.f32 $1.442695020e+00, v18;
	v2 =	vld [tilespmem:s22+$0x105F0];
	(erf) = vpow2.f32 v7  }
0x38c: {  	v20 =	vmul.f32 $1.442695020e+00, v20;
	v7 =	vld [tilespmem:s22+$0x107D0];
	(erf) = vpow2.f32 v8  }
0x38d: {  	v8 =	vld [tilespmem:s22+$0x10580];
	v21 =	vmul.f32 $1.442695020e+00, v4;
	(erf) = vpow2.f32 v11  }
0x38e: {  	v11 =	vmul.f32 $1.442695020e+00, v19;
	(erf) = vpow2.f32 v5;
	v5 =	vld [tilespmem:s22+$0x105C0]  }
0x38f: {  	v4 =	vld [tilespmem:s22+$0x10590];
	v29 =	vmul.f32 $1.442695020e+00, v3;
	(erf) = vpow2.f32 v12  }
0x390: {  	v12 =	vmul.f32 $1.442695020e+00, v2;
	v2 =	vld [tilespmem:s22+$0x107B0];
	(erf) = vpow2.f32 v9  }
0x391: {  	v7 =	vmul.f32 $1.442695020e+00, v7;
	v19 =	vpop (erf);
	(erf) = vpow2.f32 v6;
	v6 =	vld [tilespmem:s22+$0x107E0]  }
0x392: {  	v9 =	vld [tilespmem:s22+$0x10780];
	v8 =	vmul.f32 $1.442695020e+00, v8;
	v22 =	vpop (erf);
	(erf) = vpow2.f32 v13  }
0x393: {  	(erf) = vpow2.f32 v10;
	v10 =	vpop (erf);
	v23 =	vmul.f32 $1.442695020e+00, v5;
	v5 =	vld [tilespmem:s22+$0x107C0]  }
0x394: {  	v26 =	vld [tilespmem:s22+$0x107F0];
	v24 =	vmul.f32 $1.442695020e+00, v4;
	v25 =	vpop (erf);
	(erf) = vpow2.f32 v16  }
0x395: {  	s24 =	simm.s32 $0x800;
	v13 =	vld [tilespmem:s22+$0x10790];
	v16 =	vmul.f32 $1.442695020e+00, v2;
	v2 =	vpop (erf);
	(erf) = vpow2.f32 v17  }
0x396: {  	v27 =	vimm.f32 $0.0e+00;
	v17 =	vld [tilespmem:s24+$0x107A0];
	v3 =	vpop (erf);
	(erf) = vpow2.f32 v15;
	v4 =	vmul.f32 $1.442695020e+00, v6  }
0x397: {  	v28 =	vld [tilespmem:s24+$0x105E0];
	v15 =	vadd.f32 v22, v27;
	(erf) = vpow2.f32 v21;
	v6 =	vpop (erf);
	v21 =	vmul.f32 $1.442695020e+00, v9  }
0x398: {  	v22 =	vld [tilespmem:s24+$0x105B0];
	v30 =	vadd.f32 v6, v27;
	v31 =	vpop (erf);
	(erf) = vpow2.f32 v14;
	v32 =	vmul.f32 $1.442695020e+00, v5  }
0x399: {  	v34 =	vld [tilespmem:s24+$0x10590];
	v14 =	vadd.f32 v25, v15;
	(erf) = vpow2.f32 v11;
	v9 =	vpop (erf);
	v11 =	vmul.f32 $1.442695020e+00, v26  }
0x39a: {  	v35 =	vld [tilespmem:s24+$0x105C0];
	(erf) = vpow2.f32 v18;
	v15 =	vadd.f32 v9, v27;
	v25 =	vpop (erf);
	v9 =	vmul.f32 $1.442695020e+00, v13  }
0x39b: {  	v18 =	vld [tilespmem:s24+$0x105F0];
	v17 =	vmul.f32 $1.442695020e+00, v17;
	(erf) = vpow2.f32 v12;
	v26 =	vpop (erf)  }
0x39c: {  	v12 =	vadd.f32 v31, v14;
	v31 =	vld [tilespmem:s24+$0x107D0];
	(erf) = vpow2.f32 v7;
	v7 =	vadd.f32 v10, v30;
	v10 =	vpop (erf)  }
0x39d: {  	v14 =	vmul.f32 $1.442695020e+00, v22;
	v30 =	vld [tilespmem:s24+$0x10580];
	v33 =	vadd.f32 v3, v15;
	(erf) = vpow2.f32 v23;
	v13 =	vpop (erf)  }
0x39e: {  	v6 =	vld [tilespmem:s24+$0x105A0];
	v15 =	vmul.f32 $1.442695020e+00, v28;
	(erf) = vpow2.f32 v20;
	v20 =	vadd.f32 v10, v27;
	v3 =	vpop (erf)  }
0x39f: {  	v5 =	vld [tilespmem:s24+$0x105D0];
	v36 =	vadd.f32 v19, v7;
	v7 =	vmul.f32 $1.442695020e+00, v34;
	(erf) = vpow2.f32 v16;
	v28 =	vpop (erf)  }
0x3a0: {  	v27 =	vld [tilespmem:s24+$0x107B0];
	v10 =	vadd.f32 v3, v12;
	v16 =	vmul.f32 $1.442695020e+00, v18;
	(erf) = vpow2.f32 v8;
	v3 =	vpop (erf)  }
0x3a1: {  	v23 =	vld [tilespmem:s24+$0x10780];
	v18 =	vmul.f32 $1.442695020e+00, v31;
	v25 =	vadd.f32 v25, v20;
	(erf) = vpow2.f32 v29;
	v31 =	vpop (erf)  }
0x3a2: {  	v19 =	vld [tilespmem:s24+$0x107E0];
	v8 =	vmul.f32 $1.442695020e+00, v30;
	v22 =	vpop (erf);
	(erf) = vpow2.f32 v21  }
0x3a3: {  	v20 =	vld [tilespmem:s24+$0x10790];
	v29 =	vadd.f32 v26, v33;
	v28 =	vadd.f32 v28, v25;
	(erf) = vpow2.f32 v24;
	v12 =	vpop (erf)  }
0x3a4: {  	s1 =	simm.s32 $0x3000;
	v25 =	vld [tilespmem:s24+$0x107C0];
	v26 =	vadd.f32 v31, v36;
	v24 =	vmul.f32 $1.442695020e+00, v35;
	v21 =	vpop (erf);
	(erf) = vpow2.f32 v32  }
.LBB2_17:
0x3a5: {  	v27 =	vmul.f32 $1.442695020e+00, v27;
	(erf) = vpow2.f32 v11;
	v13 =	vadd.f32 v13, v29  }
0x3a6: {  	p1 =	sne.s32 s1, $0x1F000;
	v30 =	vld [tilespmem:s24+$0x107F0];
	s24 =	sshra.s32 s1, $0x2;
	s1 =	sadd.s32 $0x1000, s1;
	v11 =	vmov v2;
	v2 =	vpop (erf);
	v29 =	vmov v4;
	v31 =	vmov v6  }
0x3a7: {  	v33 =	vmul.f32 $1.442695020e+00, v5;
	v5 =	vadd.f32 v22, v10;
	v32 =	vld [tilespmem:s24+$0x105E0];
	v10 =	vpop (erf);
	(erf) = vpow2.f32 v9  }
0x3a8: {  	v22 =	vld [tilespmem:s24+$0x105B0];
	v4 =	vmul.f32 $1.442695020e+00, v19;
	(erf) = vpow2.f32 v17;
	v6 =	vpop (erf);
	v19 =	vadd.f32 v11, v28  }
0x3a9: {  	v28 =	vmul.f32 $1.442695020e+00, v23;
	v17 =	vld [tilespmem:s24+$0x107A0];
	v23 =	vadd.f32 v6, v26;
	v26 =	vpop (erf);
	(erf) = vpow2.f32 v29  }
0x3aa: {  	v6 =	vld [tilespmem:s24+$0x105A0];
	v34 =	vmul.f32 $1.442695020e+00, v25;
	(erf) = vpow2.f32 v14;
	v14 =	vadd.f32 v21, v5;
	v9 =	vpop (erf)  }
0x3ab: {  	v5 =	vld [tilespmem:s24+$0x105D0];
	v11 =	vmul.f32 $1.442695020e+00, v30;
	(erf) = vpow2.f32 v15;
	v30 =	vadd.f32 v9, v13;
	v21 =	vpop (erf)  }
0x3ac: {  	v9 =	vmul.f32 $1.442695020e+00, v20;
	v25 =	vld [tilespmem:s24+$0x105F0];
	(erf) = vpow2.f32 v16;
	v16 =	vadd.f32 v26, v14;
	v20 =	vpop (erf)  }
0x3ad: {  	v15 =	vmul.f32 $1.442695020e+00, v31;
	v12 =	vadd.f32 v12, v23;
	v26 =	vld [tilespmem:s24+$0x107D0];
	(erf) = vpow2.f32 v18;
	v18 =	vpop (erf)  }
0x3ae: {  	v29 =	vld [tilespmem:s24+$0x10580];
	v17 =	vmul.f32 $1.442695020e+00, v17;
	(erf) = vpow2.f32 v24;
	v24 =	vadd.f32 v10, v30;
	v13 =	vpop (erf)  }
0x3af: {  	v14 =	vmul.f32 $1.442695020e+00, v22;
	v19 =	vadd.f32 v18, v19;
	v30 =	vld [tilespmem:s24+$0x10590];
	(erf) = vpow2.f32 v15;
	v10 =	vpop (erf)  }
0x3b0: {  	v15 =	vmul.f32 $1.442695020e+00, v32;
	v31 =	vld [tilespmem:s24+$0x105C0];
	(erf) = vpow2.f32 v27;
	v10 =	vadd.f32 v10, v16;
	v32 =	vpop (erf)  }
.Ltmp9:
0x3b1: {  	v35 =	vadd.f32 v3, v12;
	v16 =	vmul.f32 $1.442695020e+00, v25;
	v27 =	vld [tilespmem:s24+$0x107B0];
	(erf) = vpow2.f32 v8;
	v3 =	vpop (erf);
	(pc) =	sbr.rel @p1 .LBB2_17-.Ltmp9, $4  }
0x3b2: {  	v23 =	vld [tilespmem:s24+$0x10780];
	v18 =	vmul.f32 $1.442695020e+00, v26;
	(erf) = vpow2.f32 v33;
	v33 =	vadd.f32 v21, v19;
	v26 =	vpop (erf)  }
0x3b3: {  	v8 =	vmul.f32 $1.442695020e+00, v29;
	v19 =	vld [tilespmem:s24+$0x107E0];
	v22 =	vpop (erf);
	(erf) = vpow2.f32 v28;
	v29 =	vadd.f32 v20, v24  }
0x3b4: {  	v20 =	vld [tilespmem:s24+$0x10790];
	(erf) = vpow2.f32 v7;
	v7 =	vmul.f32 $1.442695020e+00, v30;
	v12 =	vpop (erf);
	v28 =	vadd.f32 v32, v33  }
0x3b5: {  	v26 =	vadd.f32 v26, v35;
	v24 =	vmul.f32 $1.442695020e+00, v31;
	v25 =	vld [tilespmem:s24+$0x107C0];
	v21 =	vpop (erf);
	(erf) = vpow2.f32 v34  }
0x3b6: {  	v30 =	vpop (erf);
	(erf) = vpow2.f32 v11  }
0x3b7: {  	v62 =	vpop (erf);
	(erf) = vpow2.f32 v9  }
0x3b8: {  	(erf) = vpow2.f32 v17;
	v63 =	vpop (erf)  }
0x3b9: {  	v32 =	vpop (erf);
	(erf) = vpow2.f32 v4  }
0x3ba: {  	(erf) = vpow2.f32 v14;
	v33 =	vpop (erf)  }
0x3bb: {  	(erf) = vpow2.f32 v15;
	v34 =	vpop (erf)  }
0x3bc: {  	(erf) = vpow2.f32 v16;
	v35 =	vpop (erf)  }
0x3bd: {  	v6 =	vmul.f32 $1.442695020e+00, v6;
	(erf) = vpow2.f32 v18;
	v36 =	vpop (erf)  }
0x3be: {  	v37 =	vmul.f32 $1.442695020e+00, v27;
	(erf) = vpow2.f32 v24;
	v38 =	vpop (erf)  }
0x3bf: {  	(erf) = vpow2.f32 v6;
	v39 =	vpop (erf)  }
0x3c0: {  	v40 =	vld [tilespmem:s24+$0x107F0];
	v5 =	vmul.f32 $1.442695020e+00, v5;
	(erf) = vpow2.f32 v37;
	v41 =	vpop (erf)  }
0x3c1: {  	v23 =	vmul.f32 $1.442695020e+00, v23;
	(erf) = vpow2.f32 v8;
	v42 =	vpop (erf)  }
0x3c2: {  	(erf) = vpow2.f32 v5;
	v43 =	vpop (erf)  }
0x3c3: {  	v13 =	vadd.f32 v13, v29;
	v44 =	vpop (erf);
	(erf) = vpow2.f32 v23  }
0x3c4: {  	v2 =	vadd.f32 v2, v28;
	v45 =	vmul.f32 $1.442695020e+00, v25;
	(erf) = vpow2.f32 v7;
	v46 =	vpop (erf)  }
0x3c5: {  	v20 =	vmul.f32 $1.442695020e+00, v20;
	v47 =	vmul.f32 $1.442695020e+00, v40;
	v48 =	vpop (erf)  }
0x3c6: {  	v4 =	vadd.f32 v33, v13;
	v2 =	vadd.f32 v36, v2;
	(erf) = vpow2.f32 v45;
	v49 =	vpop (erf)  }
0x3c7: {  	v9 =	vadd.f32 v63, v26;
	(erf) = vpow2.f32 v47;
	v50 =	vpop (erf)  }
0x3c8: {  	v4 =	vadd.f32 v62, v4;
	v2 =	vadd.f32 v34, v2;
	(erf) = vpow2.f32 v20;
	v51 =	vpop (erf)  }
0x3c9: {  	v10 =	vadd.f32 v22, v10;
	v9 =	vadd.f32 v12, v9;
	v52 =	vpop (erf)  }
0x3ca: {  	v53 =	vmul.f32 $1.442695020e+00, v19;
	v4 =	vadd.f32 v35, v4;
	v2 =	vadd.f32 v41, v2;
	v54 =	vpop (erf)  }
0x3cb: {  	v10 =	vadd.f32 v21, v10;
	v3 =	vadd.f32 v3, v9;
	v55 =	vpop (erf)  }
0x3cc: {  	v4 =	vadd.f32 v38, v4;
	v2 =	vadd.f32 v30, v2;
	(erf) = vpow2.f32 v53;
	v56 =	vpop (erf)  }
0x3cd: {  	v10 =	vadd.f32 v32, v10;
	v3 =	vadd.f32 v43, v3;
	v57 =	vpop (erf)  }
0x3ce: {  	v4 =	vadd.f32 v54, v4;
	v2 =	vadd.f32 v57, v2  }
0x3cf: {  	v58 =	vadd.f32 v39, v10;
	v3 =	vadd.f32 v51, v3;
	v59 =	vpop (erf)  }
0x3d0: {  	v4 =	vadd.f32 v50, v4;
	v60 =	vpop (erf);
	v2 =	vadd.f32 v55, v2  }
0x3d1: {  	v5 =	vadd.f32 v44, v58;
	v3 =	vadd.f32 v46, v3;
	v61 =	vpop (erf)  }
0x3d2: {  	v4 =	vadd.f32 v56, v4;
	v2 =	vadd.f32 v61, v2  }
0x3d3: {  	v5 =	vadd.f32 v48, v5;
	v3 =	vadd.f32 v42, v3  }
0x3d4: {  	v4 =	vadd.f32 v59, v4;
	v2 =	vadd.f32 v49, v2  }
0x3d5: {  	v5 =	vadd.f32 v52, v5;
	v62 =	vpop (erf)  }
0x3d6: {  	v3 =	vadd.f32 v62, v3;
	v2 =	vadd.f32 v2, v4;
	_ =	sdelay $0x1  }
0x3d7: {  	v63 =	vadd.f32 v60, v5;
	v2 =	vadd.f32 v3, v2;
	_ =	sdelay $0x1  }
0x3d8: {  	v2 =	vadd.f32 v63, v2  }
.Ltmp10:
0x3d9: {  	_ = 	snop;
	(pc) =	sbr.rel @p0 .LBB2_20-.Ltmp10, $4  }
0x3da: {  	[tilespmem:s7+$0x680] =	vst v2  }
0x3db: {  	_ =	swait.ge [sflag:s5], $0x8000  }
0x3dc: {  	[sflag:s5] =	ssyncset.done $0x0  }
0x3dd: {  	[sflag:s5] =	ssyncadd.s32 $0xFFFF8000  }
0x3de: {  	s1 =	sshrl.u32 s23, $0x2  }
0x3df: {  	v2 =	vld.msk [tilespmem:s1+$0x18], $0xf;
	_ =	sdelay $0x4  }
0x3e0: {  	v3 =	vshll.u32 v2, $0x6  }
0x3e1: {  	v2 =	vand.u32 $0x7, v2;
	v3 =	vand.u32 $0xFFFFFE00, v3  }
0x3e2: {  	v2 =	vor.u32 v2, v3  }
0x3e3: {  	v2 =	vperm.xlane v2, v0;
	_ =	sdelay $0x1  }
0x3e4: {  	v2 =	vadd.s32 v1, v2;
	_ =	sdelay $0x4  }
0x3e5: {  	[tilespmem:s31], [sflag:$0x2] =	stream.indirect_vreg.gather [hbm4b:s2+s4], $0x80, v2, vm0, $0xb8;
	[tilespmem:$0x18400] =	vst v63  }
0x3e6: {  	s22 =	simm.s32 $0x10C00  }
0x3e7: {  	[tilespmem:s22], [sflag:$0x2] =	stream.indirect_vreg.gather [hbm4b:s8+s4], $0x80, v2, vm0, $0xb8;
	[tilespmem:$0x18400] =	vst v63  }
0x3e8: {  	s23 =	simm.s32 $0x11400  }
0x3e9: {  	[tilespmem:s23], [sflag:$0x2] =	stream.indirect_vreg.gather [hbm4b:s9+s4], $0x80, v2, vm0, $0xb8;
	[tilespmem:$0x18400] =	vst v63  }
0x3ea: {  	s24 =	simm.s32 $0x11C00  }
0x3eb: {  	[tilespmem:s24], [sflag:$0x2] =	stream.indirect_vreg.gather [hbm4b:s10+s4], $0x80, v2, vm0, $0xb8;
	[tilespmem:$0x18400] =	vst v63  }
0x3ec: {  	s7 =	simm.s32 $0x12400  }
0x3ed: {  	[tilespmem:s7], [sflag:$0x2] =	stream.indirect_vreg.gather [hbm4b:s11+s4], $0x80, v2, vm0, $0xb8;
	[tilespmem:$0x18400] =	vst v63  }
0x3ee: {  	s22 =	simm.s32 $0x12C00  }
0x3ef: {  	[tilespmem:s22], [sflag:$0x2] =	stream.indirect_vreg.gather [hbm4b:s12+s4], $0x80, v2, vm0, $0xb8;
	[tilespmem:$0x18400] =	vst v63  }
0x3f0: {  	s23 =	simm.s32 $0x13400  }
0x3f1: {  	[tilespmem:s23], [sflag:$0x2] =	stream.indirect_vreg.gather [hbm4b:s13+s4], $0x80, v2, vm0, $0xb8;
	[tilespmem:$0x18400] =	vst v63  }
0x3f2: {  	s24 =	simm.s32 $0x13C00  }
0x3f3: {  	[tilespmem:s24], [sflag:$0x2] =	stream.indirect_vreg.gather [hbm4b:s14+s4], $0x80, v2, vm0, $0xb8;
	[tilespmem:$0x18400] =	vst v63  }
0x3f4: {  	s7 =	simm.s32 $0x14400  }
0x3f5: {  	[tilespmem:s7], [sflag:$0x2] =	stream.indirect_vreg.gather [hbm4b:s15+s4], $0x80, v2, vm0, $0xb8;
	[tilespmem:$0x18400] =	vst v63  }
0x3f6: {  	s22 =	simm.s32 $0x14C00  }
0x3f7: {  	[tilespmem:s22], [sflag:$0x2] =	stream.indirect_vreg.gather [hbm4b:s16+s4], $0x80, v2, vm0, $0xb8;
	[tilespmem:$0x18400] =	vst v63  }
0x3f8: {  	s23 =	simm.s32 $0x15400  }
0x3f9: {  	[tilespmem:s23], [sflag:$0x2] =	stream.indirect_vreg.gather [hbm4b:s17+s4], $0x80, v2, vm0, $0xb8;
	[tilespmem:$0x18400] =	vst v63  }
0x3fa: {  	s24 =	simm.s32 $0x15C00  }
0x3fb: {  	[tilespmem:s24], [sflag:$0x2] =	stream.indirect_vreg.gather [hbm4b:s18+s4], $0x80, v2, vm0, $0xb8;
	[tilespmem:$0x18400] =	vst v63  }
0x3fc: {  	s7 =	simm.s32 $0x16400  }
0x3fd: {  	[tilespmem:s7], [sflag:$0x2] =	stream.indirect_vreg.gather [hbm4b:s19+s4], $0x80, v2, vm0, $0xb8;
	[tilespmem:$0x18400] =	vst v63  }
0x3fe: {  	s22 =	simm.s32 $0x16C00  }
0x3ff: {  	[tilespmem:s22], [sflag:$0x2] =	stream.indirect_vreg.gather [hbm4b:s20+s4], $0x80, v2, vm0, $0xb8;
	[tilespmem:$0x18400] =	vst v63  }
.Ltmp11:
0x400: {  	_ = 	snop;
	(pc) =	sbr.rel .LBB2_2-.Ltmp11, $4  }
0x401: {  	s23 =	simm.s32 $0x17400  }
0x402: {  	[tilespmem:s23], [sflag:$0x2] =	stream.indirect_vreg.gather [hbm4b:s21+s4], $0x80, v2, vm0, $0xb8;
	[tilespmem:$0x18400] =	vst v63  }
0x403: {  	s6 =	sadd.s32 $0x1, s6;
	s24 =	simm.s32 $0x17C00  }
0x404: {  	[tilespmem:s24], [sflag:$0x2] =	stream.indirect_vreg.gather [hbm4b:s26+s4], $0x80, v2, vm0, $0xb8;
	[tilespmem:$0x18400] =	vst v63  }
.LBB2_21:
0x405: {  	_ =	sfence.sel $0x180000  }
0x406: {  	[bflag:$0x0] =	sbarrier.arrive $0xFFFF  }
0x407: {  	_ =	strace $0x9000004A  }
0x408: {  	s0 =	stileid.u32;
	[bflag:$0x2] =	sbarrier.arrive $0xFFFF  }
0x409: {  	p0 =	sne.s32 s0, $0x0;
	s0 =	rddreg [dreg:$0x3]  }
0x40a: {  	s0 =	sadd.s32 @!p0 $0x100000, s0  }
0x40b: {  	[sflag:s0] =	ssyncadd.tile.s32 @!p0 $0x1;
	_ =	shalt  }
.Lfunc_end2:
_tile_overlayer_lowered:
.L_overlay_start_2:
0x40c: {  	(tag) =	ssettag $0x2  }
0x40d: {  	s0 =	rddreg [dreg:$0x0];
	s2 =	stileid.u32  }
0x40e: {  	s1 =	rddreg [dreg:$0x1];
	p0 =	sne.s32 s2, $0x0  }
0x40f: {  	s3 =	rddreg [dreg:$0x2];
	[bflag:$0x3] =	sbarrier.arrive $0xFFFF;
	s2 =	simm.s32 @!p0 $0x1C06  }
0x410: {  	[timem:s3], [sflag:s2] =	dma.local @!p0 [hbm:s0], s1  }
0x411: {  	s0 =	simm.s32 @!p0 $0x6  }
0x412: {  	_ =	swait.ge @!p0 [sflag:s0], s1  }
0x413: {  	s1 =	ssub.s32 @!p0 $0x0, s1;
	[sflag:s0] =	ssyncset.done @!p0 $0x0  }
0x414: {  	[sflag:s0] =	ssyncadd.s32 @!p0 s1  }
0x415: {  	[bflag:$0x3] =	sbarrier.arrive $0xFFFF  }
0x416: {  	_ =	shalt  }

// kernel: sparse-core-data-format-call.cloned.1.call-start
scs
called_computation_lowered:
.L_overlay_start_0:
0x0: {  	s2 =	sld [smem:$0x3FD9]  }
0x1: {  	s3 =	sld [smem:$0x3FFE];
	_ =	sdelay $0x1  }
0x2: {  	s1 =	srdreg.scid  }
0x3: {  	s0 =	sand.u32 $0x1, s1  }
0x4: {  	s18 =	sshll.u32 s0, $0xA;
	s2 =	sadd.s32 s3, s2  }
0x5: {  	s2 =	sadd.s32 s2, s18  }
0x6: {  	[smem:$0x3FC5] =	sst s2  }
0x7: {  	_ = 	snop  }
0x8: {  	s2 =	sld [smem:$0x3FC7];
	(tm) =	ssettm $0x1  }
0x9: {  	s19 =	sld [smem:$0x3FFB];
	_ =	sdelay $0x3  }
0xa: {  	_ =	strace s19  }
0xb: {  	s3 =	sld [smem:$0x3FFC];
	_ =	sdelay $0x3  }
0xc: {  	_ =	strace s3  }
0xd: {  	s3 =	sld [smem:$0x3FFD];
	_ =	sdelay $0x3  }
0xe: {  	_ =	strace s3  }
0xf: {  	_ =	strace $0x8FFFFFFF  }
0x10: {  	s20 =	sld [smem:$0x3FDB];
	_ =	sdelay $0x1  }
0x11: {  	s4 =	simm.s32 $_scs_section_size  }
0x12: {  	s5 =	simm.s32 $_size__tile_overlayer_lowered;
	s6 =	simm.s32 $_tile_overlayer_lowered  }
0x13: {  	s23 =	simm.s32 $0x1BFF;
	s22 =	sshll.u32 s6, $0x1;
	s3 =	sadd.s32 s4, s20  }
0x14: {  	s7 =	simm.s32 $0x0;
	s21 =	sshll.u32 s5, $0x1;
	s5 =	sadd.s32 s22, s3  }
0x15: {  	[timem:s7], [sflag:s23] =	dma.local [hbm:s5], s21  }
0x16: {  	_ =	swait.ge [sflag:s23], s21  }
0x17: {  	s4 =	ssub.s32 $0x0, s21;
	[sflag:s23] =	ssyncset.done $0x0  }
0x18: {  	[sflag:s23] =	ssyncadd.s32 s4;
	_ =	sdelay $0x1  }
0x19: {  	s24 =	simm.s32 $0x1B8B  }
0x1a: {  	_ =	swait.ge [sflag:s24], $0x1  }
0x1b: {  	[sflag:s24] =	ssyncset.done $0x0  }
0x1c: {  	s26 =	simm.s32 $0x1B8E;
	s25 =	sld [smem:$0x3FFE];
	[sflag:s24] =	ssyncadd.s32 $0xFFFFFFFF  }
0x1d: {  	s27 =	simm.s32 $execute0_lowered;
	[smem:$0x3FD2] =	sst s26  }
0x1e: {  	s5 =	sshll.u32 s27, $0x1;
	_ =	strace $0x80000046;
	[dreg:$0x1] =	wrdreg $0xFFFFFFFF  }
0x1f: {  	s28 =	simm.s32 $_size_execute0_lowered;
	s3 =	sadd.s32 s3, s5;
	[dreg:$0x0] =	wrdreg $0x0  }
0x20: {  	s5 =	sshll.u32 s28, $0x1;
	[dreg:$0x2] =	wrdreg s3  }
0x21: {  	[dreg:$0x3] =	wrdreg s5  }
0x22: {  	[dreg:$0x4] =	wrdreg $0xC0  }
0x23: {  	_ =	task [dreg:s7], $0x5FFFF  }
0x24: {  	[dreg:$0x1] =	wrdreg $0xFFFFFFFF  }
0x25: {  	[dreg:$0x0] =	wrdreg $0x60  }
0x26: {  	[dreg:$0x2] =	wrdreg s2  }
0x27: {  	[dreg:$0x3] =	wrdreg s25  }
0x28: {  	[dreg:$0x4] =	wrdreg $0x9  }
0x29: {  	_ =	task.clear_ibuf [dreg:s7], $0x5FFFF;
	_ =	strace $0x90000046  }
0x2a: {  	s29 =	simm.s32 $0x9;
	_ =	strace $0x80000048  }
0x2b: {  	_ =	swait.ge [sflag:s29], $0x1  }
0x2c: {  	[sflag:s29] =	ssyncadd.s32 $0xFFFFFFFF  }
0x2d: {  	_ =	strace $0x90000048  }
0x2e: {  	_ =	sfence  }
0x2f: {  	s30 =	sld [smem:$0x0];
	_ =	sdelay $0x2  }
0x30: {  	s31 =	sshll.u32 s1, $0xD;
	s1 =	sshrl.u32 s1, $0x2  }
0x31: {  	s3 =	sand.u32 $0x4000, s31;
	s1 =	sadd.s32 s1, s30  }
0x32: {  	s0 =	sor.u32 s3, s0;
	s1 =	sshll.u32 s1, $0x11  }
0x33: {  	s0 =	sor.u32 s1, s0  }
0x34: {  	s0 =	sadd.s32 $0x8F2B, s0  }
0x35: {  	[sflag:s0] =	ssyncadd.remote.s32 $0x1  }
0x36: {  	_ =	sfence.sel $0xFFFF  }
0x37: {  	[dreg:$0x0] =	wrdreg $0xFFFFFFFF;
	(pc) =	sbr.abs _section_cstart, $3  }
0x38: {  	[dreg:$0x1] =	wrdreg $0xFFFFFFFF  }
0x39: {  	_ =	task.clear_ibuf [dreg:s7], $0x2FFFF;
	_ =	strace $0x9FFFFFFF  }
0x3a: {  	(tm) =	ssettm $0x7FFFFFFF  }
0x3b: {  	_ =	shalt  }
tec
execute0_lowered:
.L_overlay_start_1:
0x0: {  	(tag) =	ssettag $0x1  }
0x1: {  	s2 =	rddreg [dreg:$0x0]  }
0x2: {  	s1 =	rddreg [dreg:$0x1]  }
0x3: {  	s0 =	rddreg [dreg:$0x2];
	_ =	strace $0x80000047;
	s4 =	srdreg.scid  }
0x4: {  	s6 =	simm.s32 $0x2;
	s11 =	simm.s32 $0x0;
	p0 =	por $0x0, $0x0  }
.Ltmp0:
0x5: {  	s7 =	simm.s32 $0x2000;
	s12 =	simm.s32 $0x0;
	(pc) =	sbr.rel .LBB1_1-.Ltmp0, $4  }
0x6: {  	s9 =	simm.s32 $0x0;
	s3 =	sadd.s32 $0x1200, s1;
	s5 =	sshll.u32 s4, $0x4  }
0x7: {  	s1 =	stileid.u32;
	s4 =	simm.s32 $0x1;
	s5 =	sand.u32 $0x10, s5  }
0x8: {  	s8 =	simm.s32 $0x0;
	[sflag:s4] =	ssyncpa.u1 $0x0;
	s5 =	sor.u32 s1, s5  }
0x9: {  	[sflag:s6] =	ssyncpa.u1 $0x0;
	s6 =	simm.s32 $0x800;
	s10 =	smov.u32 s5  }
.LBB1_7:
0xa: {  	s13 =	sadd.s32 $0x10, s9  }
0xb: {  	s11 =	sadd.s32 $0x20, s10;
	s15 =	smov.u32 s10;
	p2 =	sgt.s32 s13, $0x3F  }
0xc: {  	p1 =	slt.u32 s8, $0x2;
	s15 =	smov.u32 @p2 s11  }
0xd: {  	s8 =	sadd.s32 $0x1, s8;
	s13 =	simm.s32 @p2 $0x0;
	p2 =	sgt.s32 s15, $0x3FF  }
0xe: {  	s15 =	smov.u32 @p2 s5;
	p2 =	sne.s32 s8, $0x82  }
.Ltmp1:
0xf: {  	_ = 	snop;
	(pc) =	sbr.rel @!p2 .LBB1_8-.Ltmp1, $4  }
0x10: {  	s14 =	simm.s32 @!p1 $0x2  }
0x11: {  	s12 =	smov.u32 s10;
	_ =	swait.ge @!p1 [sflag:s14], $0x4000  }
0x12: {  	p0 =	por !p0, !p0;
	s11 =	smov.u32 s9;
	[sflag:s14] =	ssyncset.done @!p1 $0x0  }
0x13: {  	s9 =	smov.u32 s13;
	[sflag:s14] =	ssyncadd.s32 @!p1 $0xFFFFC000;
	s10 =	smov.u32 s15  }
.LBB1_1:
0x14: {  	p1 =	sgt.u32 s8, $0x7F  }
0x15: {  	s13 =	sxor.u32 @!p1 $0xFFFFFFFF, s8;
	s14 =	sshll.u32 @!p1 s10, $0xD  }
0x16: {  	s15 =	sshll.u32 @!p1 s9, $0x7;
	s13 =	sshll.u32 @!p1 s13, $0xE;
	s14 =	sadd.s32 @!p1 s2, s14  }
0x17: {  	s13 =	sand.u32 @!p1 $0x4000, s13;
	s14 =	sadd.s32 @!p1 s15, s14;
	s15 =	simm.s32 @!p1 $0x0  }
0x18: {  	[tilespmem:s13], [sflag:$0x1] =	stream.linear.gather @!p1 [hbm4b:s14+s15], $0x4000, $0x38;
	[tilespmem:$0x10000] =	vst v63  }
0x19: {  	p1 =	seq.s32 s8, $0x0  }
0x1a: {  	p2 =	seq.s32 @!p1 s8, $0x81  }
0x1b: {  	p1 =	por p1, p2  }
.Ltmp2:
0x1c: {  	_ = 	snop;
	(pc) =	sbr.rel @p1 .LBB1_7-.Ltmp2, $1  }
0x1d: {  	_ =	sdelay $0x3  }
0x1e: {  	s13 =	simm.s32 $0x1;
	_ =	swait.ge [sflag:s4], $0x4000;
	s16 =	sshll.u32 s8, $0xE  }
0x1f: {  	s13 =	simm.s32 @!p0 $0x0;
	[sflag:s4] =	ssyncset.done $0x0;
	s31 =	sand.u32 $0x4000, s16  }
0x20: {  	s16 =	simm.s32 $0x0;
	s14 =	sshll.u32 s13, $0xE;
	[sflag:s4] =	ssyncadd.s32 $0xFFFFC000  }
0x21: {  	s13 =	sor.u32 $0x8040, s14;
	s15 =	sor.u32 $0x40, s14;
	s14 =	sor.u32 $0x8000, s31  }
.LBB1_3:
0x22: {  	v0 =	vmov s15;
	_ =	sdelay $0x3  }
0x23: {  	s18 =	simm.s32 $0x0  }
0x24: {  	v6 =	vld.idx.msk [tilespmem:v0+s18+$0x30 ss:$0x1], $0xffff  }
0x25: {  	v7 =	vld.idx.msk [tilespmem:v0+s18+$0xFFFFFFC0 ss:$0x1], $0xffff  }
0x26: {  	v5 =	vld.idx.msk [tilespmem:v0+s18+$0xFFFFFFD0 ss:$0x1], $0xffff  }
0x27: {  	v4 =	vld.idx.msk [tilespmem:v0+s18+$0xFFFFFFE0 ss:$0x1], $0xffff  }
0x28: {  	v3 =	vld.idx.msk [tilespmem:v0+s18+$0xFFFFFFF0 ss:$0x1], $0xffff  }
0x29: {  	v1 =	vld.idx.msk [tilespmem:v0+s18+$0x0 ss:$0x1], $0xffff  }
0x2a: {  	v2 =	vld.idx.msk [tilespmem:v0+s18+$0x10 ss:$0x1], $0xffff;
	[tilespmem:s13+$0x30] =	vst v6  }
0x2b: {  	s17 =	simm.s32 $0x80;
	s19 =	simm.s32 $0x400;
	[tilespmem:s13+$0xFFFFFFC0] =	vst v7;
	v6 =	vld.idx.msk [tilespmem:v0+s18+$0x20 ss:$0x1], $0xffff;
	s18 =	smov.u32 s13  }
.LBB1_4:
0x2c: {  	p1 =	sne.s32 s19, $0xE00;
	v7 =	vld.idx.msk [tilespmem:v0+s17+$0x30 ss:$0x1], $0xffff;
	[tilespmem:s18+$0xFFFFFFD0] =	vst v5  }
0x2d: {  	v8 =	vld.idx.msk [tilespmem:v0+s17+$0xFFFFFFC0 ss:$0x1], $0xffff;
	[tilespmem:s18+$0xFFFFFFE0] =	vst v4  }
0x2e: {  	v5 =	vld.idx.msk [tilespmem:v0+s17+$0xFFFFFFD0 ss:$0x1], $0xffff;
	[tilespmem:s18+$0xFFFFFFF0] =	vst v3  }
.Ltmp3:
0x2f: {  	v4 =	vld.idx.msk [tilespmem:v0+s17+$0xFFFFFFE0 ss:$0x1], $0xffff;
	[tilespmem:s18+$0x0] =	vst v1;
	(pc) =	sbr.rel @p1 .LBB1_4-.Ltmp3, $4  }
0x30: {  	v3 =	vld.idx.msk [tilespmem:v0+s17+$0xFFFFFFF0 ss:$0x1], $0xffff;
	[tilespmem:s18+$0x10] =	vst v2  }
0x31: {  	v1 =	vld.idx.msk [tilespmem:v0+s17+$0x0 ss:$0x1], $0xffff;
	[tilespmem:s18+$0x20] =	vst v6;
	s18 =	sadd.s32 $0x800, s18  }
0x32: {  	v2 =	vld.idx.msk [tilespmem:v0+s17+$0x10 ss:$0x1], $0xffff;
	[tilespmem:s18+$0x30] =	vst v7  }
0x33: {  	[tilespmem:s18+$0xFFFFFFC0] =	vst v8;
	v6 =	vld.idx.msk [tilespmem:v0+s17+$0x20 ss:$0x1], $0xffff;
	s17 =	sshra.s32 s19, $0x2;
	s19 =	sadd.s32 $0x200, s19  }
0x34: {  	_ =	sdelay $0x2  }
0x35: {  	[tilespmem:s18+$0xFFFFFFD0] =	vst v5  }
0x36: {  	v56 =	vld.idx.msk [tilespmem:v0+s17+$0x30 ss:$0x1], $0xffff;
	[tilespmem:s18+$0xFFFFFFE0] =	vst v4  }
0x37: {  	v57 =	vld.idx.msk [tilespmem:v0+s17+$0xFFFFFFC0 ss:$0x1], $0xffff;
	[tilespmem:s18+$0xFFFFFFF0] =	vst v3  }
0x38: {  	v58 =	vld.idx.msk [tilespmem:v0+s17+$0xFFFFFFD0 ss:$0x1], $0xffff;
	[tilespmem:s18+$0x0] =	vst v1  }
0x39: {  	v59 =	vld.idx.msk [tilespmem:v0+s17+$0xFFFFFFE0 ss:$0x1], $0xffff;
	[tilespmem:s18+$0x10] =	vst v2  }
0x3a: {  	v60 =	vld.idx.msk [tilespmem:v0+s17+$0xFFFFFFF0 ss:$0x1], $0xffff;
	s31 =	sadd.s32 $0x800, s18;
	[tilespmem:s18+$0x20] =	vst v6  }
0x3b: {  	v61 =	vld.idx.msk [tilespmem:v0+s17+$0x0 ss:$0x1], $0xffff;
	[tilespmem:s31+$0x30] =	vst v56  }
0x3c: {  	v62 =	vld.idx.msk [tilespmem:v0+s17+$0x10 ss:$0x1], $0xffff;
	s16 =	sadd.s32 $0x1, s16;
	[tilespmem:s31+$0xFFFFFFC0] =	vst v57  }
0x3d: {  	v63 =	vld.idx.msk [tilespmem:v0+s17+$0x20 ss:$0x1], $0xffff;
	p1 =	sne.s32 s16, $0x10;
	[tilespmem:s31+$0xFFFFFFD0] =	vst v58  }
.Ltmp4:
0x3e: {  	[tilespmem:s31+$0xFFFFFFE0] =	vst v59;
	(pc) =	sbr.rel @p1 .LBB1_3-.Ltmp4, $4  }
0x3f: {  	[tilespmem:s31+$0xFFFFFFF0] =	vst v60  }
0x40: {  	[tilespmem:s31+$0x0] =	vst v61  }
0x41: {  	[tilespmem:s31+$0x10] =	vst v62  }
0x42: {  	s13 =	sadd.s32 $0x80, s13;
	s15 =	sadd.s32 $0x400, s15;
	[tilespmem:s31+$0x20] =	vst v63  }
.Ltmp5:
0x43: {  	(pc) =	sbr.rel .LBB1_7-.Ltmp5, $4  }
0x44: {  	s12 =	sshll.u32 s12, $0xD;
	s11 =	sshll.u32 s11, $0x4  }
0x45: {  	s11 =	sand.u32 $0x3F0, s11;
	s12 =	sadd.s32 s3, s12  }
0x46: {  	s11 =	sadd.s32 s11, s12  }
0x47: {  	[hbm4b:s11+s6] =	stream.strided.scatter [tilespmem:s14], [sflag:$0x2], $0x4000, s7, s6, $0x38;
	[tilespmem:$0x10000] =	vst v63  }
.LBB1_8:
0x48: {  	_ =	sfence.sel $0x180000  }
0x49: {  	s2 =	simm.s32 $0x1;
	[bflag:$0x0] =	sbarrier.arrive $0xFFFF  }
0x4a: {  	s31 =	simm.s32 $0x2;
	[sflag:s2] =	ssyncpa.u1 $0x1  }
0x4b: {  	[sflag:s31] =	ssyncpa.u1 $0x1  }
0x4c: {  	p0 =	sne.s32 s1, $0x0;
	_ =	strace $0x90000047  }
0x4d: {  	s0 =	sadd.s32 @!p0 $0x100000, s0;
	[bflag:$0x2] =	sbarrier.arrive $0xFFFF  }
0x4e: {  	[sflag:s0] =	ssyncadd.tile.s32 @!p0 $0x1;
	_ =	shalt  }
.Lfunc_end1:
_tile_overlayer_lowered:
.L_overlay_start_2:
0x4f: {  	(tag) =	ssettag $0x2  }
0x50: {  	s0 =	rddreg [dreg:$0x0];
	s2 =	stileid.u32  }
0x51: {  	s1 =	rddreg [dreg:$0x1];
	p0 =	sne.s32 s2, $0x0  }
0x52: {  	s3 =	rddreg [dreg:$0x2];
	[bflag:$0x3] =	sbarrier.arrive $0xFFFF;
	s2 =	simm.s32 @!p0 $0x1C01  }
0x53: {  	[timem:s3], [sflag:s2] =	dma.local @!p0 [hbm:s0], s1  }
0x54: {  	s0 =	simm.s32 @!p0 $0x1  }
0x55: {  	_ =	swait.ge @!p0 [sflag:s0], s1  }
0x56: {  	s1 =	ssub.s32 @!p0 $0x0, s1;
	[sflag:s0] =	ssyncset.done @!p0 $0x0  }
0x57: {  	[sflag:s0] =	ssyncadd.s32 @!p0 s1  }
0x58: {  	[bflag:$0x3] =	sbarrier.arrive $0xFFFF  }
0x59: {  	_ =	shalt  }

</sc_bundles>
